<compile_context>
chip_gen: v7x
topology: tpu7x:2x2x1
jax: 0.10.2.dev20260603
libtpu: 0.0.44.dev20260713+nightly
codegen_flags: <defaults>
</compile_context>

<pallas_src>
import functools

import jax
import jax.numpy as jnp
from jax import lax
from jax.experimental import pallas as pl
from jax.experimental.pallas import tpu as pltpu
from jax.experimental.pallas import tpu_sc as plsc

N_IN = 163842
D = 512
NUM_NODES = (N_IN + 6) // 4

NB = 8
NBUF = 2
RPB = NB * 7
NC = 2
NS = 16
NW = NC * NS
NBW = 162
NBLK = NW * NBW
NPAD = NBLK * NB
IDX_W = NBW * RPB
IDX_FETCH = (NBW + NBUF) * RPB
IDX_PAD = (NW - 1) * IDX_W + IDX_FETCH


@functools.partial(
    pl.kernel,
    mesh=plsc.VectorSubcoreMesh(core_axis_name="c", subcore_axis_name="s"),
    compiler_params=pltpu.CompilerParams(needs_layout_passes=False),
    out_type=jax.ShapeDtypeStruct((NPAD * D,), jnp.float32),
    scratch_types=[
        pltpu.VMEM((IDX_FETCH,), jnp.int32),
        pltpu.VMEM((RPB, D), jnp.float32),
        pltpu.VMEM((RPB, D), jnp.float32),
        pltpu.VMEM((NB * D,), jnp.float32),
        pltpu.VMEM((NB * D,), jnp.float32),
        pltpu.SemaphoreType.DMA,
        pltpu.SemaphoreType.DMA,
        pltpu.SemaphoreType.DMA,
        pltpu.SemaphoreType.DMA,
    ],
)
def _pool_sc(x_hbm, idx_hbm, out_hbm, idx_v, rows0, rows1,
             o0, o1, rs0, rs1, os0, os1):
    rows = [rows0, rows1]
    outs = [o0, o1]
    rsems = [rs0, rs1]
    osems = [os0, os1]
    wid = lax.axis_index("s") * NC + lax.axis_index("c")
    iota7 = lax.iota(jnp.int32, 16) * 7
    bases = [iota7 + n * (7 * D) for n in range(NB)]

    pltpu.sync_copy(idx_hbm.at[pl.ds(wid * IDX_W, IDX_FETCH)], idx_v)

    def gather_rows(blk, buf, sem):
        pltpu.async_copy(
            x_hbm.at[idx_v.at[pl.ds(blk * RPB, RPB)]], buf, sem)

    def wait_rows(blk, buf, sem):
        pltpu.make_async_copy(
            x_hbm.at[idx_v.at[pl.ds(blk * RPB, RPB)]], buf, sem
        ).wait()

    def pool_block(buf, out_v):
        @plsc.parallel_loop(0, 32, unroll=2)
        def chunk(j):
            off = j * 112
            for n in range(NB):
                pv = bases[n] + off
                acc = plsc.load_gather(buf, [pv >> 9, pv & 511])
                for k in range(1, 7):
                    pk = pv + k
                    acc = acc + plsc.load_gather(buf, [pk >> 9, pk & 511])
                out_v[pl.ds(n * D + j * 16, 16)] = acc * (1.0 / 7.0)

    def out_ref(blk):
        g = wid * NBW + blk
        return out_hbm.at[pl.ds(g * (NB * D), NB * D)]

    def copy_out(blk, out_v, sem):
        pltpu.async_copy(out_v, out_ref(blk), sem)

    def wait_out(blk, out_v, sem):
        pltpu.make_async_copy(out_v, out_ref(blk), sem).wait()

    for s in range(NBUF):
        gather_rows(s, rows[s], rsems[s])

    def step(t, _):
        b0 = NBUF * t
        for s in range(NBUF):
            wait_rows(b0 + s, rows[s], rsems[s])
            pool_block(rows[s], outs[s])
            gather_rows(b0 + s + NBUF, rows[s], rsems[s])
            copy_out(b0 + s, outs[s], osems[s])
        for s in range(NBUF):
            wait_out(b0 + s, outs[s], osems[s])
        return 0

    lax.fori_loop(0, NBW // NBUF, step, 0)


def kernel(x, neigh_orders):
    idx = neigh_orders[: NUM_NODES * 7]
    idx = jnp.concatenate(
        [idx, jnp.zeros((IDX_PAD - NUM_NODES * 7,), jnp.int32)])
    out_flat = _pool_sc(x, idx)
    return out_flat.reshape(NPAD, D)[:NUM_NODES]

# --- scband reference (transcript-rebuilt; emitter-appended) ---
"""Pipeline reference for scband-pool-layer-22565758173780 (READ-ONLY COPY).

The authoritative reference and input builder live on the scoring server;
editing this copy changes nothing except your own understanding.
"""

import jax, jax.numpy as jnp
import numpy as np

N = 163842
D = 512
NUM_NODES = (N + 6) // 4  # 40962

def setup_inputs(seed: int = 0) -> dict:
    key = jax.random.key(seed)
    k1, k2 = jax.random.split(key)
    x = jax.random.normal(k1, (N, D), dtype=jnp.float32)
    neigh_orders = jax.random.randint(k2, (NUM_NODES * 7,), 0, N, dtype=jnp.int32)
    return {"x": x, "neigh_orders": neigh_orders}

def reference(x, neigh_orders):
    # Faithful translation of pool_layer.forward with pooling_type='mean'.
    num_nodes = (x.shape[0] + 6) // 4
    feat_num = x.shape[1]
    # gather rows: shape (num_nodes*7, feat_num), then row-major reinterpret
    # to (num_nodes, feat_num, 7) exactly like torch's .view()
    gathered = jnp.take(x, neigh_orders[: num_nodes * 7], axis=0)
    gathered = gathered.reshape(num_nodes, feat_num, 7)
    out = jnp.mean(gathered, axis=2)
    return out

if __name__ == "__main__":
    import jax
    _d = setup_inputs()
    print(jax.jit(kernel)(*tuple(_d.values())))

</pallas_src>

<mosaic_0001>
#map = affine_map<(d0, d1) -> (0, 0)>
#map1 = affine_map<(d0, d1) -> (0)>
module attributes {stable_mosaic.version = 14 : i64} {
  func.func @_pool_sc(%arg0: i32, %arg1: i32, %arg2: memref<163842x512xf32, #tpu.memory_space<hbm>>, %arg3: memref<290416xi32, #tpu.memory_space<hbm>>, %arg4: memref<21233664xf32, #tpu.memory_space<hbm>>, %arg5: memref<9184xi32, #tpu.memory_space<vmem>>, %arg6: memref<56x512xf32, #tpu.memory_space<vmem>>, %arg7: memref<56x512xf32, #tpu.memory_space<vmem>>, %arg8: memref<4096xf32, #tpu.memory_space<vmem>>, %arg9: memref<4096xf32, #tpu.memory_space<vmem>>, %arg10: memref<!tpu.dma_semaphore, #tpu.memory_space<semaphore_mem>>, %arg11: memref<!tpu.dma_semaphore, #tpu.memory_space<semaphore_mem>>, %arg12: memref<!tpu.dma_semaphore, #tpu.memory_space<semaphore_mem>>, %arg13: memref<!tpu.dma_semaphore, #tpu.memory_space<semaphore_mem>>) attributes {dimension_semantics = [#tpu.dimension_semantics<core_parallel>, #tpu.dimension_semantics<subcore_parallel>], iteration_bounds = array<i64: 2, 16>, scalar_prefetch = 0 : i64, scratch_operands = 9 : i64, tpu.core_type = #tpu.core_type<sc_vector_subcore>, window_params = [{transform_indices = #map}, {transform_indices = #map1}, {transform_indices = #map1}]} {
    %mul3A = arith.constant 2 : i32
    %mul3A_0 = arith.muli %arg1, %mul3A : i32
    %add3A = arith.addi %mul3A_0, %arg0 : i32
    %iota3A = tpu.iota {dimensions = array<i32: 0>} : vector<16xi32>
    %mul3A_1 = arith.constant 7 : i32
    %mul3A_2 = vector.broadcast %mul3A_1 : i32 to vector<16xi32>
    %mul3A_3 = arith.muli %iota3A, %mul3A_2 : vector<16xi32>
    %add3A_4 = arith.constant 0 : i32
    %add3A_5 = vector.broadcast %add3A_4 : i32 to vector<16xi32>
    %add3A_6 = arith.addi %mul3A_3, %add3A_5 : vector<16xi32>
    %add3A_7 = arith.constant 3584 : i32
    %add3A_8 = vector.broadcast %add3A_7 : i32 to vector<16xi32>
    %add3A_9 = arith.addi %mul3A_3, %add3A_8 : vector<16xi32>
    %add3A_10 = arith.constant 7168 : i32
    %add3A_11 = vector.broadcast %add3A_10 : i32 to vector<16xi32>
    %add3A_12 = arith.addi %mul3A_3, %add3A_11 : vector<16xi32>
    %add3A_13 = arith.constant 10752 : i32
    %add3A_14 = vector.broadcast %add3A_13 : i32 to vector<16xi32>
    %add3A_15 = arith.addi %mul3A_3, %add3A_14 : vector<16xi32>
    %add3A_16 = arith.constant 14336 : i32
    %add3A_17 = vector.broadcast %add3A_16 : i32 to vector<16xi32>
    %add3A_18 = arith.addi %mul3A_3, %add3A_17 : vector<16xi32>
    %add3A_19 = arith.constant 17920 : i32
    %add3A_20 = vector.broadcast %add3A_19 : i32 to vector<16xi32>
    %add3A_21 = arith.addi %mul3A_3, %add3A_20 : vector<16xi32>
    %add3A_22 = arith.constant 21504 : i32
    %add3A_23 = vector.broadcast %add3A_22 : i32 to vector<16xi32>
    %add3A_24 = arith.addi %mul3A_3, %add3A_23 : vector<16xi32>
    %add3A_25 = arith.constant 25088 : i32
    %add3A_26 = vector.broadcast %add3A_25 : i32 to vector<16xi32>
    %add3A_27 = arith.addi %mul3A_3, %add3A_26 : vector<16xi32>
    %mul3A_28 = arith.constant 9072 : i32
    %mul3A_29 = arith.muli %add3A, %mul3A_28 : i32
    "tpu.region"() ({
      %run_scoped3A = tpu.sem_alloc : memref<!tpu.dma_semaphore, #tpu.memory_space<semaphore_mem>>
      %dma_start3A_45 = tpu.memref_slice %arg3[%mul3A_29] : memref<290416xi32, #tpu.memory_space<hbm>> -> memref<9184xi32, #tpu.memory_space<hbm>>
      %dma_start3A_46 = tpu.memref_slice %arg3[%mul3A_29] : memref<290416xi32, #tpu.memory_space<hbm>> -> memref<9184xi32, #tpu.memory_space<hbm>>
      tpu.enqueue_dma source(%dma_start3A_46 : memref<9184xi32, #tpu.memory_space<hbm>>) target(%arg5 : memref<9184xi32, #tpu.memory_space<vmem>>) target_semaphore(%run_scoped3A : memref<!tpu.dma_semaphore, #tpu.memory_space<semaphore_mem>>)
      %dma_wait3A = tpu.memref_slice %arg3[%mul3A_29] : memref<290416xi32, #tpu.memory_space<hbm>> -> memref<9184xi32, #tpu.memory_space<hbm>>
      %dma_wait3A_47 = tpu.memref_slice %arg3[%mul3A_29] : memref<290416xi32, #tpu.memory_space<hbm>> -> memref<9184xi32, #tpu.memory_space<hbm>>
      tpu.wait_dma2 semaphore(%run_scoped3A : memref<!tpu.dma_semaphore, #tpu.memory_space<semaphore_mem>>) src(%dma_wait3A_47 : memref<9184xi32, #tpu.memory_space<hbm>>) dst(%arg5 : memref<9184xi32, #tpu.memory_space<vmem>>)
      tpu.yield
    }) : () -> ()
    %dma_start3A = arith.constant 0 : i32
    %dma_start3A_30 = tpu.memref_slice %arg5[%dma_start3A] : memref<9184xi32, #tpu.memory_space<vmem>> -> memref<56xi32, #tpu.memory_space<vmem>>
    %dma_start3A_31 = arith.constant 0 : i32
    %dma_start3A_32 = arith.constant 0 : i32
    %dma_start3A_33 = tpu.memref_slice %arg2[%dma_start3A_31, %dma_start3A_32] : memref<163842x512xf32, #tpu.memory_space<hbm>> -> memref<163842x512xf32, #tpu.memory_space<hbm>>
    tpu.enqueue_indirect_dma source(%dma_start3A_33 : memref<163842x512xf32, #tpu.memory_space<hbm>>) target(%arg6 : memref<56x512xf32, #tpu.memory_space<vmem>>) offsets(%dma_start3A_30 : memref<56xi32, #tpu.memory_space<vmem>>) semaphore(%arg10 : memref<!tpu.dma_semaphore, #tpu.memory_space<semaphore_mem>>)
    %dma_start3A_34 = arith.constant 56 : i32
    %dma_start3A_35 = tpu.memref_slice %arg5[%dma_start3A_34] : memref<9184xi32, #tpu.memory_space<vmem>> -> memref<56xi32, #tpu.memory_space<vmem>>
    %dma_start3A_36 = arith.constant 0 : i32
    %dma_start3A_37 = arith.constant 0 : i32
    %dma_start3A_38 = tpu.memref_slice %arg2[%dma_start3A_36, %dma_start3A_37] : memref<163842x512xf32, #tpu.memory_space<hbm>> -> memref<163842x512xf32, #tpu.memory_space<hbm>>
    tpu.enqueue_indirect_dma source(%dma_start3A_38 : memref<163842x512xf32, #tpu.memory_space<hbm>>) target(%arg7 : memref<56x512xf32, #tpu.memory_space<vmem>>) offsets(%dma_start3A_35 : memref<56xi32, #tpu.memory_space<vmem>>) semaphore(%arg11 : memref<!tpu.dma_semaphore, #tpu.memory_space<semaphore_mem>>)
    %scan3A = arith.constant 0 : i32
    %scan3A_39 = arith.constant 0 : i32
    %scan3A_40 = arith.constant 81 : i32
    %scan3A_41 = arith.addi %scan3A_39, %scan3A_40 : i32
    %scan3A_42 = arith.constant 1 : i32
    %scan3A_43 = scf.for %scan3A_45 = %scan3A_39 to %scan3A_41 step %scan3A_42 iter_args(%scan3A_46 = %scan3A) -> (i32)  : i32 {
      %mul3A_47 = arith.constant 2 : i32
      %mul3A_48 = arith.muli %mul3A_47, %scan3A_45 : i32
      %add3A_49 = arith.constant 0 : i32
      %add3A_50 = arith.addi %mul3A_48, %add3A_49 : i32
      %mul3A_51 = arith.constant 56 : i32
      %mul3A_52 = arith.muli %add3A_50, %mul3A_51 : i32
      %dma_wait3A = tpu.memref_slice %arg5[%mul3A_52] : memref<9184xi32, #tpu.memory_space<vmem>> -> memref<56xi32, #tpu.memory_space<vmem>>
      %dma_wait3A_53 = arith.constant 0 : i32
      %dma_wait3A_54 = arith.constant 0 : i32
      %dma_wait3A_55 = tpu.memref_slice %arg2[%dma_wait3A_53, %dma_wait3A_54] : memref<163842x512xf32, #tpu.memory_space<hbm>> -> memref<163842x512xf32, #tpu.memory_space<hbm>>
      tpu.wait_indirect_dma semaphore(%arg10 : memref<!tpu.dma_semaphore, #tpu.memory_space<semaphore_mem>>) src(%dma_wait3A_55 : memref<163842x512xf32, #tpu.memory_space<hbm>>) dst(%arg6 : memref<56x512xf32, #tpu.memory_space<vmem>>)
      %parallel_loop3A = arith.constant 0 : i32
      %parallel_loop3A_56 = arith.constant 32 : i32
      %parallel_loop3A_57 = arith.constant 1 : i32
      scf.for %parallel_loop3A_126 = %parallel_loop3A to %parallel_loop3A_56 step %parallel_loop3A_57  : i32 {
        %parallel_loop3A_127 = arith.constant 112 : i32
        %parallel_loop3A_128 = arith.muli %parallel_loop3A_126, %parallel_loop3A_127 : i32
        %parallel_loop3A_129 = vector.broadcast %parallel_loop3A_128 : i32 to vector<16xi32>
        %parallel_loop3A_130 = arith.addi %add3A_6, %parallel_loop3A_129 : vector<16xi32>
        %parallel_loop3A_131 = arith.constant 9 : i32
        %parallel_loop3A_132 = vector.broadcast %parallel_loop3A_131 : i32 to vector<16xi32>
        %parallel_loop3A_133 = arith.shrsi %parallel_loop3A_130, %parallel_loop3A_132 : vector<16xi32>
        %parallel_loop3A_134 = arith.constant 511 : i32
        %parallel_loop3A_135 = vector.broadcast %parallel_loop3A_134 : i32 to vector<16xi32>
        %parallel_loop3A_136 = arith.andi %parallel_loop3A_130, %parallel_loop3A_135 : vector<16xi32>
        %parallel_loop3A_137 = tpu.vector_load_idx %arg6[%parallel_loop3A_133, %parallel_loop3A_136] : memref<56x512xf32, #tpu.memory_space<vmem>>[vector<16xi32>, vector<16xi32>], vector<16xf32>,
        %parallel_loop3A_138 = arith.constant 1 : i32
        %parallel_loop3A_139 = vector.broadcast %parallel_loop3A_138 : i32 to vector<16xi32>
        %parallel_loop3A_140 = arith.addi %parallel_loop3A_130, %parallel_loop3A_139 : vector<16xi32>
        %parallel_loop3A_141 = arith.constant 9 : i32
        %parallel_loop3A_142 = vector.broadcast %parallel_loop3A_141 : i32 to vector<16xi32>
        %parallel_loop3A_143 = arith.shrsi %parallel_loop3A_140, %parallel_loop3A_142 : vector<16xi32>
        %parallel_loop3A_144 = arith.constant 511 : i32
        %parallel_loop3A_145 = vector.broadcast %parallel_loop3A_144 : i32 to vector<16xi32>
        %parallel_loop3A_146 = arith.andi %parallel_loop3A_140, %parallel_loop3A_145 : vector<16xi32>
        %parallel_loop3A_147 = tpu.vector_load_idx %arg6[%parallel_loop3A_143, %parallel_loop3A_146] : memref<56x512xf32, #tpu.memory_space<vmem>>[vector<16xi32>, vector<16xi32>], vector<16xf32>,
        %parallel_loop3A_148 = arith.addf %parallel_loop3A_137, %parallel_loop3A_147 : vector<16xf32>
        %parallel_loop3A_149 = arith.constant 2 : i32
        %parallel_loop3A_150 = vector.broadcast %parallel_loop3A_149 : i32 to vector<16xi32>
        %parallel_loop3A_151 = arith.addi %parallel_loop3A_130, %parallel_loop3A_150 : vector<16xi32>
        %parallel_loop3A_152 = arith.constant 9 : i32
        %parallel_loop3A_153 = vector.broadcast %parallel_loop3A_152 : i32 to vector<16xi32>
        %parallel_loop3A_154 = arith.shrsi %parallel_loop3A_151, %parallel_loop3A_153 : vector<16xi32>
        %parallel_loop3A_155 = arith.constant 511 : i32
        %parallel_loop3A_156 = vector.broadcast %parallel_loop3A_155 : i32 to vector<16xi32>
        %parallel_loop3A_157 = arith.andi %parallel_loop3A_151, %parallel_loop3A_156 : vector<16xi32>
        %parallel_loop3A_158 = tpu.vector_load_idx %arg6[%parallel_loop3A_154, %parallel_loop3A_157] : memref<56x512xf32, #tpu.memory_space<vmem>>[vector<16xi32>, vector<16xi32>], vector<16xf32>,
        %parallel_loop3A_159 = arith.addf %parallel_loop3A_148, %parallel_loop3A_158 : vector<16xf32>
        %parallel_loop3A_160 = arith.constant 3 : i32
        %parallel_loop3A_161 = vector.broadcast %parallel_loop3A_160 : i32 to vector<16xi32>
        %parallel_loop3A_162 = arith.addi %parallel_loop3A_130, %parallel_loop3A_161 : vector<16xi32>
        %parallel_loop3A_163 = arith.constant 9 : i32
        %parallel_loop3A_164 = vector.broadcast %parallel_loop3A_163 : i32 to vector<16xi32>
        %parallel_loop3A_165 = arith.shrsi %parallel_loop3A_162, %parallel_loop3A_164 : vector<16xi32>
        %parallel_loop3A_166 = arith.constant 511 : i32
        %parallel_loop3A_167 = vector.broadcast %parallel_loop3A_166 : i32 to vector<16xi32>
        %parallel_loop3A_168 = arith.andi %parallel_loop3A_162, %parallel_loop3A_167 : vector<16xi32>
        %parallel_loop3A_169 = tpu.vector_load_idx %arg6[%parallel_loop3A_165, %parallel_loop3A_168] : memref<56x512xf32, #tpu.memory_space<vmem>>[vector<16xi32>, vector<16xi32>], vector<16xf32>,
        %parallel_loop3A_170 = arith.addf %parallel_loop3A_159, %parallel_loop3A_169 : vector<16xf32>
        %parallel_loop3A_171 = arith.constant 4 : i32
        %parallel_loop3A_172 = vector.broadcast %parallel_loop3A_171 : i32 to vector<16xi32>
        %parallel_loop3A_173 = arith.addi %parallel_loop3A_130, %parallel_loop3A_172 : vector<16xi32>
        %parallel_loop3A_174 = arith.constant 9 : i32
        %parallel_loop3A_175 = vector.broadcast %parallel_loop3A_174 : i32 to vector<16xi32>
        %parallel_loop3A_176 = arith.shrsi %parallel_loop3A_173, %parallel_loop3A_175 : vector<16xi32>
        %parallel_loop3A_177 = arith.constant 511 : i32
        %parallel_loop3A_178 = vector.broadcast %parallel_loop3A_177 : i32 to vector<16xi32>
        %parallel_loop3A_179 = arith.andi %parallel_loop3A_173, %parallel_loop3A_178 : vector<16xi32>
        %parallel_loop3A_180 = tpu.vector_load_idx %arg6[%parallel_loop3A_176, %parallel_loop3A_179] : memref<56x512xf32, #tpu.memory_space<vmem>>[vector<16xi32>, vector<16xi32>], vector<16xf32>,
        %parallel_loop3A_181 = arith.addf %parallel_loop3A_170, %parallel_loop3A_180 : vector<16xf32>
        %parallel_loop3A_182 = arith.constant 5 : i32
        %parallel_loop3A_183 = vector.broadcast %parallel_loop3A_182 : i32 to vector<16xi32>
        %parallel_loop3A_184 = arith.addi %parallel_loop3A_130, %parallel_loop3A_183 : vector<16xi32>
        %parallel_loop3A_185 = arith.constant 9 : i32
        %parallel_loop3A_186 = vector.broadcast %parallel_loop3A_185 : i32 to vector<16xi32>
        %parallel_loop3A_187 = arith.shrsi %parallel_loop3A_184, %parallel_loop3A_186 : vector<16xi32>
        %parallel_loop3A_188 = arith.constant 511 : i32
        %parallel_loop3A_189 = vector.broadcast %parallel_loop3A_188 : i32 to vector<16xi32>
        %parallel_loop3A_190 = arith.andi %parallel_loop3A_184, %parallel_loop3A_189 : vector<16xi32>
        %parallel_loop3A_191 = tpu.vector_load_idx %arg6[%parallel_loop3A_187, %parallel_loop3A_190] : memref<56x512xf32, #tpu.memory_space<vmem>>[vector<16xi32>, vector<16xi32>], vector<16xf32>,
        %parallel_loop3A_192 = arith.addf %parallel_loop3A_181, %parallel_loop3A_191 : vector<16xf32>
        %parallel_loop3A_193 = arith.constant 6 : i32
        %parallel_loop3A_194 = vector.broadcast %parallel_loop3A_193 : i32 to vector<16xi32>
        %parallel_loop3A_195 = arith.addi %parallel_loop3A_130, %parallel_loop3A_194 : vector<16xi32>
        %parallel_loop3A_196 = arith.constant 9 : i32
        %parallel_loop3A_197 = vector.broadcast %parallel_loop3A_196 : i32 to vector<16xi32>
        %parallel_loop3A_198 = arith.shrsi %parallel_loop3A_195, %parallel_loop3A_197 : vector<16xi32>
        %parallel_loop3A_199 = arith.constant 511 : i32
        %parallel_loop3A_200 = vector.broadcast %parallel_loop3A_199 : i32 to vector<16xi32>
        %parallel_loop3A_201 = arith.andi %parallel_loop3A_195, %parallel_loop3A_200 : vector<16xi32>
        %parallel_loop3A_202 = tpu.vector_load_idx %arg6[%parallel_loop3A_198, %parallel_loop3A_201] : memref<56x512xf32, #tpu.memory_space<vmem>>[vector<16xi32>, vector<16xi32>], vector<16xf32>,
        %parallel_loop3A_203 = arith.addf %parallel_loop3A_192, %parallel_loop3A_202 : vector<16xf32>
        %parallel_loop3A_204 = arith.constant 0.142857149 : f32
        %parallel_loop3A_205 = vector.broadcast %parallel_loop3A_204 : f32 to vector<16xf32>
        %parallel_loop3A_206 = arith.mulf %parallel_loop3A_203, %parallel_loop3A_205 : vector<16xf32>
        %parallel_loop3A_207 = arith.constant 16 : i32
        %parallel_loop3A_208 = arith.muli %parallel_loop3A_126, %parallel_loop3A_207 : i32
        %parallel_loop3A_209 = arith.constant 0 : i32
        %parallel_loop3A_210 = arith.addi %parallel_loop3A_209, %parallel_loop3A_208 : i32
        %parallel_loop3A_211 = arith.index_cast %parallel_loop3A_210 : i32 to index
        %parallel_loop3A_212 = tpu.vector_load %arg8[%parallel_loop3A_211] {strides = array<i32>} : memref<4096xf32, #tpu.memory_space<vmem>>, vector<16xf32>,
        tpu.vector_store %arg8[%parallel_loop3A_211], %parallel_loop3A_206 {strides = array<i32>} : memref<4096xf32, #tpu.memory_space<vmem>>, vector<16xf32>,
        %parallel_loop3A_213 = vector.broadcast %parallel_loop3A_128 : i32 to vector<16xi32>
        %parallel_loop3A_214 = arith.addi %add3A_9, %parallel_loop3A_213 : vector<16xi32>
        %parallel_loop3A_215 = arith.constant 9 : i32
        %parallel_loop3A_216 = vector.broadcast %parallel_loop3A_215 : i32 to vector<16xi32>
        %parallel_loop3A_217 = arith.shrsi %parallel_loop3A_214, %parallel_loop3A_216 : vector<16xi32>
        %parallel_loop3A_218 = arith.constant 511 : i32
        %parallel_loop3A_219 = vector.broadcast %parallel_loop3A_218 : i32 to vector<16xi32>
        %parallel_loop3A_220 = arith.andi %parallel_loop3A_214, %parallel_loop3A_219 : vector<16xi32>
        %parallel_loop3A_221 = tpu.vector_load_idx %arg6[%parallel_loop3A_217, %parallel_loop3A_220] : memref<56x512xf32, #tpu.memory_space<vmem>>[vector<16xi32>, vector<16xi32>], vector<16xf32>,
        %parallel_loop3A_222 = arith.constant 1 : i32
        %parallel_loop3A_223 = vector.broadcast %parallel_loop3A_222 : i32 to vector<16xi32>
        %parallel_loop3A_224 = arith.addi %parallel_loop3A_214, %parallel_loop3A_223 : vector<16xi32>
        %parallel_loop3A_225 = arith.constant 9 : i32
        %parallel_loop3A_226 = vector.broadcast %parallel_loop3A_225 : i32 to vector<16xi32>
        %parallel_loop3A_227 = arith.shrsi %parallel_loop3A_224, %parallel_loop3A_226 : vector<16xi32>
        %parallel_loop3A_228 = arith.constant 511 : i32
        %parallel_loop3A_229 = vector.broadcast %parallel_loop3A_228 : i32 to vector<16xi32>
        %parallel_loop3A_230 = arith.andi %parallel_loop3A_224, %parallel_loop3A_229 : vector<16xi32>
        %parallel_loop3A_231 = tpu.vector_load_idx %arg6[%parallel_loop3A_227, %parallel_loop3A_230] : memref<56x512xf32, #tpu.memory_space<vmem>>[vector<16xi32>, vector<16xi32>], vector<16xf32>,
        %parallel_loop3A_232 = arith.addf %parallel_loop3A_221, %parallel_loop3A_231 : vector<16xf32>
        %parallel_loop3A_233 = arith.constant 2 : i32
        %parallel_loop3A_234 = vector.broadcast %parallel_loop3A_233 : i32 to vector<16xi32>
        %parallel_loop3A_235 = arith.addi %parallel_loop3A_214, %parallel_loop3A_234 : vector<16xi32>
        %parallel_loop3A_236 = arith.constant 9 : i32
        %parallel_loop3A_237 = vector.broadcast %parallel_loop3A_236 : i32 to vector<16xi32>
        %parallel_loop3A_238 = arith.shrsi %parallel_loop3A_235, %parallel_loop3A_237 : vector<16xi32>
        %parallel_loop3A_239 = arith.constant 511 : i32
        %parallel_loop3A_240 = vector.broadcast %parallel_loop3A_239 : i32 to vector<16xi32>
        %parallel_loop3A_241 = arith.andi %parallel_loop3A_235, %parallel_loop3A_240 : vector<16xi32>
        %parallel_loop3A_242 = tpu.vector_load_idx %arg6[%parallel_loop3A_238, %parallel_loop3A_241] : memref<56x512xf32, #tpu.memory_space<vmem>>[vector<16xi32>, vector<16xi32>], vector<16xf32>,
        %parallel_loop3A_243 = arith.addf %parallel_loop3A_232, %parallel_loop3A_242 : vector<16xf32>
        %parallel_loop3A_244 = arith.constant 3 : i32
        %parallel_loop3A_245 = vector.broadcast %parallel_loop3A_244 : i32 to vector<16xi32>
        %parallel_loop3A_246 = arith.addi %parallel_loop3A_214, %parallel_loop3A_245 : vector<16xi32>
        %parallel_loop3A_247 = arith.constant 9 : i32
        %parallel_loop3A_248 = vector.broadcast %parallel_loop3A_247 : i32 to vector<16xi32>
        %parallel_loop3A_249 = arith.shrsi %parallel_loop3A_246, %parallel_loop3A_248 : vector<16xi32>
        %parallel_loop3A_250 = arith.constant 511 : i32
        %parallel_loop3A_251 = vector.broadcast %parallel_loop3A_250 : i32 to vector<16xi32>
        %parallel_loop3A_252 = arith.andi %parallel_loop3A_246, %parallel_loop3A_251 : vector<16xi32>
        %parallel_loop3A_253 = tpu.vector_load_idx %arg6[%parallel_loop3A_249, %parallel_loop3A_252] : memref<56x512xf32, #tpu.memory_space<vmem>>[vector<16xi32>, vector<16xi32>], vector<16xf32>,
        %parallel_loop3A_254 = arith.addf %parallel_loop3A_243, %parallel_loop3A_253 : vector<16xf32>
        %parallel_loop3A_255 = arith.constant 4 : i32
        %parallel_loop3A_256 = vector.broadcast %parallel_loop3A_255 : i32 to vector<16xi32>
        %parallel_loop3A_257 = arith.addi %parallel_loop3A_214, %parallel_loop3A_256 : vector<16xi32>
        %parallel_loop3A_258 = arith.constant 9 : i32
        %parallel_loop3A_259 = vector.broadcast %parallel_loop3A_258 : i32 to vector<16xi32>
        %parallel_loop3A_260 = arith.shrsi %parallel_loop3A_257, %parallel_loop3A_259 : vector<16xi32>
        %parallel_loop3A_261 = arith.constant 511 : i32
        %parallel_loop3A_262 = vector.broadcast %parallel_loop3A_261 : i32 to vector<16xi32>
        %parallel_loop3A_263 = arith.andi %parallel_loop3A_257, %parallel_loop3A_262 : vector<16xi32>
        %parallel_loop3A_264 = tpu.vector_load_idx %arg6[%parallel_loop3A_260, %parallel_loop3A_263] : memref<56x512xf32, #tpu.memory_space<vmem>>[vector<16xi32>, vector<16xi32>], vector<16xf32>,
        %parallel_loop3A_265 = arith.addf %parallel_loop3A_254, %parallel_loop3A_264 : vector<16xf32>
        %parallel_loop3A_266 = arith.constant 5 : i32
        %parallel_loop3A_267 = vector.broadcast %parallel_loop3A_266 : i32 to vector<16xi32>
        %parallel_loop3A_268 = arith.addi %parallel_loop3A_214, %parallel_loop3A_267 : vector<16xi32>
        %parallel_loop3A_269 = arith.constant 9 : i32
        %parallel_loop3A_270 = vector.broadcast %parallel_loop3A_269 : i32 to vector<16xi32>
        %parallel_loop3A_271 = arith.shrsi %parallel_loop3A_268, %parallel_loop3A_270 : vector<16xi32>
        %parallel_loop3A_272 = arith.constant 511 : i32
        %parallel_loop3A_273 = vector.broadcast %parallel_loop3A_272 : i32 to vector<16xi32>
        %parallel_loop3A_274 = arith.andi %parallel_loop3A_268, %parallel_loop3A_273 : vector<16xi32>
        %parallel_loop3A_275 = tpu.vector_load_idx %arg6[%parallel_loop3A_271, %parallel_loop3A_274] : memref<56x512xf32, #tpu.memory_space<vmem>>[vector<16xi32>, vector<16xi32>], vector<16xf32>,
        %parallel_loop3A_276 = arith.addf %parallel_loop3A_265, %parallel_loop3A_275 : vector<16xf32>
        %parallel_loop3A_277 = arith.constant 6 : i32
        %parallel_loop3A_278 = vector.broadcast %parallel_loop3A_277 : i32 to vector<16xi32>
        %parallel_loop3A_279 = arith.addi %parallel_loop3A_214, %parallel_loop3A_278 : vector<16xi32>
        %parallel_loop3A_280 = arith.constant 9 : i32
        %parallel_loop3A_281 = vector.broadcast %parallel_loop3A_280 : i32 to vector<16xi32>
        %parallel_loop3A_282 = arith.shrsi %parallel_loop3A_279, %parallel_loop3A_281 : vector<16xi32>
        %parallel_loop3A_283 = arith.constant 511 : i32
        %parallel_loop3A_284 = vector.broadcast %parallel_loop3A_283 : i32 to vector<16xi32>
        %parallel_loop3A_285 = arith.andi %parallel_loop3A_279, %parallel_loop3A_284 : vector<16xi32>
        %parallel_loop3A_286 = tpu.vector_load_idx %arg6[%parallel_loop3A_282, %parallel_loop3A_285] : memref<56x512xf32, #tpu.memory_space<vmem>>[vector<16xi32>, vector<16xi32>], vector<16xf32>,
        %parallel_loop3A_287 = arith.addf %parallel_loop3A_276, %parallel_loop3A_286 : vector<16xf32>
        %parallel_loop3A_288 = arith.constant 0.142857149 : f32
        %parallel_loop3A_289 = vector.broadcast %parallel_loop3A_288 : f32 to vector<16xf32>
        %parallel_loop3A_290 = arith.mulf %parallel_loop3A_287, %parallel_loop3A_289 : vector<16xf32>
        %parallel_loop3A_291 = arith.constant 16 : i32
        %parallel_loop3A_292 = arith.muli %parallel_loop3A_126, %parallel_loop3A_291 : i32
        %parallel_loop3A_293 = arith.constant 512 : i32
        %parallel_loop3A_294 = arith.addi %parallel_loop3A_293, %parallel_loop3A_292 : i32
        %parallel_loop3A_295 = arith.index_cast %parallel_loop3A_294 : i32 to index
        %parallel_loop3A_296 = tpu.vector_load %arg8[%parallel_loop3A_295] {strides = array<i32>} : memref<4096xf32, #tpu.memory_space<vmem>>, vector<16xf32>,
        tpu.vector_store %arg8[%parallel_loop3A_295], %parallel_loop3A_290 {strides = array<i32>} : memref<4096xf32, #tpu.memory_space<vmem>>, vector<16xf32>,
        %parallel_loop3A_297 = vector.broadcast %parallel_loop3A_128 : i32 to vector<16xi32>
        %parallel_loop3A_298 = arith.addi %add3A_12, %parallel_loop3A_297 : vector<16xi32>
        %parallel_loop3A_299 = arith.constant 9 : i32
        %parallel_loop3A_300 = vector.broadcast %parallel_loop3A_299 : i32 to vector<16xi32>
        %parallel_loop3A_301 = arith.shrsi %parallel_loop3A_298, %parallel_loop3A_300 : vector<16xi32>
        %parallel_loop3A_302 = arith.constant 511 : i32
        %parallel_loop3A_303 = vector.broadcast %parallel_loop3A_302 : i32 to vector<16xi32>
        %parallel_loop3A_304 = arith.andi %parallel_loop3A_298, %parallel_loop3A_303 : vector<16xi32>
        %parallel_loop3A_305 = tpu.vector_load_idx %arg6[%parallel_loop3A_301, %parallel_loop3A_304] : memref<56x512xf32, #tpu.memory_space<vmem>>[vector<16xi32>, vector<16xi32>], vector<16xf32>,
        %parallel_loop3A_306 = arith.constant 1 : i32
        %parallel_loop3A_307 = vector.broadcast %parallel_loop3A_306 : i32 to vector<16xi32>
        %parallel_loop3A_308 = arith.addi %parallel_loop3A_298, %parallel_loop3A_307 : vector<16xi32>
        %parallel_loop3A_309 = arith.constant 9 : i32
        %parallel_loop3A_310 = vector.broadcast %parallel_loop3A_309 : i32 to vector<16xi32>
        %parallel_loop3A_311 = arith.shrsi %parallel_loop3A_308, %parallel_loop3A_310 : vector<16xi32>
        %parallel_loop3A_312 = arith.constant 511 : i32
        %parallel_loop3A_313 = vector.broadcast %parallel_loop3A_312 : i32 to vector<16xi32>
        %parallel_loop3A_314 = arith.andi %parallel_loop3A_308, %parallel_loop3A_313 : vector<16xi32>
        %parallel_loop3A_315 = tpu.vector_load_idx %arg6[%parallel_loop3A_311, %parallel_loop3A_314] : memref<56x512xf32, #tpu.memory_space<vmem>>[vector<16xi32>, vector<16xi32>], vector<16xf32>,
        %parallel_loop3A_316 = arith.addf %parallel_loop3A_305, %parallel_loop3A_315 : vector<16xf32>
        %parallel_loop3A_317 = arith.constant 2 : i32
        %parallel_loop3A_318 = vector.broadcast %parallel_loop3A_317 : i32 to vector<16xi32>
        %parallel_loop3A_319 = arith.addi %parallel_loop3A_298, %parallel_loop3A_318 : vector<16xi32>
        %parallel_loop3A_320 = arith.constant 9 : i32
        %parallel_loop3A_321 = vector.broadcast %parallel_loop3A_320 : i32 to vector<16xi32>
        %parallel_loop3A_322 = arith.shrsi %parallel_loop3A_319, %parallel_loop3A_321 : vector<16xi32>
        %parallel_loop3A_323 = arith.constant 511 : i32
        %parallel_loop3A_324 = vector.broadcast %parallel_loop3A_323 : i32 to vector<16xi32>
        %parallel_loop3A_325 = arith.andi %parallel_loop3A_319, %parallel_loop3A_324 : vector<16xi32>
        %parallel_loop3A_326 = tpu.vector_load_idx %arg6[%parallel_loop3A_322, %parallel_loop3A_325] : memref<56x512xf32, #tpu.memory_space<vmem>>[vector<16xi32>, vector<16xi32>], vector<16xf32>,
        %parallel_loop3A_327 = arith.addf %parallel_loop3A_316, %parallel_loop3A_326 : vector<16xf32>
        %parallel_loop3A_328 = arith.constant 3 : i32
        %parallel_loop3A_329 = vector.broadcast %parallel_loop3A_328 : i32 to vector<16xi32>
        %parallel_loop3A_330 = arith.addi %parallel_loop3A_298, %parallel_loop3A_329 : vector<16xi32>
        %parallel_loop3A_331 = arith.constant 9 : i32
        %parallel_loop3A_332 = vector.broadcast %parallel_loop3A_331 : i32 to vector<16xi32>
        %parallel_loop3A_333 = arith.shrsi %parallel_loop3A_330, %parallel_loop3A_332 : vector<16xi32>
        %parallel_loop3A_334 = arith.constant 511 : i32
        %parallel_loop3A_335 = vector.broadcast %parallel_loop3A_334 : i32 to vector<16xi32>
        %parallel_loop3A_336 = arith.andi %parallel_loop3A_330, %parallel_loop3A_335 : vector<16xi32>
        %parallel_loop3A_337 = tpu.vector_load_idx %arg6[%parallel_loop3A_333, %parallel_loop3A_336] : memref<56x512xf32, #tpu.memory_space<vmem>>[vector<16xi32>, vector<16xi32>], vector<16xf32>,
        %parallel_loop3A_338 = arith.addf %parallel_loop3A_327, %parallel_loop3A_337 : vector<16xf32>
        %parallel_loop3A_339 = arith.constant 4 : i32
        %parallel_loop3A_340 = vector.broadcast %parallel_loop3A_339 : i32 to vector<16xi32>
        %parallel_loop3A_341 = arith.addi %parallel_loop3A_298, %parallel_loop3A_340 : vector<16xi32>
        %parallel_loop3A_342 = arith.constant 9 : i32
        %parallel_loop3A_343 = vector.broadcast %parallel_loop3A_342 : i32 to vector<16xi32>
        %parallel_loop3A_344 = arith.shrsi %parallel_loop3A_341, %parallel_loop3A_343 : vector<16xi32>
        %parallel_loop3A_345 = arith.constant 511 : i32
        %parallel_loop3A_346 = vector.broadcast %parallel_loop3A_345 : i32 to vector<16xi32>
        %parallel_loop3A_347 = arith.andi %parallel_loop3A_341, %parallel_loop3A_346 : vector<16xi32>
        %parallel_loop3A_348 = tpu.vector_load_idx %arg6[%parallel_loop3A_344, %parallel_loop3A_347] : memref<56x512xf32, #tpu.memory_space<vmem>>[vector<16xi32>, vector<16xi32>], vector<16xf32>,
        %parallel_loop3A_349 = arith.addf %parallel_loop3A_338, %parallel_loop3A_348 : vector<16xf32>
        %parallel_loop3A_350 = arith.constant 5 : i32
        %parallel_loop3A_351 = vector.broadcast %parallel_loop3A_350 : i32 to vector<16xi32>
        %parallel_loop3A_352 = arith.addi %parallel_loop3A_298, %parallel_loop3A_351 : vector<16xi32>
        %parallel_loop3A_353 = arith.constant 9 : i32
        %parallel_loop3A_354 = vector.broadcast %parallel_loop3A_353 : i32 to vector<16xi32>
        %parallel_loop3A_355 = arith.shrsi %parallel_loop3A_352, %parallel_loop3A_354 : vector<16xi32>
        %parallel_loop3A_356 = arith.constant 511 : i32
        %parallel_loop3A_357 = vector.broadcast %parallel_loop3A_356 : i32 to vector<16xi32>
        %parallel_loop3A_358 = arith.andi %parallel_loop3A_352, %parallel_loop3A_357 : vector<16xi32>
        %parallel_loop3A_359 = tpu.vector_load_idx %arg6[%parallel_loop3A_355, %parallel_loop3A_358] : memref<56x512xf32, #tpu.memory_space<vmem>>[vector<16xi32>, vector<16xi32>], vector<16xf32>,
        %parallel_loop3A_360 = arith.addf %parallel_loop3A_349, %parallel_loop3A_359 : vector<16xf32>
        %parallel_loop3A_361 = arith.constant 6 : i32
        %parallel_loop3A_362 = vector.broadcast %parallel_loop3A_361 : i32 to vector<16xi32>
        %parallel_loop3A_363 = arith.addi %parallel_loop3A_298, %parallel_loop3A_362 : vector<16xi32>
        %parallel_loop3A_364 = arith.constant 9 : i32
        %parallel_loop3A_365 = vector.broadcast %parallel_loop3A_364 : i32 to vector<16xi32>
        %parallel_loop3A_366 = arith.shrsi %parallel_loop3A_363, %parallel_loop3A_365 : vector<16xi32>
        %parallel_loop3A_367 = arith.constant 511 : i32
        %parallel_loop3A_368 = vector.broadcast %parallel_loop3A_367 : i32 to vector<16xi32>
        %parallel_loop3A_369 = arith.andi %parallel_loop3A_363, %parallel_loop3A_368 : vector<16xi32>
        %parallel_loop3A_370 = tpu.vector_load_idx %arg6[%parallel_loop3A_366, %parallel_loop3A_369] : memref<56x512xf32, #tpu.memory_space<vmem>>[vector<16xi32>, vector<16xi32>], vector<16xf32>,
        %parallel_loop3A_371 = arith.addf %parallel_loop3A_360, %parallel_loop3A_370 : vector<16xf32>
        %parallel_loop3A_372 = arith.constant 0.142857149 : f32
        %parallel_loop3A_373 = vector.broadcast %parallel_loop3A_372 : f32 to vector<16xf32>
        %parallel_loop3A_374 = arith.mulf %parallel_loop3A_371, %parallel_loop3A_373 : vector<16xf32>
        %parallel_loop3A_375 = arith.constant 16 : i32
        %parallel_loop3A_376 = arith.muli %parallel_loop3A_126, %parallel_loop3A_375 : i32
        %parallel_loop3A_377 = arith.constant 1024 : i32
        %parallel_loop3A_378 = arith.addi %parallel_loop3A_377, %parallel_loop3A_376 : i32
        %parallel_loop3A_379 = arith.index_cast %parallel_loop3A_378 : i32 to index
        %parallel_loop3A_380 = tpu.vector_load %arg8[%parallel_loop3A_379] {strides = array<i32>} : memref<4096xf32, #tpu.memory_space<vmem>>, vector<16xf32>,
        tpu.vector_store %arg8[%parallel_loop3A_379], %parallel_loop3A_374 {strides = array<i32>} : memref<4096xf32, #tpu.memory_space<vmem>>, vector<16xf32>,
        %parallel_loop3A_381 = vector.broadcast %parallel_loop3A_128 : i32 to vector<16xi32>
        %parallel_loop3A_382 = arith.addi %add3A_15, %parallel_loop3A_381 : vector<16xi32>
        %parallel_loop3A_383 = arith.constant 9 : i32
        %parallel_loop3A_384 = vector.broadcast %parallel_loop3A_383 : i32 to vector<16xi32>
        %parallel_loop3A_385 = arith.shrsi %parallel_loop3A_382, %parallel_loop3A_384 : vector<16xi32>
        %parallel_loop3A_386 = arith.constant 511 : i32
        %parallel_loop3A_387 = vector.broadcast %parallel_loop3A_386 : i32 to vector<16xi32>
        %parallel_loop3A_388 = arith.andi %parallel_loop3A_382, %parallel_loop3A_387 : vector<16xi32>
        %parallel_loop3A_389 = tpu.vector_load_idx %arg6[%parallel_loop3A_385, %parallel_loop3A_388] : memref<56x512xf32, #tpu.memory_space<vmem>>[vector<16xi32>, vector<16xi32>], vector<16xf32>,
        %parallel_loop3A_390 = arith.constant 1 : i32
        %parallel_loop3A_391 = vector.broadcast %parallel_loop3A_390 : i32 to vector<16xi32>
        %parallel_loop3A_392 = arith.addi %parallel_loop3A_382, %parallel_loop3A_391 : vector<16xi32>
        %parallel_loop3A_393 = arith.constant 9 : i32
        %parallel_loop3A_394 = vector.broadcast %parallel_loop3A_393 : i32 to vector<16xi32>
        %parallel_loop3A_395 = arith.shrsi %parallel_loop3A_392, %parallel_loop3A_394 : vector<16xi32>
        %parallel_loop3A_396 = arith.constant 511 : i32
        %parallel_loop3A_397 = vector.broadcast %parallel_loop3A_396 : i32 to vector<16xi32>
        %parallel_loop3A_398 = arith.andi %parallel_loop3A_392, %parallel_loop3A_397 : vector<16xi32>
        %parallel_loop3A_399 = tpu.vector_load_idx %arg6[%parallel_loop3A_395, %parallel_loop3A_398] : memref<56x512xf32, #tpu.memory_space<vmem>>[vector<16xi32>, vector<16xi32>], vector<16xf32>,
        %parallel_loop3A_400 = arith.addf %parallel_loop3A_389, %parallel_loop3A_399 : vector<16xf32>
        %parallel_loop3A_401 = arith.constant 2 : i32
        %parallel_loop3A_402 = vector.broadcast %parallel_loop3A_401 : i32 to vector<16xi32>
        %parallel_loop3A_403 = arith.addi %parallel_loop3A_382, %parallel_loop3A_402 : vector<16xi32>
        %parallel_loop3A_404 = arith.constant 9 : i32
        %parallel_loop3A_405 = vector.broadcast %parallel_loop3A_404 : i32 to vector<16xi32>
        %parallel_loop3A_406 = arith.shrsi %parallel_loop3A_403, %parallel_loop3A_405 : vector<16xi32>
        %parallel_loop3A_407 = arith.constant 511 : i32
        %parallel_loop3A_408 = vector.broadcast %parallel_loop3A_407 : i32 to vector<16xi32>
        %parallel_loop3A_409 = arith.andi %parallel_loop3A_403, %parallel_loop3A_408 : vector<16xi32>
        %parallel_loop3A_410 = tpu.vector_load_idx %arg6[%parallel_loop3A_406, %parallel_loop3A_409] : memref<56x512xf32, #tpu.memory_space<vmem>>[vector<16xi32>, vector<16xi32>], vector<16xf32>,
        %parallel_loop3A_411 = arith.addf %parallel_loop3A_400, %parallel_loop3A_410 : vector<16xf32>
        %parallel_loop3A_412 = arith.constant 3 : i32
        %parallel_loop3A_413 = vector.broadcast %parallel_loop3A_412 : i32 to vector<16xi32>
        %parallel_loop3A_414 = arith.addi %parallel_loop3A_382, %parallel_loop3A_413 : vector<16xi32>
        %parallel_loop3A_415 = arith.constant 9 : i32
        %parallel_loop3A_416 = vector.broadcast %parallel_loop3A_415 : i32 to vector<16xi32>
        %parallel_loop3A_417 = arith.shrsi %parallel_loop3A_414, %parallel_loop3A_416 : vector<16xi32>
        %parallel_loop3A_418 = arith.constant 511 : i32
        %parallel_loop3A_419 = vector.broadcast %parallel_loop3A_418 : i32 to vector<16xi32>
        %parallel_loop3A_420 = arith.andi %parallel_loop3A_414, %parallel_loop3A_419 : vector<16xi32>
        %parallel_loop3A_421 = tpu.vector_load_idx %arg6[%parallel_loop3A_417, %parallel_loop3A_420] : memref<56x512xf32, #tpu.memory_space<vmem>>[vector<16xi32>, vector<16xi32>], vector<16xf32>,
        %parallel_loop3A_422 = arith.addf %parallel_loop3A_411, %parallel_loop3A_421 : vector<16xf32>
        %parallel_loop3A_423 = arith.constant 4 : i32
        %parallel_loop3A_424 = vector.broadcast %parallel_loop3A_423 : i32 to vector<16xi32>
        %parallel_loop3A_425 = arith.addi %parallel_loop3A_382, %parallel_loop3A_424 : vector<16xi32>
        %parallel_loop3A_426 = arith.constant 9 : i32
        %parallel_loop3A_427 = vector.broadcast %parallel_loop3A_426 : i32 to vector<16xi32>
        %parallel_loop3A_428 = arith.shrsi %parallel_loop3A_425, %parallel_loop3A_427 : vector<16xi32>
        %parallel_loop3A_429 = arith.constant 511 : i32
        %parallel_loop3A_430 = vector.broadcast %parallel_loop3A_429 : i32 to vector<16xi32>
        %parallel_loop3A_431 = arith.andi %parallel_loop3A_425, %parallel_loop3A_430 : vector<16xi32>
        %parallel_loop3A_432 = tpu.vector_load_idx %arg6[%parallel_loop3A_428, %parallel_loop3A_431] : memref<56x512xf32, #tpu.memory_space<vmem>>[vector<16xi32>, vector<16xi32>], vector<16xf32>,
        %parallel_loop3A_433 = arith.addf %parallel_loop3A_422, %parallel_loop3A_432 : vector<16xf32>
        %parallel_loop3A_434 = arith.constant 5 : i32
        %parallel_loop3A_435 = vector.broadcast %parallel_loop3A_434 : i32 to vector<16xi32>
        %parallel_loop3A_436 = arith.addi %parallel_loop3A_382, %parallel_loop3A_435 : vector<16xi32>
        %parallel_loop3A_437 = arith.constant 9 : i32
        %parallel_loop3A_438 = vector.broadcast %parallel_loop3A_437 : i32 to vector<16xi32>
        %parallel_loop3A_439 = arith.shrsi %parallel_loop3A_436, %parallel_loop3A_438 : vector<16xi32>
        %parallel_loop3A_440 = arith.constant 511 : i32
        %parallel_loop3A_441 = vector.broadcast %parallel_loop3A_440 : i32 to vector<16xi32>
        %parallel_loop3A_442 = arith.andi %parallel_loop3A_436, %parallel_loop3A_441 : vector<16xi32>
        %parallel_loop3A_443 = tpu.vector_load_idx %arg6[%parallel_loop3A_439, %parallel_loop3A_442] : memref<56x512xf32, #tpu.memory_space<vmem>>[vector<16xi32>, vector<16xi32>], vector<16xf32>,
        %parallel_loop3A_444 = arith.addf %parallel_loop3A_433, %parallel_loop3A_443 : vector<16xf32>
        %parallel_loop3A_445 = arith.constant 6 : i32
        %parallel_loop3A_446 = vector.broadcast %parallel_loop3A_445 : i32 to vector<16xi32>
        %parallel_loop3A_447 = arith.addi %parallel_loop3A_382, %parallel_loop3A_446 : vector<16xi32>
        %parallel_loop3A_448 = arith.constant 9 : i32
        %parallel_loop3A_449 = vector.broadcast %parallel_loop3A_448 : i32 to vector<16xi32>
        %parallel_loop3A_450 = arith.shrsi %parallel_loop3A_447, %parallel_loop3A_449 : vector<16xi32>
        %parallel_loop3A_451 = arith.constant 511 : i32
        %parallel_loop3A_452 = vector.broadcast %parallel_loop3A_451 : i32 to vector<16xi32>
        %parallel_loop3A_453 = arith.andi %parallel_loop3A_447, %parallel_loop3A_452 : vector<16xi32>
        %parallel_loop3A_454 = tpu.vector_load_idx %arg6[%parallel_loop3A_450, %parallel_loop3A_453] : memref<56x512xf32, #tpu.memory_space<vmem>>[vector<16xi32>, vector<16xi32>], vector<16xf32>,
        %parallel_loop3A_455 = arith.addf %parallel_loop3A_444, %parallel_loop3A_454 : vector<16xf32>
        %parallel_loop3A_456 = arith.constant 0.142857149 : f32
        %parallel_loop3A_457 = vector.broadcast %parallel_loop3A_456 : f32 to vector<16xf32>
        %parallel_loop3A_458 = arith.mulf %parallel_loop3A_455, %parallel_loop3A_457 : vector<16xf32>
        %parallel_loop3A_459 = arith.constant 16 : i32
        %parallel_loop3A_460 = arith.muli %parallel_loop3A_126, %parallel_loop3A_459 : i32
        %parallel_loop3A_461 = arith.constant 1536 : i32
        %parallel_loop3A_462 = arith.addi %parallel_loop3A_461, %parallel_loop3A_460 : i32
        %parallel_loop3A_463 = arith.index_cast %parallel_loop3A_462 : i32 to index
        %parallel_loop3A_464 = tpu.vector_load %arg8[%parallel_loop3A_463] {strides = array<i32>} : memref<4096xf32, #tpu.memory_space<vmem>>, vector<16xf32>,
        tpu.vector_store %arg8[%parallel_loop3A_463], %parallel_loop3A_458 {strides = array<i32>} : memref<4096xf32, #tpu.memory_space<vmem>>, vector<16xf32>,
        %parallel_loop3A_465 = vector.broadcast %parallel_loop3A_128 : i32 to vector<16xi32>
        %parallel_loop3A_466 = arith.addi %add3A_18, %parallel_loop3A_465 : vector<16xi32>
        %parallel_loop3A_467 = arith.constant 9 : i32
        %parallel_loop3A_468 = vector.broadcast %parallel_loop3A_467 : i32 to vector<16xi32>
        %parallel_loop3A_469 = arith.shrsi %parallel_loop3A_466, %parallel_loop3A_468 : vector<16xi32>
        %parallel_loop3A_470 = arith.constant 511 : i32
        %parallel_loop3A_471 = vector.broadcast %parallel_loop3A_470 : i32 to vector<16xi32>
        %parallel_loop3A_472 = arith.andi %parallel_loop3A_466, %parallel_loop3A_471 : vector<16xi32>
        %parallel_loop3A_473 = tpu.vector_load_idx %arg6[%parallel_loop3A_469, %parallel_loop3A_472] : memref<56x512xf32, #tpu.memory_space<vmem>>[vector<16xi32>, vector<16xi32>], vector<16xf32>,
        %parallel_loop3A_474 = arith.constant 1 : i32
        %parallel_loop3A_475 = vector.broadcast %parallel_loop3A_474 : i32 to vector<16xi32>
        %parallel_loop3A_476 = arith.addi %parallel_loop3A_466, %parallel_loop3A_475 : vector<16xi32>
        %parallel_loop3A_477 = arith.constant 9 : i32
        %parallel_loop3A_478 = vector.broadcast %parallel_loop3A_477 : i32 to vector<16xi32>
        %parallel_loop3A_479 = arith.shrsi %parallel_loop3A_476, %parallel_loop3A_478 : vector<16xi32>
        %parallel_loop3A_480 = arith.constant 511 : i32
        %parallel_loop3A_481 = vector.broadcast %parallel_loop3A_480 : i32 to vector<16xi32>
        %parallel_loop3A_482 = arith.andi %parallel_loop3A_476, %parallel_loop3A_481 : vector<16xi32>
        %parallel_loop3A_483 = tpu.vector_load_idx %arg6[%parallel_loop3A_479, %parallel_loop3A_482] : memref<56x512xf32, #tpu.memory_space<vmem>>[vector<16xi32>, vector<16xi32>], vector<16xf32>,
        %parallel_loop3A_484 = arith.addf %parallel_loop3A_473, %parallel_loop3A_483 : vector<16xf32>
        %parallel_loop3A_485 = arith.constant 2 : i32
        %parallel_loop3A_486 = vector.broadcast %parallel_loop3A_485 : i32 to vector<16xi32>
        %parallel_loop3A_487 = arith.addi %parallel_loop3A_466, %parallel_loop3A_486 : vector<16xi32>
        %parallel_loop3A_488 = arith.constant 9 : i32
        %parallel_loop3A_489 = vector.broadcast %parallel_loop3A_488 : i32 to vector<16xi32>
        %parallel_loop3A_490 = arith.shrsi %parallel_loop3A_487, %parallel_loop3A_489 : vector<16xi32>
        %parallel_loop3A_491 = arith.constant 511 : i32
        %parallel_loop3A_492 = vector.broadcast %parallel_loop3A_491 : i32 to vector<16xi32>
        %parallel_loop3A_493 = arith.andi %parallel_loop3A_487, %parallel_loop3A_492 : vector<16xi32>
        %parallel_loop3A_494 = tpu.vector_load_idx %arg6[%parallel_loop3A_490, %parallel_loop3A_493] : memref<56x512xf32, #tpu.memory_space<vmem>>[vector<16xi32>, vector<16xi32>], vector<16xf32>,
        %parallel_loop3A_495 = arith.addf %parallel_loop3A_484, %parallel_loop3A_494 : vector<16xf32>
        %parallel_loop3A_496 = arith.constant 3 : i32
        %parallel_loop3A_497 = vector.broadcast %parallel_loop3A_496 : i32 to vector<16xi32>
        %parallel_loop3A_498 = arith.addi %parallel_loop3A_466, %parallel_loop3A_497 : vector<16xi32>
        %parallel_loop3A_499 = arith.constant 9 : i32
        %parallel_loop3A_500 = vector.broadcast %parallel_loop3A_499 : i32 to vector<16xi32>
        %parallel_loop3A_501 = arith.shrsi %parallel_loop3A_498, %parallel_loop3A_500 : vector<16xi32>
        %parallel_loop3A_502 = arith.constant 511 : i32
        %parallel_loop3A_503 = vector.broadcast %parallel_loop3A_502 : i32 to vector<16xi32>
        %parallel_loop3A_504 = arith.andi %parallel_loop3A_498, %parallel_loop3A_503 : vector<16xi32>
        %parallel_loop3A_505 = tpu.vector_load_idx %arg6[%parallel_loop3A_501, %parallel_loop3A_504] : memref<56x512xf32, #tpu.memory_space<vmem>>[vector<16xi32>, vector<16xi32>], vector<16xf32>,
        %parallel_loop3A_506 = arith.addf %parallel_loop3A_495, %parallel_loop3A_505 : vector<16xf32>
        %parallel_loop3A_507 = arith.constant 4 : i32
        %parallel_loop3A_508 = vector.broadcast %parallel_loop3A_507 : i32 to vector<16xi32>
        %parallel_loop3A_509 = arith.addi %parallel_loop3A_466, %parallel_loop3A_508 : vector<16xi32>
        %parallel_loop3A_510 = arith.constant 9 : i32
        %parallel_loop3A_511 = vector.broadcast %parallel_loop3A_510 : i32 to vector<16xi32>
        %parallel_loop3A_512 = arith.shrsi %parallel_loop3A_509, %parallel_loop3A_511 : vector<16xi32>
        %parallel_loop3A_513 = arith.constant 511 : i32
        %parallel_loop3A_514 = vector.broadcast %parallel_loop3A_513 : i32 to vector<16xi32>
        %parallel_loop3A_515 = arith.andi %parallel_loop3A_509, %parallel_loop3A_514 : vector<16xi32>
        %parallel_loop3A_516 = tpu.vector_load_idx %arg6[%parallel_loop3A_512, %parallel_loop3A_515] : memref<56x512xf32, #tpu.memory_space<vmem>>[vector<16xi32>, vector<16xi32>], vector<16xf32>,
        %parallel_loop3A_517 = arith.addf %parallel_loop3A_506, %parallel_loop3A_516 : vector<16xf32>
        %parallel_loop3A_518 = arith.constant 5 : i32
        %parallel_loop3A_519 = vector.broadcast %parallel_loop3A_518 : i32 to vector<16xi32>
        %parallel_loop3A_520 = arith.addi %parallel_loop3A_466, %parallel_loop3A_519 : vector<16xi32>
        %parallel_loop3A_521 = arith.constant 9 : i32
        %parallel_loop3A_522 = vector.broadcast %parallel_loop3A_521 : i32 to vector<16xi32>
        %parallel_loop3A_523 = arith.shrsi %parallel_loop3A_520, %parallel_loop3A_522 : vector<16xi32>
        %parallel_loop3A_524 = arith.constant 511 : i32
        %parallel_loop3A_525 = vector.broadcast %parallel_loop3A_524 : i32 to vector<16xi32>
        %parallel_loop3A_526 = arith.andi %parallel_loop3A_520, %parallel_loop3A_525 : vector<16xi32>
        %parallel_loop3A_527 = tpu.vector_load_idx %arg6[%parallel_loop3A_523, %parallel_loop3A_526] : memref<56x512xf32, #tpu.memory_space<vmem>>[vector<16xi32>, vector<16xi32>], vector<16xf32>,
        %parallel_loop3A_528 = arith.addf %parallel_loop3A_517, %parallel_loop3A_527 : vector<16xf32>
        %parallel_loop3A_529 = arith.constant 6 : i32
        %parallel_loop3A_530 = vector.broadcast %parallel_loop3A_529 : i32 to vector<16xi32>
        %parallel_loop3A_531 = arith.addi %parallel_loop3A_466, %parallel_loop3A_530 : vector<16xi32>
        %parallel_loop3A_532 = arith.constant 9 : i32
        %parallel_loop3A_533 = vector.broadcast %parallel_loop3A_532 : i32 to vector<16xi32>
        %parallel_loop3A_534 = arith.shrsi %parallel_loop3A_531, %parallel_loop3A_533 : vector<16xi32>
        %parallel_loop3A_535 = arith.constant 511 : i32
        %parallel_loop3A_536 = vector.broadcast %parallel_loop3A_535 : i32 to vector<16xi32>
        %parallel_loop3A_537 = arith.andi %parallel_loop3A_531, %parallel_loop3A_536 : vector<16xi32>
        %parallel_loop3A_538 = tpu.vector_load_idx %arg6[%parallel_loop3A_534, %parallel_loop3A_537] : memref<56x512xf32, #tpu.memory_space<vmem>>[vector<16xi32>, vector<16xi32>], vector<16xf32>,
        %parallel_loop3A_539 = arith.addf %parallel_loop3A_528, %parallel_loop3A_538 : vector<16xf32>
        %parallel_loop3A_540 = arith.constant 0.142857149 : f32
        %parallel_loop3A_541 = vector.broadcast %parallel_loop3A_540 : f32 to vector<16xf32>
        %parallel_loop3A_542 = arith.mulf %parallel_loop3A_539, %parallel_loop3A_541 : vector<16xf32>
        %parallel_loop3A_543 = arith.constant 16 : i32
        %parallel_loop3A_544 = arith.muli %parallel_loop3A_126, %parallel_loop3A_543 : i32
        %parallel_loop3A_545 = arith.constant 2048 : i32
        %parallel_loop3A_546 = arith.addi %parallel_loop3A_545, %parallel_loop3A_544 : i32
        %parallel_loop3A_547 = arith.index_cast %parallel_loop3A_546 : i32 to index
        %parallel_loop3A_548 = tpu.vector_load %arg8[%parallel_loop3A_547] {strides = array<i32>} : memref<4096xf32, #tpu.memory_space<vmem>>, vector<16xf32>,
        tpu.vector_store %arg8[%parallel_loop3A_547], %parallel_loop3A_542 {strides = array<i32>} : memref<4096xf32, #tpu.memory_space<vmem>>, vector<16xf32>,
        %parallel_loop3A_549 = vector.broadcast %parallel_loop3A_128 : i32 to vector<16xi32>
        %parallel_loop3A_550 = arith.addi %add3A_21, %parallel_loop3A_549 : vector<16xi32>
        %parallel_loop3A_551 = arith.constant 9 : i32
        %parallel_loop3A_552 = vector.broadcast %parallel_loop3A_551 : i32 to vector<16xi32>
        %parallel_loop3A_553 = arith.shrsi %parallel_loop3A_550, %parallel_loop3A_552 : vector<16xi32>
        %parallel_loop3A_554 = arith.constant 511 : i32
        %parallel_loop3A_555 = vector.broadcast %parallel_loop3A_554 : i32 to vector<16xi32>
        %parallel_loop3A_556 = arith.andi %parallel_loop3A_550, %parallel_loop3A_555 : vector<16xi32>
        %parallel_loop3A_557 = tpu.vector_load_idx %arg6[%parallel_loop3A_553, %parallel_loop3A_556] : memref<56x512xf32, #tpu.memory_space<vmem>>[vector<16xi32>, vector<16xi32>], vector<16xf32>,
        %parallel_loop3A_558 = arith.constant 1 : i32
        %parallel_loop3A_559 = vector.broadcast %parallel_loop3A_558 : i32 to vector<16xi32>
        %parallel_loop3A_560 = arith.addi %parallel_loop3A_550, %parallel_loop3A_559 : vector<16xi32>
        %parallel_loop3A_561 = arith.constant 9 : i32
        %parallel_loop3A_562 = vector.broadcast %parallel_loop3A_561 : i32 to vector<16xi32>
        %parallel_loop3A_563 = arith.shrsi %parallel_loop3A_560, %parallel_loop3A_562 : vector<16xi32>
        %parallel_loop3A_564 = arith.constant 511 : i32
        %parallel_loop3A_565 = vector.broadcast %parallel_loop3A_564 : i32 to vector<16xi32>
        %parallel_loop3A_566 = arith.andi %parallel_loop3A_560, %parallel_loop3A_565 : vector<16xi32>
        %parallel_loop3A_567 = tpu.vector_load_idx %arg6[%parallel_loop3A_563, %parallel_loop3A_566] : memref<56x512xf32, #tpu.memory_space<vmem>>[vector<16xi32>, vector<16xi32>], vector<16xf32>,
        %parallel_loop3A_568 = arith.addf %parallel_loop3A_557, %parallel_loop3A_567 : vector<16xf32>
        %parallel_loop3A_569 = arith.constant 2 : i32
        %parallel_loop3A_570 = vector.broadcast %parallel_loop3A_569 : i32 to vector<16xi32>
        %parallel_loop3A_571 = arith.addi %parallel_loop3A_550, %parallel_loop3A_570 : vector<16xi32>
        %parallel_loop3A_572 = arith.constant 9 : i32
        %parallel_loop3A_573 = vector.broadcast %parallel_loop3A_572 : i32 to vector<16xi32>
        %parallel_loop3A_574 = arith.shrsi %parallel_loop3A_571, %parallel_loop3A_573 : vector<16xi32>
        %parallel_loop3A_575 = arith.constant 511 : i32
        %parallel_loop3A_576 = vector.broadcast %parallel_loop3A_575 : i32 to vector<16xi32>
        %parallel_loop3A_577 = arith.andi %parallel_loop3A_571, %parallel_loop3A_576 : vector<16xi32>
        %parallel_loop3A_578 = tpu.vector_load_idx %arg6[%parallel_loop3A_574, %parallel_loop3A_577] : memref<56x512xf32, #tpu.memory_space<vmem>>[vector<16xi32>, vector<16xi32>], vector<16xf32>,
        %parallel_loop3A_579 = arith.addf %parallel_loop3A_568, %parallel_loop3A_578 : vector<16xf32>
        %parallel_loop3A_580 = arith.constant 3 : i32
        %parallel_loop3A_581 = vector.broadcast %parallel_loop3A_580 : i32 to vector<16xi32>
        %parallel_loop3A_582 = arith.addi %parallel_loop3A_550, %parallel_loop3A_581 : vector<16xi32>
        %parallel_loop3A_583 = arith.constant 9 : i32
        %parallel_loop3A_584 = vector.broadcast %parallel_loop3A_583 : i32 to vector<16xi32>
        %parallel_loop3A_585 = arith.shrsi %parallel_loop3A_582, %parallel_loop3A_584 : vector<16xi32>
        %parallel_loop3A_586 = arith.constant 511 : i32
        %parallel_loop3A_587 = vector.broadcast %parallel_loop3A_586 : i32 to vector<16xi32>
        %parallel_loop3A_588 = arith.andi %parallel_loop3A_582, %parallel_loop3A_587 : vector<16xi32>
        %parallel_loop3A_589 = tpu.vector_load_idx %arg6[%parallel_loop3A_585, %parallel_loop3A_588] : memref<56x512xf32, #tpu.memory_space<vmem>>[vector<16xi32>, vector<16xi32>], vector<16xf32>,
        %parallel_loop3A_590 = arith.addf %parallel_loop3A_579, %parallel_loop3A_589 : vector<16xf32>
        %parallel_loop3A_591 = arith.constant 4 : i32
        %parallel_loop3A_592 = vector.broadcast %parallel_loop3A_591 : i32 to vector<16xi32>
        %parallel_loop3A_593 = arith.addi %parallel_loop3A_550, %parallel_loop3A_592 : vector<16xi32>
        %parallel_loop3A_594 = arith.constant 9 : i32
        %parallel_loop3A_595 = vector.broadcast %parallel_loop3A_594 : i32 to vector<16xi32>
        %parallel_loop3A_596 = arith.shrsi %parallel_loop3A_593, %parallel_loop3A_595 : vector<16xi32>
        %parallel_loop3A_597 = arith.constant 511 : i32
        %parallel_loop3A_598 = vector.broadcast %parallel_loop3A_597 : i32 to vector<16xi32>
        %parallel_loop3A_599 = arith.andi %parallel_loop3A_593, %parallel_loop3A_598 : vector<16xi32>
        %parallel_loop3A_600 = tpu.vector_load_idx %arg6[%parallel_loop3A_596, %parallel_loop3A_599] : memref<56x512xf32, #tpu.memory_space<vmem>>[vector<16xi32>, vector<16xi32>], vector<16xf32>,
        %parallel_loop3A_601 = arith.addf %parallel_loop3A_590, %parallel_loop3A_600 : vector<16xf32>
        %parallel_loop3A_602 = arith.constant 5 : i32
        %parallel_loop3A_603 = vector.broadcast %parallel_loop3A_602 : i32 to vector<16xi32>
        %parallel_loop3A_604 = arith.addi %parallel_loop3A_550, %parallel_loop3A_603 : vector<16xi32>
        %parallel_loop3A_605 = arith.constant 9 : i32
        %parallel_loop3A_606 = vector.broadcast %parallel_loop3A_605 : i32 to vector<16xi32>
        %parallel_loop3A_607 = arith.shrsi %parallel_loop3A_604, %parallel_loop3A_606 : vector<16xi32>
        %parallel_loop3A_608 = arith.constant 511 : i32
        %parallel_loop3A_609 = vector.broadcast %parallel_loop3A_608 : i32 to vector<16xi32>
        %parallel_loop3A_610 = arith.andi %parallel_loop3A_604, %parallel_loop3A_609 : vector<16xi32>
        %parallel_loop3A_611 = tpu.vector_load_idx %arg6[%parallel_loop3A_607, %parallel_loop3A_610] : memref<56x512xf32, #tpu.memory_space<vmem>>[vector<16xi32>, vector<16xi32>], vector<16xf32>,
        %parallel_loop3A_612 = arith.addf %parallel_loop3A_601, %parallel_loop3A_611 : vector<16xf32>
        %parallel_loop3A_613 = arith.constant 6 : i32
        %parallel_loop3A_614 = vector.broadcast %parallel_loop3A_613 : i32 to vector<16xi32>
        %parallel_loop3A_615 = arith.addi %parallel_loop3A_550, %parallel_loop3A_614 : vector<16xi32>
        %parallel_loop3A_616 = arith.constant 9 : i32
        %parallel_loop3A_617 = vector.broadcast %parallel_loop3A_616 : i32 to vector<16xi32>
        %parallel_loop3A_618 = arith.shrsi %parallel_loop3A_615, %parallel_loop3A_617 : vector<16xi32>
        %parallel_loop3A_619 = arith.constant 511 : i32
        %parallel_loop3A_620 = vector.broadcast %parallel_loop3A_619 : i32 to vector<16xi32>
        %parallel_loop3A_621 = arith.andi %parallel_loop3A_615, %parallel_loop3A_620 : vector<16xi32>
        %parallel_loop3A_622 = tpu.vector_load_idx %arg6[%parallel_loop3A_618, %parallel_loop3A_621] : memref<56x512xf32, #tpu.memory_space<vmem>>[vector<16xi32>, vector<16xi32>], vector<16xf32>,
        %parallel_loop3A_623 = arith.addf %parallel_loop3A_612, %parallel_loop3A_622 : vector<16xf32>
        %parallel_loop3A_624 = arith.constant 0.142857149 : f32
        %parallel_loop3A_625 = vector.broadcast %parallel_loop3A_624 : f32 to vector<16xf32>
        %parallel_loop3A_626 = arith.mulf %parallel_loop3A_623, %parallel_loop3A_625 : vector<16xf32>
        %parallel_loop3A_627 = arith.constant 16 : i32
        %parallel_loop3A_628 = arith.muli %parallel_loop3A_126, %parallel_loop3A_627 : i32
        %parallel_loop3A_629 = arith.constant 2560 : i32
        %parallel_loop3A_630 = arith.addi %parallel_loop3A_629, %parallel_loop3A_628 : i32
        %parallel_loop3A_631 = arith.index_cast %parallel_loop3A_630 : i32 to index
        %parallel_loop3A_632 = tpu.vector_load %arg8[%parallel_loop3A_631] {strides = array<i32>} : memref<4096xf32, #tpu.memory_space<vmem>>, vector<16xf32>,
        tpu.vector_store %arg8[%parallel_loop3A_631], %parallel_loop3A_626 {strides = array<i32>} : memref<4096xf32, #tpu.memory_space<vmem>>, vector<16xf32>,
        %parallel_loop3A_633 = vector.broadcast %parallel_loop3A_128 : i32 to vector<16xi32>
        %parallel_loop3A_634 = arith.addi %add3A_24, %parallel_loop3A_633 : vector<16xi32>
        %parallel_loop3A_635 = arith.constant 9 : i32
        %parallel_loop3A_636 = vector.broadcast %parallel_loop3A_635 : i32 to vector<16xi32>
        %parallel_loop3A_637 = arith.shrsi %parallel_loop3A_634, %parallel_loop3A_636 : vector<16xi32>
        %parallel_loop3A_638 = arith.constant 511 : i32
        %parallel_loop3A_639 = vector.broadcast %parallel_loop3A_638 : i32 to vector<16xi32>
        %parallel_loop3A_640 = arith.andi %parallel_loop3A_634, %parallel_loop3A_639 : vector<16xi32>
        %parallel_loop3A_641 = tpu.vector_load_idx %arg6[%parallel_loop3A_637, %parallel_loop3A_640] : memref<56x512xf32, #tpu.memory_space<vmem>>[vector<16xi32>, vector<16xi32>], vector<16xf32>,
        %parallel_loop3A_642 = arith.constant 1 : i32
        %parallel_loop3A_643 = vector.broadcast %parallel_loop3A_642 : i32 to vector<16xi32>
        %parallel_loop3A_644 = arith.addi %parallel_loop3A_634, %parallel_loop3A_643 : vector<16xi32>
        %parallel_loop3A_645 = arith.constant 9 : i32
        %parallel_loop3A_646 = vector.broadcast %parallel_loop3A_645 : i32 to vector<16xi32>
        %parallel_loop3A_647 = arith.shrsi %parallel_loop3A_644, %parallel_loop3A_646 : vector<16xi32>
        %parallel_loop3A_648 = arith.constant 511 : i32
        %parallel_loop3A_649 = vector.broadcast %parallel_loop3A_648 : i32 to vector<16xi32>
        %parallel_loop3A_650 = arith.andi %parallel_loop3A_644, %parallel_loop3A_649 : vector<16xi32>
        %parallel_loop3A_651 = tpu.vector_load_idx %arg6[%parallel_loop3A_647, %parallel_loop3A_650] : memref<56x512xf32, #tpu.memory_space<vmem>>[vector<16xi32>, vector<16xi32>], vector<16xf32>,
        %parallel_loop3A_652 = arith.addf %parallel_loop3A_641, %parallel_loop3A_651 : vector<16xf32>
        %parallel_loop3A_653 = arith.constant 2 : i32
        %parallel_loop3A_654 = vector.broadcast %parallel_loop3A_653 : i32 to vector<16xi32>
        %parallel_loop3A_655 = arith.addi %parallel_loop3A_634, %parallel_loop3A_654 : vector<16xi32>
        %parallel_loop3A_656 = arith.constant 9 : i32
        %parallel_loop3A_657 = vector.broadcast %parallel_loop3A_656 : i32 to vector<16xi32>
        %parallel_loop3A_658 = arith.shrsi %parallel_loop3A_655, %parallel_loop3A_657 : vector<16xi32>
        %parallel_loop3A_659 = arith.constant 511 : i32
        %parallel_loop3A_660 = vector.broadcast %parallel_loop3A_659 : i32 to vector<16xi32>
        %parallel_loop3A_661 = arith.andi %parallel_loop3A_655, %parallel_loop3A_660 : vector<16xi32>
        %parallel_loop3A_662 = tpu.vector_load_idx %arg6[%parallel_loop3A_658, %parallel_loop3A_661] : memref<56x512xf32, #tpu.memory_space<vmem>>[vector<16xi32>, vector<16xi32>], vector<16xf32>,
        %parallel_loop3A_663 = arith.addf %parallel_loop3A_652, %parallel_loop3A_662 : vector<16xf32>
        %parallel_loop3A_664 = arith.constant 3 : i32
        %parallel_loop3A_665 = vector.broadcast %parallel_loop3A_664 : i32 to vector<16xi32>
        %parallel_loop3A_666 = arith.addi %parallel_loop3A_634, %parallel_loop3A_665 : vector<16xi32>
        %parallel_loop3A_667 = arith.constant 9 : i32
        %parallel_loop3A_668 = vector.broadcast %parallel_loop3A_667 : i32 to vector<16xi32>
        %parallel_loop3A_669 = arith.shrsi %parallel_loop3A_666, %parallel_loop3A_668 : vector<16xi32>
        %parallel_loop3A_670 = arith.constant 511 : i32
        %parallel_loop3A_671 = vector.broadcast %parallel_loop3A_670 : i32 to vector<16xi32>
        %parallel_loop3A_672 = arith.andi %parallel_loop3A_666, %parallel_loop3A_671 : vector<16xi32>
        %parallel_loop3A_673 = tpu.vector_load_idx %arg6[%parallel_loop3A_669, %parallel_loop3A_672] : memref<56x512xf32, #tpu.memory_space<vmem>>[vector<16xi32>, vector<16xi32>], vector<16xf32>,
        %parallel_loop3A_674 = arith.addf %parallel_loop3A_663, %parallel_loop3A_673 : vector<16xf32>
        %parallel_loop3A_675 = arith.constant 4 : i32
        %parallel_loop3A_676 = vector.broadcast %parallel_loop3A_675 : i32 to vector<16xi32>
        %parallel_loop3A_677 = arith.addi %parallel_loop3A_634, %parallel_loop3A_676 : vector<16xi32>
        %parallel_loop3A_678 = arith.constant 9 : i32
        %parallel_loop3A_679 = vector.broadcast %parallel_loop3A_678 : i32 to vector<16xi32>
        %parallel_loop3A_680 = arith.shrsi %parallel_loop3A_677, %parallel_loop3A_679 : vector<16xi32>
        %parallel_loop3A_681 = arith.constant 511 : i32
        %parallel_loop3A_682 = vector.broadcast %parallel_loop3A_681 : i32 to vector<16xi32>
        %parallel_loop3A_683 = arith.andi %parallel_loop3A_677, %parallel_loop3A_682 : vector<16xi32>
        %parallel_loop3A_684 = tpu.vector_load_idx %arg6[%parallel_loop3A_680, %parallel_loop3A_683] : memref<56x512xf32, #tpu.memory_space<vmem>>[vector<16xi32>, vector<16xi32>], vector<16xf32>,
        %parallel_loop3A_685 = arith.addf %parallel_loop3A_674, %parallel_loop3A_684 : vector<16xf32>
        %parallel_loop3A_686 = arith.constant 5 : i32
        %parallel_loop3A_687 = vector.broadcast %parallel_loop3A_686 : i32 to vector<16xi32>
        %parallel_loop3A_688 = arith.addi %parallel_loop3A_634, %parallel_loop3A_687 : vector<16xi32>
        %parallel_loop3A_689 = arith.constant 9 : i32
        %parallel_loop3A_690 = vector.broadcast %parallel_loop3A_689 : i32 to vector<16xi32>
        %parallel_loop3A_691 = arith.shrsi %parallel_loop3A_688, %parallel_loop3A_690 : vector<16xi32>
        %parallel_loop3A_692 = arith.constant 511 : i32
        %parallel_loop3A_693 = vector.broadcast %parallel_loop3A_692 : i32 to vector<16xi32>
        %parallel_loop3A_694 = arith.andi %parallel_loop3A_688, %parallel_loop3A_693 : vector<16xi32>
        %parallel_loop3A_695 = tpu.vector_load_idx %arg6[%parallel_loop3A_691, %parallel_loop3A_694] : memref<56x512xf32, #tpu.memory_space<vmem>>[vector<16xi32>, vector<16xi32>], vector<16xf32>,
        %parallel_loop3A_696 = arith.addf %parallel_loop3A_685, %parallel_loop3A_695 : vector<16xf32>
        %parallel_loop3A_697 = arith.constant 6 : i32
        %parallel_loop3A_698 = vector.broadcast %parallel_loop3A_697 : i32 to vector<16xi32>
        %parallel_loop3A_699 = arith.addi %parallel_loop3A_634, %parallel_loop3A_698 : vector<16xi32>
        %parallel_loop3A_700 = arith.constant 9 : i32
        %parallel_loop3A_701 = vector.broadcast %parallel_loop3A_700 : i32 to vector<16xi32>
        %parallel_loop3A_702 = arith.shrsi %parallel_loop3A_699, %parallel_loop3A_701 : vector<16xi32>
        %parallel_loop3A_703 = arith.constant 511 : i32
        %parallel_loop3A_704 = vector.broadcast %parallel_loop3A_703 : i32 to vector<16xi32>
        %parallel_loop3A_705 = arith.andi %parallel_loop3A_699, %parallel_loop3A_704 : vector<16xi32>
        %parallel_loop3A_706 = tpu.vector_load_idx %arg6[%parallel_loop3A_702, %parallel_loop3A_705] : memref<56x512xf32, #tpu.memory_space<vmem>>[vector<16xi32>, vector<16xi32>], vector<16xf32>,
        %parallel_loop3A_707 = arith.addf %parallel_loop3A_696, %parallel_loop3A_706 : vector<16xf32>
        %parallel_loop3A_708 = arith.constant 0.142857149 : f32
        %parallel_loop3A_709 = vector.broadcast %parallel_loop3A_708 : f32 to vector<16xf32>
        %parallel_loop3A_710 = arith.mulf %parallel_loop3A_707, %parallel_loop3A_709 : vector<16xf32>
        %parallel_loop3A_711 = arith.constant 16 : i32
        %parallel_loop3A_712 = arith.muli %parallel_loop3A_126, %parallel_loop3A_711 : i32
        %parallel_loop3A_713 = arith.constant 3072 : i32
        %parallel_loop3A_714 = arith.addi %parallel_loop3A_713, %parallel_loop3A_712 : i32
        %parallel_loop3A_715 = arith.index_cast %parallel_loop3A_714 : i32 to index
        %parallel_loop3A_716 = tpu.vector_load %arg8[%parallel_loop3A_715] {strides = array<i32>} : memref<4096xf32, #tpu.memory_space<vmem>>, vector<16xf32>,
        tpu.vector_store %arg8[%parallel_loop3A_715], %parallel_loop3A_710 {strides = array<i32>} : memref<4096xf32, #tpu.memory_space<vmem>>, vector<16xf32>,
        %parallel_loop3A_717 = vector.broadcast %parallel_loop3A_128 : i32 to vector<16xi32>
        %parallel_loop3A_718 = arith.addi %add3A_27, %parallel_loop3A_717 : vector<16xi32>
        %parallel_loop3A_719 = arith.constant 9 : i32
        %parallel_loop3A_720 = vector.broadcast %parallel_loop3A_719 : i32 to vector<16xi32>
        %parallel_loop3A_721 = arith.shrsi %parallel_loop3A_718, %parallel_loop3A_720 : vector<16xi32>
        %parallel_loop3A_722 = arith.constant 511 : i32
        %parallel_loop3A_723 = vector.broadcast %parallel_loop3A_722 : i32 to vector<16xi32>
        %parallel_loop3A_724 = arith.andi %parallel_loop3A_718, %parallel_loop3A_723 : vector<16xi32>
        %parallel_loop3A_725 = tpu.vector_load_idx %arg6[%parallel_loop3A_721, %parallel_loop3A_724] : memref<56x512xf32, #tpu.memory_space<vmem>>[vector<16xi32>, vector<16xi32>], vector<16xf32>,
        %parallel_loop3A_726 = arith.constant 1 : i32
        %parallel_loop3A_727 = vector.broadcast %parallel_loop3A_726 : i32 to vector<16xi32>
        %parallel_loop3A_728 = arith.addi %parallel_loop3A_718, %parallel_loop3A_727 : vector<16xi32>
        %parallel_loop3A_729 = arith.constant 9 : i32
        %parallel_loop3A_730 = vector.broadcast %parallel_loop3A_729 : i32 to vector<16xi32>
        %parallel_loop3A_731 = arith.shrsi %parallel_loop3A_728, %parallel_loop3A_730 : vector<16xi32>
        %parallel_loop3A_732 = arith.constant 511 : i32
        %parallel_loop3A_733 = vector.broadcast %parallel_loop3A_732 : i32 to vector<16xi32>
        %parallel_loop3A_734 = arith.andi %parallel_loop3A_728, %parallel_loop3A_733 : vector<16xi32>
        %parallel_loop3A_735 = tpu.vector_load_idx %arg6[%parallel_loop3A_731, %parallel_loop3A_734] : memref<56x512xf32, #tpu.memory_space<vmem>>[vector<16xi32>, vector<16xi32>], vector<16xf32>,
        %parallel_loop3A_736 = arith.addf %parallel_loop3A_725, %parallel_loop3A_735 : vector<16xf32>
        %parallel_loop3A_737 = arith.constant 2 : i32
        %parallel_loop3A_738 = vector.broadcast %parallel_loop3A_737 : i32 to vector<16xi32>
        %parallel_loop3A_739 = arith.addi %parallel_loop3A_718, %parallel_loop3A_738 : vector<16xi32>
        %parallel_loop3A_740 = arith.constant 9 : i32
        %parallel_loop3A_741 = vector.broadcast %parallel_loop3A_740 : i32 to vector<16xi32>
        %parallel_loop3A_742 = arith.shrsi %parallel_loop3A_739, %parallel_loop3A_741 : vector<16xi32>
        %parallel_loop3A_743 = arith.constant 511 : i32
        %parallel_loop3A_744 = vector.broadcast %parallel_loop3A_743 : i32 to vector<16xi32>
        %parallel_loop3A_745 = arith.andi %parallel_loop3A_739, %parallel_loop3A_744 : vector<16xi32>
        %parallel_loop3A_746 = tpu.vector_load_idx %arg6[%parallel_loop3A_742, %parallel_loop3A_745] : memref<56x512xf32, #tpu.memory_space<vmem>>[vector<16xi32>, vector<16xi32>], vector<16xf32>,
        %parallel_loop3A_747 = arith.addf %parallel_loop3A_736, %parallel_loop3A_746 : vector<16xf32>
        %parallel_loop3A_748 = arith.constant 3 : i32
        %parallel_loop3A_749 = vector.broadcast %parallel_loop3A_748 : i32 to vector<16xi32>
        %parallel_loop3A_750 = arith.addi %parallel_loop3A_718, %parallel_loop3A_749 : vector<16xi32>
        %parallel_loop3A_751 = arith.constant 9 : i32
        %parallel_loop3A_752 = vector.broadcast %parallel_loop3A_751 : i32 to vector<16xi32>
        %parallel_loop3A_753 = arith.shrsi %parallel_loop3A_750, %parallel_loop3A_752 : vector<16xi32>
        %parallel_loop3A_754 = arith.constant 511 : i32
        %parallel_loop3A_755 = vector.broadcast %parallel_loop3A_754 : i32 to vector<16xi32>
        %parallel_loop3A_756 = arith.andi %parallel_loop3A_750, %parallel_loop3A_755 : vector<16xi32>
        %parallel_loop3A_757 = tpu.vector_load_idx %arg6[%parallel_loop3A_753, %parallel_loop3A_756] : memref<56x512xf32, #tpu.memory_space<vmem>>[vector<16xi32>, vector<16xi32>], vector<16xf32>,
        %parallel_loop3A_758 = arith.addf %parallel_loop3A_747, %parallel_loop3A_757 : vector<16xf32>
        %parallel_loop3A_759 = arith.constant 4 : i32
        %parallel_loop3A_760 = vector.broadcast %parallel_loop3A_759 : i32 to vector<16xi32>
        %parallel_loop3A_761 = arith.addi %parallel_loop3A_718, %parallel_loop3A_760 : vector<16xi32>
        %parallel_loop3A_762 = arith.constant 9 : i32
        %parallel_loop3A_763 = vector.broadcast %parallel_loop3A_762 : i32 to vector<16xi32>
        %parallel_loop3A_764 = arith.shrsi %parallel_loop3A_761, %parallel_loop3A_763 : vector<16xi32>
        %parallel_loop3A_765 = arith.constant 511 : i32
        %parallel_loop3A_766 = vector.broadcast %parallel_loop3A_765 : i32 to vector<16xi32>
        %parallel_loop3A_767 = arith.andi %parallel_loop3A_761, %parallel_loop3A_766 : vector<16xi32>
        %parallel_loop3A_768 = tpu.vector_load_idx %arg6[%parallel_loop3A_764, %parallel_loop3A_767] : memref<56x512xf32, #tpu.memory_space<vmem>>[vector<16xi32>, vector<16xi32>], vector<16xf32>,
        %parallel_loop3A_769 = arith.addf %parallel_loop3A_758, %parallel_loop3A_768 : vector<16xf32>
        %parallel_loop3A_770 = arith.constant 5 : i32
        %parallel_loop3A_771 = vector.broadcast %parallel_loop3A_770 : i32 to vector<16xi32>
        %parallel_loop3A_772 = arith.addi %parallel_loop3A_718, %parallel_loop3A_771 : vector<16xi32>
        %parallel_loop3A_773 = arith.constant 9 : i32
        %parallel_loop3A_774 = vector.broadcast %parallel_loop3A_773 : i32 to vector<16xi32>
        %parallel_loop3A_775 = arith.shrsi %parallel_loop3A_772, %parallel_loop3A_774 : vector<16xi32>
        %parallel_loop3A_776 = arith.constant 511 : i32
        %parallel_loop3A_777 = vector.broadcast %parallel_loop3A_776 : i32 to vector<16xi32>
        %parallel_loop3A_778 = arith.andi %parallel_loop3A_772, %parallel_loop3A_777 : vector<16xi32>
        %parallel_loop3A_779 = tpu.vector_load_idx %arg6[%parallel_loop3A_775, %parallel_loop3A_778] : memref<56x512xf32, #tpu.memory_space<vmem>>[vector<16xi32>, vector<16xi32>], vector<16xf32>,
        %parallel_loop3A_780 = arith.addf %parallel_loop3A_769, %parallel_loop3A_779 : vector<16xf32>
        %parallel_loop3A_781 = arith.constant 6 : i32
        %parallel_loop3A_782 = vector.broadcast %parallel_loop3A_781 : i32 to vector<16xi32>
        %parallel_loop3A_783 = arith.addi %parallel_loop3A_718, %parallel_loop3A_782 : vector<16xi32>
        %parallel_loop3A_784 = arith.constant 9 : i32
        %parallel_loop3A_785 = vector.broadcast %parallel_loop3A_784 : i32 to vector<16xi32>
        %parallel_loop3A_786 = arith.shrsi %parallel_loop3A_783, %parallel_loop3A_785 : vector<16xi32>
        %parallel_loop3A_787 = arith.constant 511 : i32
        %parallel_loop3A_788 = vector.broadcast %parallel_loop3A_787 : i32 to vector<16xi32>
        %parallel_loop3A_789 = arith.andi %parallel_loop3A_783, %parallel_loop3A_788 : vector<16xi32>
        %parallel_loop3A_790 = tpu.vector_load_idx %arg6[%parallel_loop3A_786, %parallel_loop3A_789] : memref<56x512xf32, #tpu.memory_space<vmem>>[vector<16xi32>, vector<16xi32>], vector<16xf32>,
        %parallel_loop3A_791 = arith.addf %parallel_loop3A_780, %parallel_loop3A_790 : vector<16xf32>
        %parallel_loop3A_792 = arith.constant 0.142857149 : f32
        %parallel_loop3A_793 = vector.broadcast %parallel_loop3A_792 : f32 to vector<16xf32>
        %parallel_loop3A_794 = arith.mulf %parallel_loop3A_791, %parallel_loop3A_793 : vector<16xf32>
        %parallel_loop3A_795 = arith.constant 16 : i32
        %parallel_loop3A_796 = arith.muli %parallel_loop3A_126, %parallel_loop3A_795 : i32
        %parallel_loop3A_797 = arith.constant 3584 : i32
        %parallel_loop3A_798 = arith.addi %parallel_loop3A_797, %parallel_loop3A_796 : i32
        %parallel_loop3A_799 = arith.index_cast %parallel_loop3A_798 : i32 to index
        %parallel_loop3A_800 = tpu.vector_load %arg8[%parallel_loop3A_799] {strides = array<i32>} : memref<4096xf32, #tpu.memory_space<vmem>>, vector<16xf32>,
        tpu.vector_store %arg8[%parallel_loop3A_799], %parallel_loop3A_794 {strides = array<i32>} : memref<4096xf32, #tpu.memory_space<vmem>>, vector<16xf32>,
      } {sc.loop_unroll_factor = 2 : i64, sc.parallel_access}
      %add3A_58 = arith.constant 0 : i32
      %add3A_59 = arith.addi %mul3A_48, %add3A_58 : i32
      %add3A_60 = arith.constant 2 : i32
      %add3A_61 = arith.addi %add3A_59, %add3A_60 : i32
      %mul3A_62 = arith.constant 56 : i32
      %mul3A_63 = arith.muli %add3A_61, %mul3A_62 : i32
      %dma_start3A_64 = tpu.memref_slice %arg5[%mul3A_63] : memref<9184xi32, #tpu.memory_space<vmem>> -> memref<56xi32, #tpu.memory_space<vmem>>
      %dma_start3A_65 = arith.constant 0 : i32
      %dma_start3A_66 = arith.constant 0 : i32
      %dma_start3A_67 = tpu.memref_slice %arg2[%dma_start3A_65, %dma_start3A_66] : memref<163842x512xf32, #tpu.memory_space<hbm>> -> memref<163842x512xf32, #tpu.memory_space<hbm>>
      tpu.enqueue_indirect_dma source(%dma_start3A_67 : memref<163842x512xf32, #tpu.memory_space<hbm>>) target(%arg6 : memref<56x512xf32, #tpu.memory_space<vmem>>) offsets(%dma_start3A_64 : memref<56xi32, #tpu.memory_space<vmem>>) semaphore(%arg10 : memref<!tpu.dma_semaphore, #tpu.memory_space<semaphore_mem>>)
      %add3A_68 = arith.constant 0 : i32
      %add3A_69 = arith.addi %mul3A_48, %add3A_68 : i32
      %mul3A_70 = arith.constant 162 : i32
      %mul3A_71 = arith.muli %add3A, %mul3A_70 : i32
      %add3A_72 = arith.addi %mul3A_71, %add3A_69 : i32
      %mul3A_73 = arith.constant 4096 : i32
      %mul3A_74 = arith.muli %add3A_72, %mul3A_73 : i32
      %dma_start3A_75 = tpu.memref_slice %arg4[%mul3A_74] : memref<21233664xf32, #tpu.memory_space<hbm>> -> memref<4096xf32, #tpu.memory_space<hbm>>
      %dma_start3A_76 = tpu.memref_slice %arg4[%mul3A_74] : memref<21233664xf32, #tpu.memory_space<hbm>> -> memref<4096xf32, #tpu.memory_space<hbm>>
      tpu.enqueue_dma source(%arg8 : memref<4096xf32, #tpu.memory_space<vmem>>) target(%dma_start3A_76 : memref<4096xf32, #tpu.memory_space<hbm>>) target_semaphore(%arg12 : memref<!tpu.dma_semaphore, #tpu.memory_space<semaphore_mem>>)
      %add3A_77 = arith.constant 1 : i32
      %add3A_78 = arith.addi %mul3A_48, %add3A_77 : i32
      %mul3A_79 = arith.constant 56 : i32
      %mul3A_80 = arith.muli %add3A_78, %mul3A_79 : i32
      %dma_wait3A_81 = tpu.memref_slice %arg5[%mul3A_80] : memref<9184xi32, #tpu.memory_space<vmem>> -> memref<56xi32, #tpu.memory_space<vmem>>
      %dma_wait3A_82 = arith.constant 0 : i32
      %dma_wait3A_83 = arith.constant 0 : i32
      %dma_wait3A_84 = tpu.memref_slice %arg2[%dma_wait3A_82, %dma_wait3A_83] : memref<163842x512xf32, #tpu.memory_space<hbm>> -> memref<163842x512xf32, #tpu.memory_space<hbm>>
      tpu.wait_indirect_dma semaphore(%arg11 : memref<!tpu.dma_semaphore, #tpu.memory_space<semaphore_mem>>) src(%dma_wait3A_84 : memref<163842x512xf32, #tpu.memory_space<hbm>>) dst(%arg7 : memref<56x512xf32, #tpu.memory_space<vmem>>)
      %parallel_loop3A_85 = arith.constant 0 : i32
      %parallel_loop3A_86 = arith.constant 32 : i32
      %parallel_loop3A_87 = arith.constant 1 : i32
      scf.for %parallel_loop3A_126 = %parallel_loop3A_85 to %parallel_loop3A_86 step %parallel_loop3A_87  : i32 {
        %parallel_loop3A_127 = arith.constant 112 : i32
        %parallel_loop3A_128 = arith.muli %parallel_loop3A_126, %parallel_loop3A_127 : i32
        %parallel_loop3A_129 = vector.broadcast %parallel_loop3A_128 : i32 to vector<16xi32>
        %parallel_loop3A_130 = arith.addi %add3A_6, %parallel_loop3A_129 : vector<16xi32>
        %parallel_loop3A_131 = arith.constant 9 : i32
        %parallel_loop3A_132 = vector.broadcast %parallel_loop3A_131 : i32 to vector<16xi32>
        %parallel_loop3A_133 = arith.shrsi %parallel_loop3A_130, %parallel_loop3A_132 : vector<16xi32>
        %parallel_loop3A_134 = arith.constant 511 : i32
        %parallel_loop3A_135 = vector.broadcast %parallel_loop3A_134 : i32 to vector<16xi32>
        %parallel_loop3A_136 = arith.andi %parallel_loop3A_130, %parallel_loop3A_135 : vector<16xi32>
        %parallel_loop3A_137 = tpu.vector_load_idx %arg7[%parallel_loop3A_133, %parallel_loop3A_136] : memref<56x512xf32, #tpu.memory_space<vmem>>[vector<16xi32>, vector<16xi32>], vector<16xf32>,
        %parallel_loop3A_138 = arith.constant 1 : i32
        %parallel_loop3A_139 = vector.broadcast %parallel_loop3A_138 : i32 to vector<16xi32>
        %parallel_loop3A_140 = arith.addi %parallel_loop3A_130, %parallel_loop3A_139 : vector<16xi32>
        %parallel_loop3A_141 = arith.constant 9 : i32
        %parallel_loop3A_142 = vector.broadcast %parallel_loop3A_141 : i32 to vector<16xi32>
        %parallel_loop3A_143 = arith.shrsi %parallel_loop3A_140, %parallel_loop3A_142 : vector<16xi32>
        %parallel_loop3A_144 = arith.constant 511 : i32
        %parallel_loop3A_145 = vector.broadcast %parallel_loop3A_144 : i32 to vector<16xi32>
        %parallel_loop3A_146 = arith.andi %parallel_loop3A_140, %parallel_loop3A_145 : vector<16xi32>
        %parallel_loop3A_147 = tpu.vector_load_idx %arg7[%parallel_loop3A_143, %parallel_loop3A_146] : memref<56x512xf32, #tpu.memory_space<vmem>>[vector<16xi32>, vector<16xi32>], vector<16xf32>,
        %parallel_loop3A_148 = arith.addf %parallel_loop3A_137, %parallel_loop3A_147 : vector<16xf32>
        %parallel_loop3A_149 = arith.constant 2 : i32
        %parallel_loop3A_150 = vector.broadcast %parallel_loop3A_149 : i32 to vector<16xi32>
        %parallel_loop3A_151 = arith.addi %parallel_loop3A_130, %parallel_loop3A_150 : vector<16xi32>
        %parallel_loop3A_152 = arith.constant 9 : i32
        %parallel_loop3A_153 = vector.broadcast %parallel_loop3A_152 : i32 to vector<16xi32>
        %parallel_loop3A_154 = arith.shrsi %parallel_loop3A_151, %parallel_loop3A_153 : vector<16xi32>
        %parallel_loop3A_155 = arith.constant 511 : i32
        %parallel_loop3A_156 = vector.broadcast %parallel_loop3A_155 : i32 to vector<16xi32>
        %parallel_loop3A_157 = arith.andi %parallel_loop3A_151, %parallel_loop3A_156 : vector<16xi32>
        %parallel_loop3A_158 = tpu.vector_load_idx %arg7[%parallel_loop3A_154, %parallel_loop3A_157] : memref<56x512xf32, #tpu.memory_space<vmem>>[vector<16xi32>, vector<16xi32>], vector<16xf32>,
        %parallel_loop3A_159 = arith.addf %parallel_loop3A_148, %parallel_loop3A_158 : vector<16xf32>
        %parallel_loop3A_160 = arith.constant 3 : i32
        %parallel_loop3A_161 = vector.broadcast %parallel_loop3A_160 : i32 to vector<16xi32>
        %parallel_loop3A_162 = arith.addi %parallel_loop3A_130, %parallel_loop3A_161 : vector<16xi32>
        %parallel_loop3A_163 = arith.constant 9 : i32
        %parallel_loop3A_164 = vector.broadcast %parallel_loop3A_163 : i32 to vector<16xi32>
        %parallel_loop3A_165 = arith.shrsi %parallel_loop3A_162, %parallel_loop3A_164 : vector<16xi32>
        %parallel_loop3A_166 = arith.constant 511 : i32
        %parallel_loop3A_167 = vector.broadcast %parallel_loop3A_166 : i32 to vector<16xi32>
        %parallel_loop3A_168 = arith.andi %parallel_loop3A_162, %parallel_loop3A_167 : vector<16xi32>
        %parallel_loop3A_169 = tpu.vector_load_idx %arg7[%parallel_loop3A_165, %parallel_loop3A_168] : memref<56x512xf32, #tpu.memory_space<vmem>>[vector<16xi32>, vector<16xi32>], vector<16xf32>,
        %parallel_loop3A_170 = arith.addf %parallel_loop3A_159, %parallel_loop3A_169 : vector<16xf32>
        %parallel_loop3A_171 = arith.constant 4 : i32
        %parallel_loop3A_172 = vector.broadcast %parallel_loop3A_171 : i32 to vector<16xi32>
        %parallel_loop3A_173 = arith.addi %parallel_loop3A_130, %parallel_loop3A_172 : vector<16xi32>
        %parallel_loop3A_174 = arith.constant 9 : i32
        %parallel_loop3A_175 = vector.broadcast %parallel_loop3A_174 : i32 to vector<16xi32>
        %parallel_loop3A_176 = arith.shrsi %parallel_loop3A_173, %parallel_loop3A_175 : vector<16xi32>
        %parallel_loop3A_177 = arith.constant 511 : i32
        %parallel_loop3A_178 = vector.broadcast %parallel_loop3A_177 : i32 to vector<16xi32>
        %parallel_loop3A_179 = arith.andi %parallel_loop3A_173, %parallel_loop3A_178 : vector<16xi32>
        %parallel_loop3A_180 = tpu.vector_load_idx %arg7[%parallel_loop3A_176, %parallel_loop3A_179] : memref<56x512xf32, #tpu.memory_space<vmem>>[vector<16xi32>, vector<16xi32>], vector<16xf32>,
        %parallel_loop3A_181 = arith.addf %parallel_loop3A_170, %parallel_loop3A_180 : vector<16xf32>
        %parallel_loop3A_182 = arith.constant 5 : i32
        %parallel_loop3A_183 = vector.broadcast %parallel_loop3A_182 : i32 to vector<16xi32>
        %parallel_loop3A_184 = arith.addi %parallel_loop3A_130, %parallel_loop3A_183 : vector<16xi32>
        %parallel_loop3A_185 = arith.constant 9 : i32
        %parallel_loop3A_186 = vector.broadcast %parallel_loop3A_185 : i32 to vector<16xi32>
        %parallel_loop3A_187 = arith.shrsi %parallel_loop3A_184, %parallel_loop3A_186 : vector<16xi32>
        %parallel_loop3A_188 = arith.constant 511 : i32
        %parallel_loop3A_189 = vector.broadcast %parallel_loop3A_188 : i32 to vector<16xi32>
        %parallel_loop3A_190 = arith.andi %parallel_loop3A_184, %parallel_loop3A_189 : vector<16xi32>
        %parallel_loop3A_191 = tpu.vector_load_idx %arg7[%parallel_loop3A_187, %parallel_loop3A_190] : memref<56x512xf32, #tpu.memory_space<vmem>>[vector<16xi32>, vector<16xi32>], vector<16xf32>,
        %parallel_loop3A_192 = arith.addf %parallel_loop3A_181, %parallel_loop3A_191 : vector<16xf32>
        %parallel_loop3A_193 = arith.constant 6 : i32
        %parallel_loop3A_194 = vector.broadcast %parallel_loop3A_193 : i32 to vector<16xi32>
        %parallel_loop3A_195 = arith.addi %parallel_loop3A_130, %parallel_loop3A_194 : vector<16xi32>
        %parallel_loop3A_196 = arith.constant 9 : i32
        %parallel_loop3A_197 = vector.broadcast %parallel_loop3A_196 : i32 to vector<16xi32>
        %parallel_loop3A_198 = arith.shrsi %parallel_loop3A_195, %parallel_loop3A_197 : vector<16xi32>
        %parallel_loop3A_199 = arith.constant 511 : i32
        %parallel_loop3A_200 = vector.broadcast %parallel_loop3A_199 : i32 to vector<16xi32>
        %parallel_loop3A_201 = arith.andi %parallel_loop3A_195, %parallel_loop3A_200 : vector<16xi32>
        %parallel_loop3A_202 = tpu.vector_load_idx %arg7[%parallel_loop3A_198, %parallel_loop3A_201] : memref<56x512xf32, #tpu.memory_space<vmem>>[vector<16xi32>, vector<16xi32>], vector<16xf32>,
        %parallel_loop3A_203 = arith.addf %parallel_loop3A_192, %parallel_loop3A_202 : vector<16xf32>
        %parallel_loop3A_204 = arith.constant 0.142857149 : f32
        %parallel_loop3A_205 = vector.broadcast %parallel_loop3A_204 : f32 to vector<16xf32>
        %parallel_loop3A_206 = arith.mulf %parallel_loop3A_203, %parallel_loop3A_205 : vector<16xf32>
        %parallel_loop3A_207 = arith.constant 16 : i32
        %parallel_loop3A_208 = arith.muli %parallel_loop3A_126, %parallel_loop3A_207 : i32
        %parallel_loop3A_209 = arith.constant 0 : i32
        %parallel_loop3A_210 = arith.addi %parallel_loop3A_209, %parallel_loop3A_208 : i32
        %parallel_loop3A_211 = arith.index_cast %parallel_loop3A_210 : i32 to index
        %parallel_loop3A_212 = tpu.vector_load %arg9[%parallel_loop3A_211] {strides = array<i32>} : memref<4096xf32, #tpu.memory_space<vmem>>, vector<16xf32>,
        tpu.vector_store %arg9[%parallel_loop3A_211], %parallel_loop3A_206 {strides = array<i32>} : memref<4096xf32, #tpu.memory_space<vmem>>, vector<16xf32>,
        %parallel_loop3A_213 = vector.broadcast %parallel_loop3A_128 : i32 to vector<16xi32>
        %parallel_loop3A_214 = arith.addi %add3A_9, %parallel_loop3A_213 : vector<16xi32>
        %parallel_loop3A_215 = arith.constant 9 : i32
        %parallel_loop3A_216 = vector.broadcast %parallel_loop3A_215 : i32 to vector<16xi32>
        %parallel_loop3A_217 = arith.shrsi %parallel_loop3A_214, %parallel_loop3A_216 : vector<16xi32>
        %parallel_loop3A_218 = arith.constant 511 : i32
        %parallel_loop3A_219 = vector.broadcast %parallel_loop3A_218 : i32 to vector<16xi32>
        %parallel_loop3A_220 = arith.andi %parallel_loop3A_214, %parallel_loop3A_219 : vector<16xi32>
        %parallel_loop3A_221 = tpu.vector_load_idx %arg7[%parallel_loop3A_217, %parallel_loop3A_220] : memref<56x512xf32, #tpu.memory_space<vmem>>[vector<16xi32>, vector<16xi32>], vector<16xf32>,
        %parallel_loop3A_222 = arith.constant 1 : i32
        %parallel_loop3A_223 = vector.broadcast %parallel_loop3A_222 : i32 to vector<16xi32>
        %parallel_loop3A_224 = arith.addi %parallel_loop3A_214, %parallel_loop3A_223 : vector<16xi32>
        %parallel_loop3A_225 = arith.constant 9 : i32
        %parallel_loop3A_226 = vector.broadcast %parallel_loop3A_225 : i32 to vector<16xi32>
        %parallel_loop3A_227 = arith.shrsi %parallel_loop3A_224, %parallel_loop3A_226 : vector<16xi32>
        %parallel_loop3A_228 = arith.constant 511 : i32
        %parallel_loop3A_229 = vector.broadcast %parallel_loop3A_228 : i32 to vector<16xi32>
        %parallel_loop3A_230 = arith.andi %parallel_loop3A_224, %parallel_loop3A_229 : vector<16xi32>
        %parallel_loop3A_231 = tpu.vector_load_idx %arg7[%parallel_loop3A_227, %parallel_loop3A_230] : memref<56x512xf32, #tpu.memory_space<vmem>>[vector<16xi32>, vector<16xi32>], vector<16xf32>,
        %parallel_loop3A_232 = arith.addf %parallel_loop3A_221, %parallel_loop3A_231 : vector<16xf32>
        %parallel_loop3A_233 = arith.constant 2 : i32
        %parallel_loop3A_234 = vector.broadcast %parallel_loop3A_233 : i32 to vector<16xi32>
        %parallel_loop3A_235 = arith.addi %parallel_loop3A_214, %parallel_loop3A_234 : vector<16xi32>
        %parallel_loop3A_236 = arith.constant 9 : i32
        %parallel_loop3A_237 = vector.broadcast %parallel_loop3A_236 : i32 to vector<16xi32>
        %parallel_loop3A_238 = arith.shrsi %parallel_loop3A_235, %parallel_loop3A_237 : vector<16xi32>
        %parallel_loop3A_239 = arith.constant 511 : i32
        %parallel_loop3A_240 = vector.broadcast %parallel_loop3A_239 : i32 to vector<16xi32>
        %parallel_loop3A_241 = arith.andi %parallel_loop3A_235, %parallel_loop3A_240 : vector<16xi32>
        %parallel_loop3A_242 = tpu.vector_load_idx %arg7[%parallel_loop3A_238, %parallel_loop3A_241] : memref<56x512xf32, #tpu.memory_space<vmem>>[vector<16xi32>, vector<16xi32>], vector<16xf32>,
        %parallel_loop3A_243 = arith.addf %parallel_loop3A_232, %parallel_loop3A_242 : vector<16xf32>
        %parallel_loop3A_244 = arith.constant 3 : i32
        %parallel_loop3A_245 = vector.broadcast %parallel_loop3A_244 : i32 to vector<16xi32>
        %parallel_loop3A_246 = arith.addi %parallel_loop3A_214, %parallel_loop3A_245 : vector<16xi32>
        %parallel_loop3A_247 = arith.constant 9 : i32
        %parallel_loop3A_248 = vector.broadcast %parallel_loop3A_247 : i32 to vector<16xi32>
        %parallel_loop3A_249 = arith.shrsi %parallel_loop3A_246, %parallel_loop3A_248 : vector<16xi32>
        %parallel_loop3A_250 = arith.constant 511 : i32
        %parallel_loop3A_251 = vector.broadcast %parallel_loop3A_250 : i32 to vector<16xi32>
        %parallel_loop3A_252 = arith.andi %parallel_loop3A_246, %parallel_loop3A_251 : vector<16xi32>
        %parallel_loop3A_253 = tpu.vector_load_idx %arg7[%parallel_loop3A_249, %parallel_loop3A_252] : memref<56x512xf32, #tpu.memory_space<vmem>>[vector<16xi32>, vector<16xi32>], vector<16xf32>,
        %parallel_loop3A_254 = arith.addf %parallel_loop3A_243, %parallel_loop3A_253 : vector<16xf32>
        %parallel_loop3A_255 = arith.constant 4 : i32
        %parallel_loop3A_256 = vector.broadcast %parallel_loop3A_255 : i32 to vector<16xi32>
        %parallel_loop3A_257 = arith.addi %parallel_loop3A_214, %parallel_loop3A_256 : vector<16xi32>
        %parallel_loop3A_258 = arith.constant 9 : i32
        %parallel_loop3A_259 = vector.broadcast %parallel_loop3A_258 : i32 to vector<16xi32>
        %parallel_loop3A_260 = arith.shrsi %parallel_loop3A_257, %parallel_loop3A_259 : vector<16xi32>
        %parallel_loop3A_261 = arith.constant 511 : i32
        %parallel_loop3A_262 = vector.broadcast %parallel_loop3A_261 : i32 to vector<16xi32>
        %parallel_loop3A_263 = arith.andi %parallel_loop3A_257, %parallel_loop3A_262 : vector<16xi32>
        %parallel_loop3A_264 = tpu.vector_load_idx %arg7[%parallel_loop3A_260, %parallel_loop3A_263] : memref<56x512xf32, #tpu.memory_space<vmem>>[vector<16xi32>, vector<16xi32>], vector<16xf32>,
        %parallel_loop3A_265 = arith.addf %parallel_loop3A_254, %parallel_loop3A_264 : vector<16xf32>
        %parallel_loop3A_266 = arith.constant 5 : i32
        %parallel_loop3A_267 = vector.broadcast %parallel_loop3A_266 : i32 to vector<16xi32>
        %parallel_loop3A_268 = arith.addi %parallel_loop3A_214, %parallel_loop3A_267 : vector<16xi32>
        %parallel_loop3A_269 = arith.constant 9 : i32
        %parallel_loop3A_270 = vector.broadcast %parallel_loop3A_269 : i32 to vector<16xi32>
        %parallel_loop3A_271 = arith.shrsi %parallel_loop3A_268, %parallel_loop3A_270 : vector<16xi32>
        %parallel_loop3A_272 = arith.constant 511 : i32
        %parallel_loop3A_273 = vector.broadcast %parallel_loop3A_272 : i32 to vector<16xi32>
        %parallel_loop3A_274 = arith.andi %parallel_loop3A_268, %parallel_loop3A_273 : vector<16xi32>
        %parallel_loop3A_275 = tpu.vector_load_idx %arg7[%parallel_loop3A_271, %parallel_loop3A_274] : memref<56x512xf32, #tpu.memory_space<vmem>>[vector<16xi32>, vector<16xi32>], vector<16xf32>,
        %parallel_loop3A_276 = arith.addf %parallel_loop3A_265, %parallel_loop3A_275 : vector<16xf32>
        %parallel_loop3A_277 = arith.constant 6 : i32
        %parallel_loop3A_278 = vector.broadcast %parallel_loop3A_277 : i32 to vector<16xi32>
        %parallel_loop3A_279 = arith.addi %parallel_loop3A_214, %parallel_loop3A_278 : vector<16xi32>
        %parallel_loop3A_280 = arith.constant 9 : i32
        %parallel_loop3A_281 = vector.broadcast %parallel_loop3A_280 : i32 to vector<16xi32>
        %parallel_loop3A_282 = arith.shrsi %parallel_loop3A_279, %parallel_loop3A_281 : vector<16xi32>
        %parallel_loop3A_283 = arith.constant 511 : i32
        %parallel_loop3A_284 = vector.broadcast %parallel_loop3A_283 : i32 to vector<16xi32>
        %parallel_loop3A_285 = arith.andi %parallel_loop3A_279, %parallel_loop3A_284 : vector<16xi32>
        %parallel_loop3A_286 = tpu.vector_load_idx %arg7[%parallel_loop3A_282, %parallel_loop3A_285] : memref<56x512xf32, #tpu.memory_space<vmem>>[vector<16xi32>, vector<16xi32>], vector<16xf32>,
        %parallel_loop3A_287 = arith.addf %parallel_loop3A_276, %parallel_loop3A_286 : vector<16xf32>
        %parallel_loop3A_288 = arith.constant 0.142857149 : f32
        %parallel_loop3A_289 = vector.broadcast %parallel_loop3A_288 : f32 to vector<16xf32>
        %parallel_loop3A_290 = arith.mulf %parallel_loop3A_287, %parallel_loop3A_289 : vector<16xf32>
        %parallel_loop3A_291 = arith.constant 16 : i32
        %parallel_loop3A_292 = arith.muli %parallel_loop3A_126, %parallel_loop3A_291 : i32
        %parallel_loop3A_293 = arith.constant 512 : i32
        %parallel_loop3A_294 = arith.addi %parallel_loop3A_293, %parallel_loop3A_292 : i32
        %parallel_loop3A_295 = arith.index_cast %parallel_loop3A_294 : i32 to index
        %parallel_loop3A_296 = tpu.vector_load %arg9[%parallel_loop3A_295] {strides = array<i32>} : memref<4096xf32, #tpu.memory_space<vmem>>, vector<16xf32>,
        tpu.vector_store %arg9[%parallel_loop3A_295], %parallel_loop3A_290 {strides = array<i32>} : memref<4096xf32, #tpu.memory_space<vmem>>, vector<16xf32>,
        %parallel_loop3A_297 = vector.broadcast %parallel_loop3A_128 : i32 to vector<16xi32>
        %parallel_loop3A_298 = arith.addi %add3A_12, %parallel_loop3A_297 : vector<16xi32>
        %parallel_loop3A_299 = arith.constant 9 : i32
        %parallel_loop3A_300 = vector.broadcast %parallel_loop3A_299 : i32 to vector<16xi32>
        %parallel_loop3A_301 = arith.shrsi %parallel_loop3A_298, %parallel_loop3A_300 : vector<16xi32>
        %parallel_loop3A_302 = arith.constant 511 : i32
        %parallel_loop3A_303 = vector.broadcast %parallel_loop3A_302 : i32 to vector<16xi32>
        %parallel_loop3A_304 = arith.andi %parallel_loop3A_298, %parallel_loop3A_303 : vector<16xi32>
        %parallel_loop3A_305 = tpu.vector_load_idx %arg7[%parallel_loop3A_301, %parallel_loop3A_304] : memref<56x512xf32, #tpu.memory_space<vmem>>[vector<16xi32>, vector<16xi32>], vector<16xf32>,
        %parallel_loop3A_306 = arith.constant 1 : i32
        %parallel_loop3A_307 = vector.broadcast %parallel_loop3A_306 : i32 to vector<16xi32>
        %parallel_loop3A_308 = arith.addi %parallel_loop3A_298, %parallel_loop3A_307 : vector<16xi32>
        %parallel_loop3A_309 = arith.constant 9 : i32
        %parallel_loop3A_310 = vector.broadcast %parallel_loop3A_309 : i32 to vector<16xi32>
        %parallel_loop3A_311 = arith.shrsi %parallel_loop3A_308, %parallel_loop3A_310 : vector<16xi32>
        %parallel_loop3A_312 = arith.constant 511 : i32
        %parallel_loop3A_313 = vector.broadcast %parallel_loop3A_312 : i32 to vector<16xi32>
        %parallel_loop3A_314 = arith.andi %parallel_loop3A_308, %parallel_loop3A_313 : vector<16xi32>
        %parallel_loop3A_315 = tpu.vector_load_idx %arg7[%parallel_loop3A_311, %parallel_loop3A_314] : memref<56x512xf32, #tpu.memory_space<vmem>>[vector<16xi32>, vector<16xi32>], vector<16xf32>,
        %parallel_loop3A_316 = arith.addf %parallel_loop3A_305, %parallel_loop3A_315 : vector<16xf32>
        %parallel_loop3A_317 = arith.constant 2 : i32
        %parallel_loop3A_318 = vector.broadcast %parallel_loop3A_317 : i32 to vector<16xi32>
        %parallel_loop3A_319 = arith.addi %parallel_loop3A_298, %parallel_loop3A_318 : vector<16xi32>
        %parallel_loop3A_320 = arith.constant 9 : i32
        %parallel_loop3A_321 = vector.broadcast %parallel_loop3A_320 : i32 to vector<16xi32>
        %parallel_loop3A_322 = arith.shrsi %parallel_loop3A_319, %parallel_loop3A_321 : vector<16xi32>
        %parallel_loop3A_323 = arith.constant 511 : i32
        %parallel_loop3A_324 = vector.broadcast %parallel_loop3A_323 : i32 to vector<16xi32>
        %parallel_loop3A_325 = arith.andi %parallel_loop3A_319, %parallel_loop3A_324 : vector<16xi32>
        %parallel_loop3A_326 = tpu.vector_load_idx %arg7[%parallel_loop3A_322, %parallel_loop3A_325] : memref<56x512xf32, #tpu.memory_space<vmem>>[vector<16xi32>, vector<16xi32>], vector<16xf32>,
        %parallel_loop3A_327 = arith.addf %parallel_loop3A_316, %parallel_loop3A_326 : vector<16xf32>
        %parallel_loop3A_328 = arith.constant 3 : i32
        %parallel_loop3A_329 = vector.broadcast %parallel_loop3A_328 : i32 to vector<16xi32>
        %parallel_loop3A_330 = arith.addi %parallel_loop3A_298, %parallel_loop3A_329 : vector<16xi32>
        %parallel_loop3A_331 = arith.constant 9 : i32
        %parallel_loop3A_332 = vector.broadcast %parallel_loop3A_331 : i32 to vector<16xi32>
        %parallel_loop3A_333 = arith.shrsi %parallel_loop3A_330, %parallel_loop3A_332 : vector<16xi32>
        %parallel_loop3A_334 = arith.constant 511 : i32
        %parallel_loop3A_335 = vector.broadcast %parallel_loop3A_334 : i32 to vector<16xi32>
        %parallel_loop3A_336 = arith.andi %parallel_loop3A_330, %parallel_loop3A_335 : vector<16xi32>
        %parallel_loop3A_337 = tpu.vector_load_idx %arg7[%parallel_loop3A_333, %parallel_loop3A_336] : memref<56x512xf32, #tpu.memory_space<vmem>>[vector<16xi32>, vector<16xi32>], vector<16xf32>,
        %parallel_loop3A_338 = arith.addf %parallel_loop3A_327, %parallel_loop3A_337 : vector<16xf32>
        %parallel_loop3A_339 = arith.constant 4 : i32
        %parallel_loop3A_340 = vector.broadcast %parallel_loop3A_339 : i32 to vector<16xi32>
        %parallel_loop3A_341 = arith.addi %parallel_loop3A_298, %parallel_loop3A_340 : vector<16xi32>
        %parallel_loop3A_342 = arith.constant 9 : i32
        %parallel_loop3A_343 = vector.broadcast %parallel_loop3A_342 : i32 to vector<16xi32>
        %parallel_loop3A_344 = arith.shrsi %parallel_loop3A_341, %parallel_loop3A_343 : vector<16xi32>
        %parallel_loop3A_345 = arith.constant 511 : i32
        %parallel_loop3A_346 = vector.broadcast %parallel_loop3A_345 : i32 to vector<16xi32>
        %parallel_loop3A_347 = arith.andi %parallel_loop3A_341, %parallel_loop3A_346 : vector<16xi32>
        %parallel_loop3A_348 = tpu.vector_load_idx %arg7[%parallel_loop3A_344, %parallel_loop3A_347] : memref<56x512xf32, #tpu.memory_space<vmem>>[vector<16xi32>, vector<16xi32>], vector<16xf32>,
        %parallel_loop3A_349 = arith.addf %parallel_loop3A_338, %parallel_loop3A_348 : vector<16xf32>
        %parallel_loop3A_350 = arith.constant 5 : i32
        %parallel_loop3A_351 = vector.broadcast %parallel_loop3A_350 : i32 to vector<16xi32>
        %parallel_loop3A_352 = arith.addi %parallel_loop3A_298, %parallel_loop3A_351 : vector<16xi32>
        %parallel_loop3A_353 = arith.constant 9 : i32
        %parallel_loop3A_354 = vector.broadcast %parallel_loop3A_353 : i32 to vector<16xi32>
        %parallel_loop3A_355 = arith.shrsi %parallel_loop3A_352, %parallel_loop3A_354 : vector<16xi32>
        %parallel_loop3A_356 = arith.constant 511 : i32
        %parallel_loop3A_357 = vector.broadcast %parallel_loop3A_356 : i32 to vector<16xi32>
        %parallel_loop3A_358 = arith.andi %parallel_loop3A_352, %parallel_loop3A_357 : vector<16xi32>
        %parallel_loop3A_359 = tpu.vector_load_idx %arg7[%parallel_loop3A_355, %parallel_loop3A_358] : memref<56x512xf32, #tpu.memory_space<vmem>>[vector<16xi32>, vector<16xi32>], vector<16xf32>,
        %parallel_loop3A_360 = arith.addf %parallel_loop3A_349, %parallel_loop3A_359 : vector<16xf32>
        %parallel_loop3A_361 = arith.constant 6 : i32
        %parallel_loop3A_362 = vector.broadcast %parallel_loop3A_361 : i32 to vector<16xi32>
        %parallel_loop3A_363 = arith.addi %parallel_loop3A_298, %parallel_loop3A_362 : vector<16xi32>
        %parallel_loop3A_364 = arith.constant 9 : i32
        %parallel_loop3A_365 = vector.broadcast %parallel_loop3A_364 : i32 to vector<16xi32>
        %parallel_loop3A_366 = arith.shrsi %parallel_loop3A_363, %parallel_loop3A_365 : vector<16xi32>
        %parallel_loop3A_367 = arith.constant 511 : i32
        %parallel_loop3A_368 = vector.broadcast %parallel_loop3A_367 : i32 to vector<16xi32>
        %parallel_loop3A_369 = arith.andi %parallel_loop3A_363, %parallel_loop3A_368 : vector<16xi32>
        %parallel_loop3A_370 = tpu.vector_load_idx %arg7[%parallel_loop3A_366, %parallel_loop3A_369] : memref<56x512xf32, #tpu.memory_space<vmem>>[vector<16xi32>, vector<16xi32>], vector<16xf32>,
        %parallel_loop3A_371 = arith.addf %parallel_loop3A_360, %parallel_loop3A_370 : vector<16xf32>
        %parallel_loop3A_372 = arith.constant 0.142857149 : f32
        %parallel_loop3A_373 = vector.broadcast %parallel_loop3A_372 : f32 to vector<16xf32>
        %parallel_loop3A_374 = arith.mulf %parallel_loop3A_371, %parallel_loop3A_373 : vector<16xf32>
        %parallel_loop3A_375 = arith.constant 16 : i32
        %parallel_loop3A_376 = arith.muli %parallel_loop3A_126, %parallel_loop3A_375 : i32
        %parallel_loop3A_377 = arith.constant 1024 : i32
        %parallel_loop3A_378 = arith.addi %parallel_loop3A_377, %parallel_loop3A_376 : i32
        %parallel_loop3A_379 = arith.index_cast %parallel_loop3A_378 : i32 to index
        %parallel_loop3A_380 = tpu.vector_load %arg9[%parallel_loop3A_379] {strides = array<i32>} : memref<4096xf32, #tpu.memory_space<vmem>>, vector<16xf32>,
        tpu.vector_store %arg9[%parallel_loop3A_379], %parallel_loop3A_374 {strides = array<i32>} : memref<4096xf32, #tpu.memory_space<vmem>>, vector<16xf32>,
        %parallel_loop3A_381 = vector.broadcast %parallel_loop3A_128 : i32 to vector<16xi32>
        %parallel_loop3A_382 = arith.addi %add3A_15, %parallel_loop3A_381 : vector<16xi32>
        %parallel_loop3A_383 = arith.constant 9 : i32
        %parallel_loop3A_384 = vector.broadcast %parallel_loop3A_383 : i32 to vector<16xi32>
        %parallel_loop3A_385 = arith.shrsi %parallel_loop3A_382, %parallel_loop3A_384 : vector<16xi32>
        %parallel_loop3A_386 = arith.constant 511 : i32
        %parallel_loop3A_387 = vector.broadcast %parallel_loop3A_386 : i32 to vector<16xi32>
        %parallel_loop3A_388 = arith.andi %parallel_loop3A_382, %parallel_loop3A_387 : vector<16xi32>
        %parallel_loop3A_389 = tpu.vector_load_idx %arg7[%parallel_loop3A_385, %parallel_loop3A_388] : memref<56x512xf32, #tpu.memory_space<vmem>>[vector<16xi32>, vector<16xi32>], vector<16xf32>,
        %parallel_loop3A_390 = arith.constant 1 : i32
        %parallel_loop3A_391 = vector.broadcast %parallel_loop3A_390 : i32 to vector<16xi32>
        %parallel_loop3A_392 = arith.addi %parallel_loop3A_382, %parallel_loop3A_391 : vector<16xi32>
        %parallel_loop3A_393 = arith.constant 9 : i32
        %parallel_loop3A_394 = vector.broadcast %parallel_loop3A_393 : i32 to vector<16xi32>
        %parallel_loop3A_395 = arith.shrsi %parallel_loop3A_392, %parallel_loop3A_394 : vector<16xi32>
        %parallel_loop3A_396 = arith.constant 511 : i32
        %parallel_loop3A_397 = vector.broadcast %parallel_loop3A_396 : i32 to vector<16xi32>
        %parallel_loop3A_398 = arith.andi %parallel_loop3A_392, %parallel_loop3A_397 : vector<16xi32>
        %parallel_loop3A_399 = tpu.vector_load_idx %arg7[%parallel_loop3A_395, %parallel_loop3A_398] : memref<56x512xf32, #tpu.memory_space<vmem>>[vector<16xi32>, vector<16xi32>], vector<16xf32>,
        %parallel_loop3A_400 = arith.addf %parallel_loop3A_389, %parallel_loop3A_399 : vector<16xf32>
        %parallel_loop3A_401 = arith.constant 2 : i32
        %parallel_loop3A_402 = vector.broadcast %parallel_loop3A_401 : i32 to vector<16xi32>
        %parallel_loop3A_403 = arith.addi %parallel_loop3A_382, %parallel_loop3A_402 : vector<16xi32>
        %parallel_loop3A_404 = arith.constant 9 : i32
        %parallel_loop3A_405 = vector.broadcast %parallel_loop3A_404 : i32 to vector<16xi32>
        %parallel_loop3A_406 = arith.shrsi %parallel_loop3A_403, %parallel_loop3A_405 : vector<16xi32>
        %parallel_loop3A_407 = arith.constant 511 : i32
        %parallel_loop3A_408 = vector.broadcast %parallel_loop3A_407 : i32 to vector<16xi32>
        %parallel_loop3A_409 = arith.andi %parallel_loop3A_403, %parallel_loop3A_408 : vector<16xi32>
        %parallel_loop3A_410 = tpu.vector_load_idx %arg7[%parallel_loop3A_406, %parallel_loop3A_409] : memref<56x512xf32, #tpu.memory_space<vmem>>[vector<16xi32>, vector<16xi32>], vector<16xf32>,
        %parallel_loop3A_411 = arith.addf %parallel_loop3A_400, %parallel_loop3A_410 : vector<16xf32>
        %parallel_loop3A_412 = arith.constant 3 : i32
        %parallel_loop3A_413 = vector.broadcast %parallel_loop3A_412 : i32 to vector<16xi32>
        %parallel_loop3A_414 = arith.addi %parallel_loop3A_382, %parallel_loop3A_413 : vector<16xi32>
        %parallel_loop3A_415 = arith.constant 9 : i32
        %parallel_loop3A_416 = vector.broadcast %parallel_loop3A_415 : i32 to vector<16xi32>
        %parallel_loop3A_417 = arith.shrsi %parallel_loop3A_414, %parallel_loop3A_416 : vector<16xi32>
        %parallel_loop3A_418 = arith.constant 511 : i32
        %parallel_loop3A_419 = vector.broadcast %parallel_loop3A_418 : i32 to vector<16xi32>
        %parallel_loop3A_420 = arith.andi %parallel_loop3A_414, %parallel_loop3A_419 : vector<16xi32>
        %parallel_loop3A_421 = tpu.vector_load_idx %arg7[%parallel_loop3A_417, %parallel_loop3A_420] : memref<56x512xf32, #tpu.memory_space<vmem>>[vector<16xi32>, vector<16xi32>], vector<16xf32>,
        %parallel_loop3A_422 = arith.addf %parallel_loop3A_411, %parallel_loop3A_421 : vector<16xf32>
        %parallel_loop3A_423 = arith.constant 4 : i32
        %parallel_loop3A_424 = vector.broadcast %parallel_loop3A_423 : i32 to vector<16xi32>
        %parallel_loop3A_425 = arith.addi %parallel_loop3A_382, %parallel_loop3A_424 : vector<16xi32>
        %parallel_loop3A_426 = arith.constant 9 : i32
        %parallel_loop3A_427 = vector.broadcast %parallel_loop3A_426 : i32 to vector<16xi32>
        %parallel_loop3A_428 = arith.shrsi %parallel_loop3A_425, %parallel_loop3A_427 : vector<16xi32>
        %parallel_loop3A_429 = arith.constant 511 : i32
        %parallel_loop3A_430 = vector.broadcast %parallel_loop3A_429 : i32 to vector<16xi32>
        %parallel_loop3A_431 = arith.andi %parallel_loop3A_425, %parallel_loop3A_430 : vector<16xi32>
        %parallel_loop3A_432 = tpu.vector_load_idx %arg7[%parallel_loop3A_428, %parallel_loop3A_431] : memref<56x512xf32, #tpu.memory_space<vmem>>[vector<16xi32>, vector<16xi32>], vector<16xf32>,
        %parallel_loop3A_433 = arith.addf %parallel_loop3A_422, %parallel_loop3A_432 : vector<16xf32>
        %parallel_loop3A_434 = arith.constant 5 : i32
        %parallel_loop3A_435 = vector.broadcast %parallel_loop3A_434 : i32 to vector<16xi32>
        %parallel_loop3A_436 = arith.addi %parallel_loop3A_382, %parallel_loop3A_435 : vector<16xi32>
        %parallel_loop3A_437 = arith.constant 9 : i32
        %parallel_loop3A_438 = vector.broadcast %parallel_loop3A_437 : i32 to vector<16xi32>
        %parallel_loop3A_439 = arith.shrsi %parallel_loop3A_436, %parallel_loop3A_438 : vector<16xi32>
        %parallel_loop3A_440 = arith.constant 511 : i32
        %parallel_loop3A_441 = vector.broadcast %parallel_loop3A_440 : i32 to vector<16xi32>
        %parallel_loop3A_442 = arith.andi %parallel_loop3A_436, %parallel_loop3A_441 : vector<16xi32>
        %parallel_loop3A_443 = tpu.vector_load_idx %arg7[%parallel_loop3A_439, %parallel_loop3A_442] : memref<56x512xf32, #tpu.memory_space<vmem>>[vector<16xi32>, vector<16xi32>], vector<16xf32>,
        %parallel_loop3A_444 = arith.addf %parallel_loop3A_433, %parallel_loop3A_443 : vector<16xf32>
        %parallel_loop3A_445 = arith.constant 6 : i32
        %parallel_loop3A_446 = vector.broadcast %parallel_loop3A_445 : i32 to vector<16xi32>
        %parallel_loop3A_447 = arith.addi %parallel_loop3A_382, %parallel_loop3A_446 : vector<16xi32>
        %parallel_loop3A_448 = arith.constant 9 : i32
        %parallel_loop3A_449 = vector.broadcast %parallel_loop3A_448 : i32 to vector<16xi32>
        %parallel_loop3A_450 = arith.shrsi %parallel_loop3A_447, %parallel_loop3A_449 : vector<16xi32>
        %parallel_loop3A_451 = arith.constant 511 : i32
        %parallel_loop3A_452 = vector.broadcast %parallel_loop3A_451 : i32 to vector<16xi32>
        %parallel_loop3A_453 = arith.andi %parallel_loop3A_447, %parallel_loop3A_452 : vector<16xi32>
        %parallel_loop3A_454 = tpu.vector_load_idx %arg7[%parallel_loop3A_450, %parallel_loop3A_453] : memref<56x512xf32, #tpu.memory_space<vmem>>[vector<16xi32>, vector<16xi32>], vector<16xf32>,
        %parallel_loop3A_455 = arith.addf %parallel_loop3A_444, %parallel_loop3A_454 : vector<16xf32>
        %parallel_loop3A_456 = arith.constant 0.142857149 : f32
        %parallel_loop3A_457 = vector.broadcast %parallel_loop3A_456 : f32 to vector<16xf32>
        %parallel_loop3A_458 = arith.mulf %parallel_loop3A_455, %parallel_loop3A_457 : vector<16xf32>
        %parallel_loop3A_459 = arith.constant 16 : i32
        %parallel_loop3A_460 = arith.muli %parallel_loop3A_126, %parallel_loop3A_459 : i32
        %parallel_loop3A_461 = arith.constant 1536 : i32
        %parallel_loop3A_462 = arith.addi %parallel_loop3A_461, %parallel_loop3A_460 : i32
        %parallel_loop3A_463 = arith.index_cast %parallel_loop3A_462 : i32 to index
        %parallel_loop3A_464 = tpu.vector_load %arg9[%parallel_loop3A_463] {strides = array<i32>} : memref<4096xf32, #tpu.memory_space<vmem>>, vector<16xf32>,
        tpu.vector_store %arg9[%parallel_loop3A_463], %parallel_loop3A_458 {strides = array<i32>} : memref<4096xf32, #tpu.memory_space<vmem>>, vector<16xf32>,
        %parallel_loop3A_465 = vector.broadcast %parallel_loop3A_128 : i32 to vector<16xi32>
        %parallel_loop3A_466 = arith.addi %add3A_18, %parallel_loop3A_465 : vector<16xi32>
        %parallel_loop3A_467 = arith.constant 9 : i32
        %parallel_loop3A_468 = vector.broadcast %parallel_loop3A_467 : i32 to vector<16xi32>
        %parallel_loop3A_469 = arith.shrsi %parallel_loop3A_466, %parallel_loop3A_468 : vector<16xi32>
        %parallel_loop3A_470 = arith.constant 511 : i32
        %parallel_loop3A_471 = vector.broadcast %parallel_loop3A_470 : i32 to vector<16xi32>
        %parallel_loop3A_472 = arith.andi %parallel_loop3A_466, %parallel_loop3A_471 : vector<16xi32>
        %parallel_loop3A_473 = tpu.vector_load_idx %arg7[%parallel_loop3A_469, %parallel_loop3A_472] : memref<56x512xf32, #tpu.memory_space<vmem>>[vector<16xi32>, vector<16xi32>], vector<16xf32>,
        %parallel_loop3A_474 = arith.constant 1 : i32
        %parallel_loop3A_475 = vector.broadcast %parallel_loop3A_474 : i32 to vector<16xi32>
        %parallel_loop3A_476 = arith.addi %parallel_loop3A_466, %parallel_loop3A_475 : vector<16xi32>
        %parallel_loop3A_477 = arith.constant 9 : i32
        %parallel_loop3A_478 = vector.broadcast %parallel_loop3A_477 : i32 to vector<16xi32>
        %parallel_loop3A_479 = arith.shrsi %parallel_loop3A_476, %parallel_loop3A_478 : vector<16xi32>
        %parallel_loop3A_480 = arith.constant 511 : i32
        %parallel_loop3A_481 = vector.broadcast %parallel_loop3A_480 : i32 to vector<16xi32>
        %parallel_loop3A_482 = arith.andi %parallel_loop3A_476, %parallel_loop3A_481 : vector<16xi32>
        %parallel_loop3A_483 = tpu.vector_load_idx %arg7[%parallel_loop3A_479, %parallel_loop3A_482] : memref<56x512xf32, #tpu.memory_space<vmem>>[vector<16xi32>, vector<16xi32>], vector<16xf32>,
        %parallel_loop3A_484 = arith.addf %parallel_loop3A_473, %parallel_loop3A_483 : vector<16xf32>
        %parallel_loop3A_485 = arith.constant 2 : i32
        %parallel_loop3A_486 = vector.broadcast %parallel_loop3A_485 : i32 to vector<16xi32>
        %parallel_loop3A_487 = arith.addi %parallel_loop3A_466, %parallel_loop3A_486 : vector<16xi32>
        %parallel_loop3A_488 = arith.constant 9 : i32
        %parallel_loop3A_489 = vector.broadcast %parallel_loop3A_488 : i32 to vector<16xi32>
        %parallel_loop3A_490 = arith.shrsi %parallel_loop3A_487, %parallel_loop3A_489 : vector<16xi32>
        %parallel_loop3A_491 = arith.constant 511 : i32
        %parallel_loop3A_492 = vector.broadcast %parallel_loop3A_491 : i32 to vector<16xi32>
        %parallel_loop3A_493 = arith.andi %parallel_loop3A_487, %parallel_loop3A_492 : vector<16xi32>
        %parallel_loop3A_494 = tpu.vector_load_idx %arg7[%parallel_loop3A_490, %parallel_loop3A_493] : memref<56x512xf32, #tpu.memory_space<vmem>>[vector<16xi32>, vector<16xi32>], vector<16xf32>,
        %parallel_loop3A_495 = arith.addf %parallel_loop3A_484, %parallel_loop3A_494 : vector<16xf32>
        %parallel_loop3A_496 = arith.constant 3 : i32
        %parallel_loop3A_497 = vector.broadcast %parallel_loop3A_496 : i32 to vector<16xi32>
        %parallel_loop3A_498 = arith.addi %parallel_loop3A_466, %parallel_loop3A_497 : vector<16xi32>
        %parallel_loop3A_499 = arith.constant 9 : i32
        %parallel_loop3A_500 = vector.broadcast %parallel_loop3A_499 : i32 to vector<16xi32>
        %parallel_loop3A_501 = arith.shrsi %parallel_loop3A_498, %parallel_loop3A_500 : vector<16xi32>
        %parallel_loop3A_502 = arith.constant 511 : i32
        %parallel_loop3A_503 = vector.broadcast %parallel_loop3A_502 : i32 to vector<16xi32>
        %parallel_loop3A_504 = arith.andi %parallel_loop3A_498, %parallel_loop3A_503 : vector<16xi32>
        %parallel_loop3A_505 = tpu.vector_load_idx %arg7[%parallel_loop3A_501, %parallel_loop3A_504] : memref<56x512xf32, #tpu.memory_space<vmem>>[vector<16xi32>, vector<16xi32>], vector<16xf32>,
        %parallel_loop3A_506 = arith.addf %parallel_loop3A_495, %parallel_loop3A_505 : vector<16xf32>
        %parallel_loop3A_507 = arith.constant 4 : i32
        %parallel_loop3A_508 = vector.broadcast %parallel_loop3A_507 : i32 to vector<16xi32>
        %parallel_loop3A_509 = arith.addi %parallel_loop3A_466, %parallel_loop3A_508 : vector<16xi32>
        %parallel_loop3A_510 = arith.constant 9 : i32
        %parallel_loop3A_511 = vector.broadcast %parallel_loop3A_510 : i32 to vector<16xi32>
        %parallel_loop3A_512 = arith.shrsi %parallel_loop3A_509, %parallel_loop3A_511 : vector<16xi32>
        %parallel_loop3A_513 = arith.constant 511 : i32
        %parallel_loop3A_514 = vector.broadcast %parallel_loop3A_513 : i32 to vector<16xi32>
        %parallel_loop3A_515 = arith.andi %parallel_loop3A_509, %parallel_loop3A_514 : vector<16xi32>
        %parallel_loop3A_516 = tpu.vector_load_idx %arg7[%parallel_loop3A_512, %parallel_loop3A_515] : memref<56x512xf32, #tpu.memory_space<vmem>>[vector<16xi32>, vector<16xi32>], vector<16xf32>,
        %parallel_loop3A_517 = arith.addf %parallel_loop3A_506, %parallel_loop3A_516 : vector<16xf32>
        %parallel_loop3A_518 = arith.constant 5 : i32
        %parallel_loop3A_519 = vector.broadcast %parallel_loop3A_518 : i32 to vector<16xi32>
        %parallel_loop3A_520 = arith.addi %parallel_loop3A_466, %parallel_loop3A_519 : vector<16xi32>
        %parallel_loop3A_521 = arith.constant 9 : i32
        %parallel_loop3A_522 = vector.broadcast %parallel_loop3A_521 : i32 to vector<16xi32>
        %parallel_loop3A_523 = arith.shrsi %parallel_loop3A_520, %parallel_loop3A_522 : vector<16xi32>
        %parallel_loop3A_524 = arith.constant 511 : i32
        %parallel_loop3A_525 = vector.broadcast %parallel_loop3A_524 : i32 to vector<16xi32>
        %parallel_loop3A_526 = arith.andi %parallel_loop3A_520, %parallel_loop3A_525 : vector<16xi32>
        %parallel_loop3A_527 = tpu.vector_load_idx %arg7[%parallel_loop3A_523, %parallel_loop3A_526] : memref<56x512xf32, #tpu.memory_space<vmem>>[vector<16xi32>, vector<16xi32>], vector<16xf32>,
        %parallel_loop3A_528 = arith.addf %parallel_loop3A_517, %parallel_loop3A_527 : vector<16xf32>
        %parallel_loop3A_529 = arith.constant 6 : i32
        %parallel_loop3A_530 = vector.broadcast %parallel_loop3A_529 : i32 to vector<16xi32>
        %parallel_loop3A_531 = arith.addi %parallel_loop3A_466, %parallel_loop3A_530 : vector<16xi32>
        %parallel_loop3A_532 = arith.constant 9 : i32
        %parallel_loop3A_533 = vector.broadcast %parallel_loop3A_532 : i32 to vector<16xi32>
        %parallel_loop3A_534 = arith.shrsi %parallel_loop3A_531, %parallel_loop3A_533 : vector<16xi32>
        %parallel_loop3A_535 = arith.constant 511 : i32
        %parallel_loop3A_536 = vector.broadcast %parallel_loop3A_535 : i32 to vector<16xi32>
        %parallel_loop3A_537 = arith.andi %parallel_loop3A_531, %parallel_loop3A_536 : vector<16xi32>
        %parallel_loop3A_538 = tpu.vector_load_idx %arg7[%parallel_loop3A_534, %parallel_loop3A_537] : memref<56x512xf32, #tpu.memory_space<vmem>>[vector<16xi32>, vector<16xi32>], vector<16xf32>,
        %parallel_loop3A_539 = arith.addf %parallel_loop3A_528, %parallel_loop3A_538 : vector<16xf32>
        %parallel_loop3A_540 = arith.constant 0.142857149 : f32
        %parallel_loop3A_541 = vector.broadcast %parallel_loop3A_540 : f32 to vector<16xf32>
        %parallel_loop3A_542 = arith.mulf %parallel_loop3A_539, %parallel_loop3A_541 : vector<16xf32>
        %parallel_loop3A_543 = arith.constant 16 : i32
        %parallel_loop3A_544 = arith.muli %parallel_loop3A_126, %parallel_loop3A_543 : i32
        %parallel_loop3A_545 = arith.constant 2048 : i32
        %parallel_loop3A_546 = arith.addi %parallel_loop3A_545, %parallel_loop3A_544 : i32
        %parallel_loop3A_547 = arith.index_cast %parallel_loop3A_546 : i32 to index
        %parallel_loop3A_548 = tpu.vector_load %arg9[%parallel_loop3A_547] {strides = array<i32>} : memref<4096xf32, #tpu.memory_space<vmem>>, vector<16xf32>,
        tpu.vector_store %arg9[%parallel_loop3A_547], %parallel_loop3A_542 {strides = array<i32>} : memref<4096xf32, #tpu.memory_space<vmem>>, vector<16xf32>,
        %parallel_loop3A_549 = vector.broadcast %parallel_loop3A_128 : i32 to vector<16xi32>
        %parallel_loop3A_550 = arith.addi %add3A_21, %parallel_loop3A_549 : vector<16xi32>
        %parallel_loop3A_551 = arith.constant 9 : i32
        %parallel_loop3A_552 = vector.broadcast %parallel_loop3A_551 : i32 to vector<16xi32>
        %parallel_loop3A_553 = arith.shrsi %parallel_loop3A_550, %parallel_loop3A_552 : vector<16xi32>
        %parallel_loop3A_554 = arith.constant 511 : i32
        %parallel_loop3A_555 = vector.broadcast %parallel_loop3A_554 : i32 to vector<16xi32>
        %parallel_loop3A_556 = arith.andi %parallel_loop3A_550, %parallel_loop3A_555 : vector<16xi32>
        %parallel_loop3A_557 = tpu.vector_load_idx %arg7[%parallel_loop3A_553, %parallel_loop3A_556] : memref<56x512xf32, #tpu.memory_space<vmem>>[vector<16xi32>, vector<16xi32>], vector<16xf32>,
        %parallel_loop3A_558 = arith.constant 1 : i32
        %parallel_loop3A_559 = vector.broadcast %parallel_loop3A_558 : i32 to vector<16xi32>
        %parallel_loop3A_560 = arith.addi %parallel_loop3A_550, %parallel_loop3A_559 : vector<16xi32>
        %parallel_loop3A_561 = arith.constant 9 : i32
        %parallel_loop3A_562 = vector.broadcast %parallel_loop3A_561 : i32 to vector<16xi32>
        %parallel_loop3A_563 = arith.shrsi %parallel_loop3A_560, %parallel_loop3A_562 : vector<16xi32>
        %parallel_loop3A_564 = arith.constant 511 : i32
        %parallel_loop3A_565 = vector.broadcast %parallel_loop3A_564 : i32 to vector<16xi32>
        %parallel_loop3A_566 = arith.andi %parallel_loop3A_560, %parallel_loop3A_565 : vector<16xi32>
        %parallel_loop3A_567 = tpu.vector_load_idx %arg7[%parallel_loop3A_563, %parallel_loop3A_566] : memref<56x512xf32, #tpu.memory_space<vmem>>[vector<16xi32>, vector<16xi32>], vector<16xf32>,
        %parallel_loop3A_568 = arith.addf %parallel_loop3A_557, %parallel_loop3A_567 : vector<16xf32>
        %parallel_loop3A_569 = arith.constant 2 : i32
        %parallel_loop3A_570 = vector.broadcast %parallel_loop3A_569 : i32 to vector<16xi32>
        %parallel_loop3A_571 = arith.addi %parallel_loop3A_550, %parallel_loop3A_570 : vector<16xi32>
        %parallel_loop3A_572 = arith.constant 9 : i32
        %parallel_loop3A_573 = vector.broadcast %parallel_loop3A_572 : i32 to vector<16xi32>
        %parallel_loop3A_574 = arith.shrsi %parallel_loop3A_571, %parallel_loop3A_573 : vector<16xi32>
        %parallel_loop3A_575 = arith.constant 511 : i32
        %parallel_loop3A_576 = vector.broadcast %parallel_loop3A_575 : i32 to vector<16xi32>
        %parallel_loop3A_577 = arith.andi %parallel_loop3A_571, %parallel_loop3A_576 : vector<16xi32>
        %parallel_loop3A_578 = tpu.vector_load_idx %arg7[%parallel_loop3A_574, %parallel_loop3A_577] : memref<56x512xf32, #tpu.memory_space<vmem>>[vector<16xi32>, vector<16xi32>], vector<16xf32>,
        %parallel_loop3A_579 = arith.addf %parallel_loop3A_568, %parallel_loop3A_578 : vector<16xf32>
        %parallel_loop3A_580 = arith.constant 3 : i32
        %parallel_loop3A_581 = vector.broadcast %parallel_loop3A_580 : i32 to vector<16xi32>
        %parallel_loop3A_582 = arith.addi %parallel_loop3A_550, %parallel_loop3A_581 : vector<16xi32>
        %parallel_loop3A_583 = arith.constant 9 : i32
        %parallel_loop3A_584 = vector.broadcast %parallel_loop3A_583 : i32 to vector<16xi32>
        %parallel_loop3A_585 = arith.shrsi %parallel_loop3A_582, %parallel_loop3A_584 : vector<16xi32>
        %parallel_loop3A_586 = arith.constant 511 : i32
        %parallel_loop3A_587 = vector.broadcast %parallel_loop3A_586 : i32 to vector<16xi32>
        %parallel_loop3A_588 = arith.andi %parallel_loop3A_582, %parallel_loop3A_587 : vector<16xi32>
        %parallel_loop3A_589 = tpu.vector_load_idx %arg7[%parallel_loop3A_585, %parallel_loop3A_588] : memref<56x512xf32, #tpu.memory_space<vmem>>[vector<16xi32>, vector<16xi32>], vector<16xf32>,
        %parallel_loop3A_590 = arith.addf %parallel_loop3A_579, %parallel_loop3A_589 : vector<16xf32>
        %parallel_loop3A_591 = arith.constant 4 : i32
        %parallel_loop3A_592 = vector.broadcast %parallel_loop3A_591 : i32 to vector<16xi32>
        %parallel_loop3A_593 = arith.addi %parallel_loop3A_550, %parallel_loop3A_592 : vector<16xi32>
        %parallel_loop3A_594 = arith.constant 9 : i32
        %parallel_loop3A_595 = vector.broadcast %parallel_loop3A_594 : i32 to vector<16xi32>
        %parallel_loop3A_596 = arith.shrsi %parallel_loop3A_593, %parallel_loop3A_595 : vector<16xi32>
        %parallel_loop3A_597 = arith.constant 511 : i32
        %parallel_loop3A_598 = vector.broadcast %parallel_loop3A_597 : i32 to vector<16xi32>
        %parallel_loop3A_599 = arith.andi %parallel_loop3A_593, %parallel_loop3A_598 : vector<16xi32>
        %parallel_loop3A_600 = tpu.vector_load_idx %arg7[%parallel_loop3A_596, %parallel_loop3A_599] : memref<56x512xf32, #tpu.memory_space<vmem>>[vector<16xi32>, vector<16xi32>], vector<16xf32>,
        %parallel_loop3A_601 = arith.addf %parallel_loop3A_590, %parallel_loop3A_600 : vector<16xf32>
        %parallel_loop3A_602 = arith.constant 5 : i32
        %parallel_loop3A_603 = vector.broadcast %parallel_loop3A_602 : i32 to vector<16xi32>
        %parallel_loop3A_604 = arith.addi %parallel_loop3A_550, %parallel_loop3A_603 : vector<16xi32>
        %parallel_loop3A_605 = arith.constant 9 : i32
        %parallel_loop3A_606 = vector.broadcast %parallel_loop3A_605 : i32 to vector<16xi32>
        %parallel_loop3A_607 = arith.shrsi %parallel_loop3A_604, %parallel_loop3A_606 : vector<16xi32>
        %parallel_loop3A_608 = arith.constant 511 : i32
        %parallel_loop3A_609 = vector.broadcast %parallel_loop3A_608 : i32 to vector<16xi32>
        %parallel_loop3A_610 = arith.andi %parallel_loop3A_604, %parallel_loop3A_609 : vector<16xi32>
        %parallel_loop3A_611 = tpu.vector_load_idx %arg7[%parallel_loop3A_607, %parallel_loop3A_610] : memref<56x512xf32, #tpu.memory_space<vmem>>[vector<16xi32>, vector<16xi32>], vector<16xf32>,
        %parallel_loop3A_612 = arith.addf %parallel_loop3A_601, %parallel_loop3A_611 : vector<16xf32>
        %parallel_loop3A_613 = arith.constant 6 : i32
        %parallel_loop3A_614 = vector.broadcast %parallel_loop3A_613 : i32 to vector<16xi32>
        %parallel_loop3A_615 = arith.addi %parallel_loop3A_550, %parallel_loop3A_614 : vector<16xi32>
        %parallel_loop3A_616 = arith.constant 9 : i32
        %parallel_loop3A_617 = vector.broadcast %parallel_loop3A_616 : i32 to vector<16xi32>
        %parallel_loop3A_618 = arith.shrsi %parallel_loop3A_615, %parallel_loop3A_617 : vector<16xi32>
        %parallel_loop3A_619 = arith.constant 511 : i32
        %parallel_loop3A_620 = vector.broadcast %parallel_loop3A_619 : i32 to vector<16xi32>
        %parallel_loop3A_621 = arith.andi %parallel_loop3A_615, %parallel_loop3A_620 : vector<16xi32>
        %parallel_loop3A_622 = tpu.vector_load_idx %arg7[%parallel_loop3A_618, %parallel_loop3A_621] : memref<56x512xf32, #tpu.memory_space<vmem>>[vector<16xi32>, vector<16xi32>], vector<16xf32>,
        %parallel_loop3A_623 = arith.addf %parallel_loop3A_612, %parallel_loop3A_622 : vector<16xf32>
        %parallel_loop3A_624 = arith.constant 0.142857149 : f32
        %parallel_loop3A_625 = vector.broadcast %parallel_loop3A_624 : f32 to vector<16xf32>
        %parallel_loop3A_626 = arith.mulf %parallel_loop3A_623, %parallel_loop3A_625 : vector<16xf32>
        %parallel_loop3A_627 = arith.constant 16 : i32
        %parallel_loop3A_628 = arith.muli %parallel_loop3A_126, %parallel_loop3A_627 : i32
        %parallel_loop3A_629 = arith.constant 2560 : i32
        %parallel_loop3A_630 = arith.addi %parallel_loop3A_629, %parallel_loop3A_628 : i32
        %parallel_loop3A_631 = arith.index_cast %parallel_loop3A_630 : i32 to index
        %parallel_loop3A_632 = tpu.vector_load %arg9[%parallel_loop3A_631] {strides = array<i32>} : memref<4096xf32, #tpu.memory_space<vmem>>, vector<16xf32>,
        tpu.vector_store %arg9[%parallel_loop3A_631], %parallel_loop3A_626 {strides = array<i32>} : memref<4096xf32, #tpu.memory_space<vmem>>, vector<16xf32>,
        %parallel_loop3A_633 = vector.broadcast %parallel_loop3A_128 : i32 to vector<16xi32>
        %parallel_loop3A_634 = arith.addi %add3A_24, %parallel_loop3A_633 : vector<16xi32>
        %parallel_loop3A_635 = arith.constant 9 : i32
        %parallel_loop3A_636 = vector.broadcast %parallel_loop3A_635 : i32 to vector<16xi32>
        %parallel_loop3A_637 = arith.shrsi %parallel_loop3A_634, %parallel_loop3A_636 : vector<16xi32>
        %parallel_loop3A_638 = arith.constant 511 : i32
        %parallel_loop3A_639 = vector.broadcast %parallel_loop3A_638 : i32 to vector<16xi32>
        %parallel_loop3A_640 = arith.andi %parallel_loop3A_634, %parallel_loop3A_639 : vector<16xi32>
        %parallel_loop3A_641 = tpu.vector_load_idx %arg7[%parallel_loop3A_637, %parallel_loop3A_640] : memref<56x512xf32, #tpu.memory_space<vmem>>[vector<16xi32>, vector<16xi32>], vector<16xf32>,
        %parallel_loop3A_642 = arith.constant 1 : i32
        %parallel_loop3A_643 = vector.broadcast %parallel_loop3A_642 : i32 to vector<16xi32>
        %parallel_loop3A_644 = arith.addi %parallel_loop3A_634, %parallel_loop3A_643 : vector<16xi32>
        %parallel_loop3A_645 = arith.constant 9 : i32
        %parallel_loop3A_646 = vector.broadcast %parallel_loop3A_645 : i32 to vector<16xi32>
        %parallel_loop3A_647 = arith.shrsi %parallel_loop3A_644, %parallel_loop3A_646 : vector<16xi32>
        %parallel_loop3A_648 = arith.constant 511 : i32
        %parallel_loop3A_649 = vector.broadcast %parallel_loop3A_648 : i32 to vector<16xi32>
        %parallel_loop3A_650 = arith.andi %parallel_loop3A_644, %parallel_loop3A_649 : vector<16xi32>
        %parallel_loop3A_651 = tpu.vector_load_idx %arg7[%parallel_loop3A_647, %parallel_loop3A_650] : memref<56x512xf32, #tpu.memory_space<vmem>>[vector<16xi32>, vector<16xi32>], vector<16xf32>,
        %parallel_loop3A_652 = arith.addf %parallel_loop3A_641, %parallel_loop3A_651 : vector<16xf32>
        %parallel_loop3A_653 = arith.constant 2 : i32
        %parallel_loop3A_654 = vector.broadcast %parallel_loop3A_653 : i32 to vector<16xi32>
        %parallel_loop3A_655 = arith.addi %parallel_loop3A_634, %parallel_loop3A_654 : vector<16xi32>
        %parallel_loop3A_656 = arith.constant 9 : i32
        %parallel_loop3A_657 = vector.broadcast %parallel_loop3A_656 : i32 to vector<16xi32>
        %parallel_loop3A_658 = arith.shrsi %parallel_loop3A_655, %parallel_loop3A_657 : vector<16xi32>
        %parallel_loop3A_659 = arith.constant 511 : i32
        %parallel_loop3A_660 = vector.broadcast %parallel_loop3A_659 : i32 to vector<16xi32>
        %parallel_loop3A_661 = arith.andi %parallel_loop3A_655, %parallel_loop3A_660 : vector<16xi32>
        %parallel_loop3A_662 = tpu.vector_load_idx %arg7[%parallel_loop3A_658, %parallel_loop3A_661] : memref<56x512xf32, #tpu.memory_space<vmem>>[vector<16xi32>, vector<16xi32>], vector<16xf32>,
        %parallel_loop3A_663 = arith.addf %parallel_loop3A_652, %parallel_loop3A_662 : vector<16xf32>
        %parallel_loop3A_664 = arith.constant 3 : i32
        %parallel_loop3A_665 = vector.broadcast %parallel_loop3A_664 : i32 to vector<16xi32>
        %parallel_loop3A_666 = arith.addi %parallel_loop3A_634, %parallel_loop3A_665 : vector<16xi32>
        %parallel_loop3A_667 = arith.constant 9 : i32
        %parallel_loop3A_668 = vector.broadcast %parallel_loop3A_667 : i32 to vector<16xi32>
        %parallel_loop3A_669 = arith.shrsi %parallel_loop3A_666, %parallel_loop3A_668 : vector<16xi32>
        %parallel_loop3A_670 = arith.constant 511 : i32
        %parallel_loop3A_671 = vector.broadcast %parallel_loop3A_670 : i32 to vector<16xi32>
        %parallel_loop3A_672 = arith.andi %parallel_loop3A_666, %parallel_loop3A_671 : vector<16xi32>
        %parallel_loop3A_673 = tpu.vector_load_idx %arg7[%parallel_loop3A_669, %parallel_loop3A_672] : memref<56x512xf32, #tpu.memory_space<vmem>>[vector<16xi32>, vector<16xi32>], vector<16xf32>,
        %parallel_loop3A_674 = arith.addf %parallel_loop3A_663, %parallel_loop3A_673 : vector<16xf32>
        %parallel_loop3A_675 = arith.constant 4 : i32
        %parallel_loop3A_676 = vector.broadcast %parallel_loop3A_675 : i32 to vector<16xi32>
        %parallel_loop3A_677 = arith.addi %parallel_loop3A_634, %parallel_loop3A_676 : vector<16xi32>
        %parallel_loop3A_678 = arith.constant 9 : i32
        %parallel_loop3A_679 = vector.broadcast %parallel_loop3A_678 : i32 to vector<16xi32>
        %parallel_loop3A_680 = arith.shrsi %parallel_loop3A_677, %parallel_loop3A_679 : vector<16xi32>
        %parallel_loop3A_681 = arith.constant 511 : i32
        %parallel_loop3A_682 = vector.broadcast %parallel_loop3A_681 : i32 to vector<16xi32>
        %parallel_loop3A_683 = arith.andi %parallel_loop3A_677, %parallel_loop3A_682 : vector<16xi32>
        %parallel_loop3A_684 = tpu.vector_load_idx %arg7[%parallel_loop3A_680, %parallel_loop3A_683] : memref<56x512xf32, #tpu.memory_space<vmem>>[vector<16xi32>, vector<16xi32>], vector<16xf32>,
        %parallel_loop3A_685 = arith.addf %parallel_loop3A_674, %parallel_loop3A_684 : vector<16xf32>
        %parallel_loop3A_686 = arith.constant 5 : i32
        %parallel_loop3A_687 = vector.broadcast %parallel_loop3A_686 : i32 to vector<16xi32>
        %parallel_loop3A_688 = arith.addi %parallel_loop3A_634, %parallel_loop3A_687 : vector<16xi32>
        %parallel_loop3A_689 = arith.constant 9 : i32
        %parallel_loop3A_690 = vector.broadcast %parallel_loop3A_689 : i32 to vector<16xi32>
        %parallel_loop3A_691 = arith.shrsi %parallel_loop3A_688, %parallel_loop3A_690 : vector<16xi32>
        %parallel_loop3A_692 = arith.constant 511 : i32
        %parallel_loop3A_693 = vector.broadcast %parallel_loop3A_692 : i32 to vector<16xi32>
        %parallel_loop3A_694 = arith.andi %parallel_loop3A_688, %parallel_loop3A_693 : vector<16xi32>
        %parallel_loop3A_695 = tpu.vector_load_idx %arg7[%parallel_loop3A_691, %parallel_loop3A_694] : memref<56x512xf32, #tpu.memory_space<vmem>>[vector<16xi32>, vector<16xi32>], vector<16xf32>,
        %parallel_loop3A_696 = arith.addf %parallel_loop3A_685, %parallel_loop3A_695 : vector<16xf32>
        %parallel_loop3A_697 = arith.constant 6 : i32
        %parallel_loop3A_698 = vector.broadcast %parallel_loop3A_697 : i32 to vector<16xi32>
        %parallel_loop3A_699 = arith.addi %parallel_loop3A_634, %parallel_loop3A_698 : vector<16xi32>
        %parallel_loop3A_700 = arith.constant 9 : i32
        %parallel_loop3A_701 = vector.broadcast %parallel_loop3A_700 : i32 to vector<16xi32>
        %parallel_loop3A_702 = arith.shrsi %parallel_loop3A_699, %parallel_loop3A_701 : vector<16xi32>
        %parallel_loop3A_703 = arith.constant 511 : i32
        %parallel_loop3A_704 = vector.broadcast %parallel_loop3A_703 : i32 to vector<16xi32>
        %parallel_loop3A_705 = arith.andi %parallel_loop3A_699, %parallel_loop3A_704 : vector<16xi32>
        %parallel_loop3A_706 = tpu.vector_load_idx %arg7[%parallel_loop3A_702, %parallel_loop3A_705] : memref<56x512xf32, #tpu.memory_space<vmem>>[vector<16xi32>, vector<16xi32>], vector<16xf32>,
        %parallel_loop3A_707 = arith.addf %parallel_loop3A_696, %parallel_loop3A_706 : vector<16xf32>
        %parallel_loop3A_708 = arith.constant 0.142857149 : f32
        %parallel_loop3A_709 = vector.broadcast %parallel_loop3A_708 : f32 to vector<16xf32>
        %parallel_loop3A_710 = arith.mulf %parallel_loop3A_707, %parallel_loop3A_709 : vector<16xf32>
        %parallel_loop3A_711 = arith.constant 16 : i32
        %parallel_loop3A_712 = arith.muli %parallel_loop3A_126, %parallel_loop3A_711 : i32
        %parallel_loop3A_713 = arith.constant 3072 : i32
        %parallel_loop3A_714 = arith.addi %parallel_loop3A_713, %parallel_loop3A_712 : i32
        %parallel_loop3A_715 = arith.index_cast %parallel_loop3A_714 : i32 to index
        %parallel_loop3A_716 = tpu.vector_load %arg9[%parallel_loop3A_715] {strides = array<i32>} : memref<4096xf32, #tpu.memory_space<vmem>>, vector<16xf32>,
        tpu.vector_store %arg9[%parallel_loop3A_715], %parallel_loop3A_710 {strides = array<i32>} : memref<4096xf32, #tpu.memory_space<vmem>>, vector<16xf32>,
        %parallel_loop3A_717 = vector.broadcast %parallel_loop3A_128 : i32 to vector<16xi32>
        %parallel_loop3A_718 = arith.addi %add3A_27, %parallel_loop3A_717 : vector<16xi32>
        %parallel_loop3A_719 = arith.constant 9 : i32
        %parallel_loop3A_720 = vector.broadcast %parallel_loop3A_719 : i32 to vector<16xi32>
        %parallel_loop3A_721 = arith.shrsi %parallel_loop3A_718, %parallel_loop3A_720 : vector<16xi32>
        %parallel_loop3A_722 = arith.constant 511 : i32
        %parallel_loop3A_723 = vector.broadcast %parallel_loop3A_722 : i32 to vector<16xi32>
        %parallel_loop3A_724 = arith.andi %parallel_loop3A_718, %parallel_loop3A_723 : vector<16xi32>
        %parallel_loop3A_725 = tpu.vector_load_idx %arg7[%parallel_loop3A_721, %parallel_loop3A_724] : memref<56x512xf32, #tpu.memory_space<vmem>>[vector<16xi32>, vector<16xi32>], vector<16xf32>,
        %parallel_loop3A_726 = arith.constant 1 : i32
        %parallel_loop3A_727 = vector.broadcast %parallel_loop3A_726 : i32 to vector<16xi32>
        %parallel_loop3A_728 = arith.addi %parallel_loop3A_718, %parallel_loop3A_727 : vector<16xi32>
        %parallel_loop3A_729 = arith.constant 9 : i32
        %parallel_loop3A_730 = vector.broadcast %parallel_loop3A_729 : i32 to vector<16xi32>
        %parallel_loop3A_731 = arith.shrsi %parallel_loop3A_728, %parallel_loop3A_730 : vector<16xi32>
        %parallel_loop3A_732 = arith.constant 511 : i32
        %parallel_loop3A_733 = vector.broadcast %parallel_loop3A_732 : i32 to vector<16xi32>
        %parallel_loop3A_734 = arith.andi %parallel_loop3A_728, %parallel_loop3A_733 : vector<16xi32>
        %parallel_loop3A_735 = tpu.vector_load_idx %arg7[%parallel_loop3A_731, %parallel_loop3A_734] : memref<56x512xf32, #tpu.memory_space<vmem>>[vector<16xi32>, vector<16xi32>], vector<16xf32>,
        %parallel_loop3A_736 = arith.addf %parallel_loop3A_725, %parallel_loop3A_735 : vector<16xf32>
        %parallel_loop3A_737 = arith.constant 2 : i32
        %parallel_loop3A_738 = vector.broadcast %parallel_loop3A_737 : i32 to vector<16xi32>
        %parallel_loop3A_739 = arith.addi %parallel_loop3A_718, %parallel_loop3A_738 : vector<16xi32>
        %parallel_loop3A_740 = arith.constant 9 : i32
        %parallel_loop3A_741 = vector.broadcast %parallel_loop3A_740 : i32 to vector<16xi32>
        %parallel_loop3A_742 = arith.shrsi %parallel_loop3A_739, %parallel_loop3A_741 : vector<16xi32>
        %parallel_loop3A_743 = arith.constant 511 : i32
        %parallel_loop3A_744 = vector.broadcast %parallel_loop3A_743 : i32 to vector<16xi32>
        %parallel_loop3A_745 = arith.andi %parallel_loop3A_739, %parallel_loop3A_744 : vector<16xi32>
        %parallel_loop3A_746 = tpu.vector_load_idx %arg7[%parallel_loop3A_742, %parallel_loop3A_745] : memref<56x512xf32, #tpu.memory_space<vmem>>[vector<16xi32>, vector<16xi32>], vector<16xf32>,
        %parallel_loop3A_747 = arith.addf %parallel_loop3A_736, %parallel_loop3A_746 : vector<16xf32>
        %parallel_loop3A_748 = arith.constant 3 : i32
        %parallel_loop3A_749 = vector.broadcast %parallel_loop3A_748 : i32 to vector<16xi32>
        %parallel_loop3A_750 = arith.addi %parallel_loop3A_718, %parallel_loop3A_749 : vector<16xi32>
        %parallel_loop3A_751 = arith.constant 9 : i32
        %parallel_loop3A_752 = vector.broadcast %parallel_loop3A_751 : i32 to vector<16xi32>
        %parallel_loop3A_753 = arith.shrsi %parallel_loop3A_750, %parallel_loop3A_752 : vector<16xi32>
        %parallel_loop3A_754 = arith.constant 511 : i32
        %parallel_loop3A_755 = vector.broadcast %parallel_loop3A_754 : i32 to vector<16xi32>
        %parallel_loop3A_756 = arith.andi %parallel_loop3A_750, %parallel_loop3A_755 : vector<16xi32>
        %parallel_loop3A_757 = tpu.vector_load_idx %arg7[%parallel_loop3A_753, %parallel_loop3A_756] : memref<56x512xf32, #tpu.memory_space<vmem>>[vector<16xi32>, vector<16xi32>], vector<16xf32>,
        %parallel_loop3A_758 = arith.addf %parallel_loop3A_747, %parallel_loop3A_757 : vector<16xf32>
        %parallel_loop3A_759 = arith.constant 4 : i32
        %parallel_loop3A_760 = vector.broadcast %parallel_loop3A_759 : i32 to vector<16xi32>
        %parallel_loop3A_761 = arith.addi %parallel_loop3A_718, %parallel_loop3A_760 : vector<16xi32>
        %parallel_loop3A_762 = arith.constant 9 : i32
        %parallel_loop3A_763 = vector.broadcast %parallel_loop3A_762 : i32 to vector<16xi32>
        %parallel_loop3A_764 = arith.shrsi %parallel_loop3A_761, %parallel_loop3A_763 : vector<16xi32>
        %parallel_loop3A_765 = arith.constant 511 : i32
        %parallel_loop3A_766 = vector.broadcast %parallel_loop3A_765 : i32 to vector<16xi32>
        %parallel_loop3A_767 = arith.andi %parallel_loop3A_761, %parallel_loop3A_766 : vector<16xi32>
        %parallel_loop3A_768 = tpu.vector_load_idx %arg7[%parallel_loop3A_764, %parallel_loop3A_767] : memref<56x512xf32, #tpu.memory_space<vmem>>[vector<16xi32>, vector<16xi32>], vector<16xf32>,
        %parallel_loop3A_769 = arith.addf %parallel_loop3A_758, %parallel_loop3A_768 : vector<16xf32>
        %parallel_loop3A_770 = arith.constant 5 : i32
        %parallel_loop3A_771 = vector.broadcast %parallel_loop3A_770 : i32 to vector<16xi32>
        %parallel_loop3A_772 = arith.addi %parallel_loop3A_718, %parallel_loop3A_771 : vector<16xi32>
        %parallel_loop3A_773 = arith.constant 9 : i32
        %parallel_loop3A_774 = vector.broadcast %parallel_loop3A_773 : i32 to vector<16xi32>
        %parallel_loop3A_775 = arith.shrsi %parallel_loop3A_772, %parallel_loop3A_774 : vector<16xi32>
        %parallel_loop3A_776 = arith.constant 511 : i32
        %parallel_loop3A_777 = vector.broadcast %parallel_loop3A_776 : i32 to vector<16xi32>
        %parallel_loop3A_778 = arith.andi %parallel_loop3A_772, %parallel_loop3A_777 : vector<16xi32>
        %parallel_loop3A_779 = tpu.vector_load_idx %arg7[%parallel_loop3A_775, %parallel_loop3A_778] : memref<56x512xf32, #tpu.memory_space<vmem>>[vector<16xi32>, vector<16xi32>], vector<16xf32>,
        %parallel_loop3A_780 = arith.addf %parallel_loop3A_769, %parallel_loop3A_779 : vector<16xf32>
        %parallel_loop3A_781 = arith.constant 6 : i32
        %parallel_loop3A_782 = vector.broadcast %parallel_loop3A_781 : i32 to vector<16xi32>
        %parallel_loop3A_783 = arith.addi %parallel_loop3A_718, %parallel_loop3A_782 : vector<16xi32>
        %parallel_loop3A_784 = arith.constant 9 : i32
        %parallel_loop3A_785 = vector.broadcast %parallel_loop3A_784 : i32 to vector<16xi32>
        %parallel_loop3A_786 = arith.shrsi %parallel_loop3A_783, %parallel_loop3A_785 : vector<16xi32>
        %parallel_loop3A_787 = arith.constant 511 : i32
        %parallel_loop3A_788 = vector.broadcast %parallel_loop3A_787 : i32 to vector<16xi32>
        %parallel_loop3A_789 = arith.andi %parallel_loop3A_783, %parallel_loop3A_788 : vector<16xi32>
        %parallel_loop3A_790 = tpu.vector_load_idx %arg7[%parallel_loop3A_786, %parallel_loop3A_789] : memref<56x512xf32, #tpu.memory_space<vmem>>[vector<16xi32>, vector<16xi32>], vector<16xf32>,
        %parallel_loop3A_791 = arith.addf %parallel_loop3A_780, %parallel_loop3A_790 : vector<16xf32>
        %parallel_loop3A_792 = arith.constant 0.142857149 : f32
        %parallel_loop3A_793 = vector.broadcast %parallel_loop3A_792 : f32 to vector<16xf32>
        %parallel_loop3A_794 = arith.mulf %parallel_loop3A_791, %parallel_loop3A_793 : vector<16xf32>
        %parallel_loop3A_795 = arith.constant 16 : i32
        %parallel_loop3A_796 = arith.muli %parallel_loop3A_126, %parallel_loop3A_795 : i32
        %parallel_loop3A_797 = arith.constant 3584 : i32
        %parallel_loop3A_798 = arith.addi %parallel_loop3A_797, %parallel_loop3A_796 : i32
        %parallel_loop3A_799 = arith.index_cast %parallel_loop3A_798 : i32 to index
        %parallel_loop3A_800 = tpu.vector_load %arg9[%parallel_loop3A_799] {strides = array<i32>} : memref<4096xf32, #tpu.memory_space<vmem>>, vector<16xf32>,
        tpu.vector_store %arg9[%parallel_loop3A_799], %parallel_loop3A_794 {strides = array<i32>} : memref<4096xf32, #tpu.memory_space<vmem>>, vector<16xf32>,
      } {sc.loop_unroll_factor = 2 : i64, sc.parallel_access}
      %add3A_88 = arith.constant 1 : i32
      %add3A_89 = arith.addi %mul3A_48, %add3A_88 : i32
      %add3A_90 = arith.constant 2 : i32
      %add3A_91 = arith.addi %add3A_89, %add3A_90 : i32
      %mul3A_92 = arith.constant 56 : i32
      %mul3A_93 = arith.muli %add3A_91, %mul3A_92 : i32
      %dma_start3A_94 = tpu.memref_slice %arg5[%mul3A_93] : memref<9184xi32, #tpu.memory_space<vmem>> -> memref<56xi32, #tpu.memory_space<vmem>>
      %dma_start3A_95 = arith.constant 0 : i32
      %dma_start3A_96 = arith.constant 0 : i32
      %dma_start3A_97 = tpu.memref_slice %arg2[%dma_start3A_95, %dma_start3A_96] : memref<163842x512xf32, #tpu.memory_space<hbm>> -> memref<163842x512xf32, #tpu.memory_space<hbm>>
      tpu.enqueue_indirect_dma source(%dma_start3A_97 : memref<163842x512xf32, #tpu.memory_space<hbm>>) target(%arg7 : memref<56x512xf32, #tpu.memory_space<vmem>>) offsets(%dma_start3A_94 : memref<56xi32, #tpu.memory_space<vmem>>) semaphore(%arg11 : memref<!tpu.dma_semaphore, #tpu.memory_space<semaphore_mem>>)
      %add3A_98 = arith.constant 1 : i32
      %add3A_99 = arith.addi %mul3A_48, %add3A_98 : i32
      %mul3A_100 = arith.constant 162 : i32
      %mul3A_101 = arith.muli %add3A, %mul3A_100 : i32
      %add3A_102 = arith.addi %mul3A_101, %add3A_99 : i32
      %mul3A_103 = arith.constant 4096 : i32
      %mul3A_104 = arith.muli %add3A_102, %mul3A_103 : i32
      %dma_start3A_105 = tpu.memref_slice %arg4[%mul3A_104] : memref<21233664xf32, #tpu.memory_space<hbm>> -> memref<4096xf32, #tpu.memory_space<hbm>>
      %dma_start3A_106 = tpu.memref_slice %arg4[%mul3A_104] : memref<21233664xf32, #tpu.memory_space<hbm>> -> memref<4096xf32, #tpu.memory_space<hbm>>
      tpu.enqueue_dma source(%arg9 : memref<4096xf32, #tpu.memory_space<vmem>>) target(%dma_start3A_106 : memref<4096xf32, #tpu.memory_space<hbm>>) target_semaphore(%arg13 : memref<!tpu.dma_semaphore, #tpu.memory_space<semaphore_mem>>)
      %add3A_107 = arith.constant 0 : i32
      %add3A_108 = arith.addi %mul3A_48, %add3A_107 : i32
      %mul3A_109 = arith.constant 162 : i32
      %mul3A_110 = arith.muli %add3A, %mul3A_109 : i32
      %add3A_111 = arith.addi %mul3A_110, %add3A_108 : i32
      %mul3A_112 = arith.constant 4096 : i32
      %mul3A_113 = arith.muli %add3A_111, %mul3A_112 : i32
      %dma_wait3A_114 = tpu.memref_slice %arg4[%mul3A_113] : memref<21233664xf32, #tpu.memory_space<hbm>> -> memref<4096xf32, #tpu.memory_space<hbm>>
      %dma_wait3A_115 = tpu.memref_slice %arg4[%mul3A_113] : memref<21233664xf32, #tpu.memory_space<hbm>> -> memref<4096xf32, #tpu.memory_space<hbm>>
      tpu.wait_dma2 semaphore(%arg12 : memref<!tpu.dma_semaphore, #tpu.memory_space<semaphore_mem>>) src(%arg8 : memref<4096xf32, #tpu.memory_space<vmem>>) dst(%dma_wait3A_115 : memref<4096xf32, #tpu.memory_space<hbm>>)
      %add3A_116 = arith.constant 1 : i32
      %add3A_117 = arith.addi %mul3A_48, %add3A_116 : i32
      %mul3A_118 = arith.constant 162 : i32
      %mul3A_119 = arith.muli %add3A, %mul3A_118 : i32
      %add3A_120 = arith.addi %mul3A_119, %add3A_117 : i32
      %mul3A_121 = arith.constant 4096 : i32
      %mul3A_122 = arith.muli %add3A_120, %mul3A_121 : i32
      %dma_wait3A_123 = tpu.memref_slice %arg4[%mul3A_122] : memref<21233664xf32, #tpu.memory_space<hbm>> -> memref<4096xf32, #tpu.memory_space<hbm>>
      %dma_wait3A_124 = tpu.memref_slice %arg4[%mul3A_122] : memref<21233664xf32, #tpu.memory_space<hbm>> -> memref<4096xf32, #tpu.memory_space<hbm>>
      tpu.wait_dma2 semaphore(%arg13 : memref<!tpu.dma_semaphore, #tpu.memory_space<semaphore_mem>>) src(%arg9 : memref<4096xf32, #tpu.memory_space<vmem>>) dst(%dma_wait3A_124 : memref<4096xf32, #tpu.memory_space<hbm>>)
      %scan3A_125 = arith.constant 0 : i32
      scf.yield %scan3A_125 : i32
    }
    %scan3A_44 = arith.constant 81 : i32
    return
  }
}

</mosaic_0001>

<sc_bundles>
// kernel: kernel.3.cloned.1.call-start
scs
__scs_entry_jumppad:
0x0: {  	(pc) =	sbr.rel $0x88, $3  }
0x1: {  	(tag) =	ssettag $0x0;
	lr =	simm.s32 $0x1  }
0x2: {  	[smem:$0x3F9F] =	sst lr;
	_ =	strace $0xD0000000  }
0x3: {  	_ = 	snop  }
0x4: {  	_ = 	snop  }
0x5: {  	_ = 	snop  }
0x6: {  	_ = 	snop  }
0x7: {  	_ = 	snop  }
__scs_overlays_trampoline_lowered:
0x8: {  	[smem:$0x3FAE] =	sst s0  }
0x9: {  	[smem:$0x3FAF] =	sst s1  }
0xa: {  	[smem:$0x3FB0] =	sst s2  }
0xb: {  	[smem:$0x3FB1] =	sst s3  }
0xc: {  	[smem:$0x3FB2] =	sst s4  }
0xd: {  	[smem:$0x3FB3] =	sst s5  }
0xe: {  	[smem:$0x3FB4] =	sst s6  }
0xf: {  	[smem:$0x3FB5] =	sst s7  }
0x10: {  	[smem:$0x3FB6] =	sst s8  }
0x11: {  	[smem:$0x3FB7] =	sst s9;
	s0 =	simm.s32 @!p0 $0x0  }
0x12: {  	s1 =	sld [smem:$0x3F9D];
	s0 =	simm.s32 @p0 $0x1  }
0x13: {  	[smem:$0x3FB8] =	sst s0;
	s0 =	simm.s32 @!p1 $0x0  }
0x14: {  	s2 =	sld [smem:$0x3F9C];
	s0 =	simm.s32 @p1 $0x1  }
0x15: {  	[smem:$0x3FB9] =	sst s0;
	s0 =	simm.s32 @!p2 $0x0  }
0x16: {  	s3 =	sld [smem:$0x3FDB];
	s0 =	simm.s32 @p2 $0x1  }
0x17: {  	s4 =	simm.s32 $0x1BF5;
	[smem:$0x3FBB] =	sst s0  }
0x18: {  	s0 =	sld [smem:$0x3F9E];
	_ =	swait.ge [sflag:s4], $0x0  }
0x19: {  	s7 =	sld [smem:$0x3F9F]  }
0x1a: {  	s8 =	sadd.s32 $0xFFFFE003, lr  }
0x1b: {  	s9 =	sadd.s32 $0xFFFFFEF7, lr;
	s5 =	simm.s32 $0xFFFFFFFF;
	p2 =	slt.u32 s8, $0xFFFFF086  }
0x1c: {  	p1 =	slt.u32 s9, $0xF7A;
	s5 =	simm.s32 @!p2 $0x0  }
0x1d: {  	s5 =	simm.s32 @p1 $0x1;
	p0 =	seq.s32 s7, s2  }
0x1e: {  	s7 =	smul.u32 @!p0 $0xF7A, s2;
	p2 =	seq.s32 @!p0 s5, $0x0  }
0x1f: {  	s9 =	smul.u32 $0xF7A, s1;
	s8 =	simm.s32 @!p0 $0x1BF5;
	p2 =	por !p2, p0  }
0x20: {  	[sflag:s8] =	ssyncset.s32 @!p0 $0xFFFFF086;
	s6 =	sadd.s32 @!p0 s3, s7;
	s7 =	simm.s32 @!p0 $0x108  }
0x21: {  	s3 =	sadd.s32 s3, s9;
	s6 =	sadd.s32 @!p0 $0x88, s6;
	s7 =	simm.s32 @p2 $0x1082  }
0x22: {  	[simem:s7], [sflag:s8] =	dma.local @!p0 [hbm:s6], $0xF7A  }
0x23: {  	s9 =	sor.u32 $0xD0000000, s2;
	s6 =	simm.s32 $0x108;
	_ =	swait.ge @!p0 [sflag:s8], $0x0  }
0x24: {  	s3 =	sadd.s32 $0x88, s3;
	s6 =	simm.s32 @!p1 $0x1082;
	[sflag:s4] =	ssyncset.s32 $0xFFFFF086  }
0x25: {  	[simem:s6], [sflag:s4] =	dma.local [hbm:s3], $0xF7A  }
0x26: {  	[smem:$0x3F9F] =	sst s1;
	(tag) =	ssettag s2;
	_ =	strace s9  }
0x27: {  	s1 =	sld [smem:$0x3FAF]  }
0x28: {  	s2 =	sld [smem:$0x3FB0]  }
0x29: {  	s4 =	sld [smem:$0x3FB2]  }
0x2a: {  	p0 =	seq.s32 s5, $0x0;
	s5 =	sld [smem:$0x3FB3]  }
0x2b: {  	s6 =	sld [smem:$0x3FB4]  }
0x2c: {  	s7 =	sld [smem:$0x3FB5]  }
0x2d: {  	s3 =	simm.s32 $0x108;
	s8 =	sld [smem:$0x3FB6]  }
0x2e: {  	s3 =	simm.s32 @!p0 $0x1082;
	s9 =	sld [smem:$0x3FB7]  }
0x2f: {  	lr =	sadd.s32 s0, s3;
	s0 =	sld [smem:$0x3FAE]  }
0x30: {  	s3 =	sld [smem:$0x3FB1]  }
0x31: {  	[smem:$0x3FBA] =	sst s10  }
0x32: {  	s10 =	sld [smem:$0x3FB8];
	_ =	sdelay $0x3  }
0x33: {  	p0 =	seq.s32 s10, $0x1;
	s10 =	sld [smem:$0x3FBA];
	_ =	sdelay $0x3  }
0x34: {  	[smem:$0x3FBA] =	sst s10  }
0x35: {  	s10 =	sld [smem:$0x3FB9];
	_ =	sdelay $0x3  }
0x36: {  	p1 =	seq.s32 s10, $0x1;
	s10 =	sld [smem:$0x3FBA];
	_ =	sdelay $0x3  }
0x37: {  	[smem:$0x3FBA] =	sst s10  }
0x38: {  	s10 =	sld [smem:$0x3FBB]  }
0x39: {  	_ = 	snop;
	(pc) =	sbr.ind lr, $3  }
0x3a: {  	_ = 	snop  }
0x3b: {  	_ = 	snop  }
0x3c: {  	p2 =	seq.s32 s10, $0x1;
	s10 =	sld [smem:$0x3FBA]  }
0x3d: {  	_ =	shalt  }
0x3e: {  	_ =	shalt  }
0x3f: {  	_ =	shalt  }
0x40: {  	_ =	shalt  }
0x41: {  	_ =	shalt  }
0x42: {  	_ =	shalt  }
0x43: {  	_ =	shalt  }
0x44: {  	_ =	shalt  }
0x45: {  	_ =	shalt  }
0x46: {  	_ =	shalt  }
0x47: {  	_ =	shalt  }
0x48: {  	_ =	shalt  }
0x49: {  	_ =	shalt  }
0x4a: {  	_ =	shalt  }
0x4b: {  	_ =	shalt  }
0x4c: {  	_ =	shalt  }
0x4d: {  	_ =	shalt  }
0x4e: {  	_ =	shalt  }
0x4f: {  	_ =	shalt  }
0x50: {  	_ =	shalt  }
0x51: {  	_ =	shalt  }
0x52: {  	_ =	shalt  }
0x53: {  	_ =	shalt  }
0x54: {  	_ =	shalt  }
0x55: {  	_ =	shalt  }
0x56: {  	_ =	shalt  }
0x57: {  	_ =	shalt  }
0x58: {  	_ =	shalt  }
0x59: {  	_ =	shalt  }
0x5a: {  	_ =	shalt  }
0x5b: {  	_ =	shalt  }
0x5c: {  	_ =	shalt  }
0x5d: {  	_ =	shalt  }
0x5e: {  	_ =	shalt  }
0x5f: {  	_ =	shalt  }
0x60: {  	_ =	shalt  }
0x61: {  	_ =	shalt  }
0x62: {  	_ =	shalt  }
0x63: {  	_ =	shalt  }
0x64: {  	_ =	shalt  }
0x65: {  	_ =	shalt  }
0x66: {  	_ =	shalt  }
0x67: {  	_ =	shalt  }
0x68: {  	_ =	shalt  }
0x69: {  	_ =	shalt  }
0x6a: {  	_ =	shalt  }
0x6b: {  	_ =	shalt  }
0x6c: {  	_ =	shalt  }
0x6d: {  	_ =	shalt  }
0x6e: {  	_ =	shalt  }
0x6f: {  	_ =	shalt  }
0x70: {  	_ =	shalt  }
0x71: {  	_ =	shalt  }
0x72: {  	_ =	shalt  }
0x73: {  	_ =	shalt  }
0x74: {  	_ =	shalt  }
0x75: {  	_ =	shalt  }
0x76: {  	_ =	shalt  }
0x77: {  	_ =	shalt  }
0x78: {  	_ =	shalt  }
0x79: {  	_ =	shalt  }
0x7a: {  	_ =	shalt  }
0x7b: {  	_ =	shalt  }
0x7c: {  	_ =	shalt  }
0x7d: {  	_ =	shalt  }
0x7e: {  	_ =	shalt  }
0x7f: {  	_ =	shalt  }
0x80: {  	_ =	shalt  }
0x81: {  	_ =	shalt  }
0x82: {  	_ =	shalt  }
0x83: {  	_ =	shalt  }
0x84: {  	_ =	shalt  }
0x85: {  	_ =	shalt  }
0x86: {  	_ =	shalt  }
0x87: {  	_ =	shalt  }
.Lfunc_end0:
.L_simem_size_0:
called_computation_lowered:
.L_overlay_start_0:
0x88: {  	s2 =	sld [smem:$0x3FD9]  }
0x89: {  	s3 =	sld [smem:$0x3FFE];
	_ =	sdelay $0x1  }
0x8a: {  	s1 =	srdreg.scid  }
0x8b: {  	s0 =	sand.u32 $0x1, s1  }
0x8c: {  	s17 =	sshll.u32 s0, $0xA;
	s2 =	sadd.s32 s3, s2  }
0x8d: {  	s2 =	sadd.s32 s2, s17  }
0x8e: {  	[smem:$0x3FC6] =	sst s2  }
0x8f: {  	_ = 	snop  }
0x90: {  	s2 =	sld [smem:$0x3FC9]  }
0x91: {  	s18 =	sld [smem:$0x3FD0];
	(tm) =	ssettm $0x1  }
0x92: {  	s4 =	sld [smem:$0x3FFB];
	_ =	sdelay $0x3  }
0x93: {  	_ =	strace s4  }
0x94: {  	s4 =	sld [smem:$0x3FFC];
	_ =	sdelay $0x3  }
0x95: {  	_ =	strace s4  }
0x96: {  	s4 =	sld [smem:$0x3FFD];
	_ =	sdelay $0x3  }
0x97: {  	_ =	strace s4  }
0x98: {  	_ =	strace $0x8FFFFFFF  }
0x99: {  	s19 =	sld [smem:$0x3FDB];
	_ =	sdelay $0x1  }
0x9a: {  	s5 =	simm.s32 $_scs_section_size  }
0x9b: {  	s6 =	simm.s32 $_size__tile_overlayer_lowered;
	s7 =	simm.s32 $_tile_overlayer_lowered  }
0x9c: {  	s22 =	simm.s32 $0x1BFF;
	s21 =	sshll.u32 s7, $0x1;
	s4 =	sadd.s32 s5, s19  }
0x9d: {  	s8 =	simm.s32 $0x0;
	s20 =	sshll.u32 s6, $0x1;
	s6 =	sadd.s32 s21, s4  }
0x9e: {  	[timem:s8], [sflag:s22] =	dma.local [hbm:s6], s20  }
0x9f: {  	_ =	swait.ge [sflag:s22], s20  }
0xa0: {  	s5 =	ssub.s32 $0x0, s20;
	[sflag:s22] =	ssyncset.done $0x0  }
0xa1: {  	[sflag:s22] =	ssyncadd.s32 s5;
	_ =	sdelay $0x1  }
0xa2: {  	s23 =	simm.s32 $0x1B8B  }
0xa3: {  	_ =	swait.ge [sflag:s23], $0x1  }
0xa4: {  	[sflag:s23] =	ssyncset.done $0x0  }
0xa5: {  	s25 =	simm.s32 $0x1B8E;
	s24 =	sld [smem:$0x3FFE];
	[sflag:s23] =	ssyncadd.s32 $0xFFFFFFFF  }
0xa6: {  	s26 =	simm.s32 $execute0_lowered;
	[smem:$0x3FD2] =	sst s25  }
0xa7: {  	s6 =	sshll.u32 s26, $0x1;
	_ =	strace $0x80000046;
	[dreg:$0x1] =	wrdreg $0xFFFFFFFF  }
0xa8: {  	s28 =	simm.s32 $_size_execute0_lowered;
	s4 =	sadd.s32 s4, s6;
	[dreg:$0x0] =	wrdreg $0x0  }
0xa9: {  	s6 =	sshll.u32 s28, $0x1;
	[dreg:$0x2] =	wrdreg s4  }
0xaa: {  	[dreg:$0x3] =	wrdreg s6  }
0xab: {  	[dreg:$0x4] =	wrdreg $0xC0  }
0xac: {  	_ =	task [dreg:s8], $0x5FFFF  }
0xad: {  	[dreg:$0x1] =	wrdreg $0xFFFFFFFF  }
0xae: {  	[dreg:$0x0] =	wrdreg $0x60  }
0xaf: {  	[dreg:$0x2] =	wrdreg s2  }
0xb0: {  	[dreg:$0x3] =	wrdreg s18  }
0xb1: {  	[dreg:$0x4] =	wrdreg s24  }
0xb2: {  	[dreg:$0x5] =	wrdreg $0x9  }
0xb3: {  	_ =	task.clear_ibuf [dreg:s8], $0x6FFFF;
	_ =	strace $0x90000046  }
0xb4: {  	s29 =	simm.s32 $0x9;
	_ =	strace $0x80000048  }
0xb5: {  	_ =	swait.ge [sflag:s29], $0x1  }
0xb6: {  	[sflag:s29] =	ssyncadd.s32 $0xFFFFFFFF  }
0xb7: {  	_ =	strace $0x90000048  }
0xb8: {  	_ =	sfence  }
0xb9: {  	s30 =	sld [smem:$0x0];
	_ =	sdelay $0x2  }
0xba: {  	s31 =	sshll.u32 s1, $0xD;
	s1 =	sshrl.u32 s1, $0x2  }
0xbb: {  	s3 =	sand.u32 $0x4000, s31;
	s1 =	sadd.s32 s1, s30  }
0xbc: {  	s0 =	sor.u32 s3, s0;
	s1 =	sshll.u32 s1, $0x11  }
0xbd: {  	s0 =	sor.u32 s1, s0  }
0xbe: {  	s0 =	sadd.s32 $0x8F2B, s0  }
0xbf: {  	[sflag:s0] =	ssyncadd.remote.s32 $0x1  }
0xc0: {  	_ =	sfence.sel $0xFFFF  }
0xc1: {  	[dreg:$0x0] =	wrdreg $0xFFFFFFFF;
	(pc) =	sbr.abs _section_cstart, $3  }
0xc2: {  	[dreg:$0x1] =	wrdreg $0xFFFFFFFF  }
0xc3: {  	_ =	task.clear_ibuf [dreg:s8], $0x2FFFF;
	_ =	strace $0x9FFFFFFF  }
0xc4: {  	(tm) =	ssettm $0x7FFFFFFF  }
0xc5: {  	_ =	shalt  }
tec
execute0_lowered:
.L_overlay_start_1:
0x0: {  	(tag) =	ssettag $0x1  }
0x1: {  	s1 =	rddreg [dreg:$0x0];
	s3 =	stileid.u32;
	v3 =	vlaneseq.u32  }
0x2: {  	s0 =	rddreg [dreg:$0x1];
	s4 =	sshll.u32 s3, $0x1;
	s3 =	simm.s32 $0x0;
	v0 =	vmul.u32 $0x7, v3  }
0x3: {  	v1 =	vand.u32 $0x7, v3;
	[smem:$0x7FF] =	sst s3  }
0x4: {  	s5 =	rddreg [dreg:$0x2];
	_ =	strace $0x80000047;
	[tilespmem:$0x1FDF0] =	vst v1;
	v59 =	vadd.s32 $0x5, v0  }
0x5: {  	v60 =	vadd.s32 $0x6, v0;
	[tilespmem:$0x1FF80] =	vst v59  }
0x6: {  	v61 =	vor.u32 $0xE00, v0;
	[tilespmem:$0x1FF90] =	vst v60  }
0x7: {  	v62 =	vadd.s32 $0xE01, v0;
	[tilespmem:$0x1FFA0] =	vst v61  }
0x8: {  	v63 =	vadd.s32 $0xE02, v0;
	[tilespmem:$0x1FFB0] =	vst v62  }
0x9: {  	v10 =	vadd.s32 $0x1, v0;
	[tilespmem:$0x1FFC0] =	vst v63  }
0xa: {  	v2 =	vshrl.u32 v3, $0x3;
	v11 =	vadd.s32 $0x2, v0;
	[tilespmem:$0x1FFD0] =	vst v10  }
0xb: {  	v1 =	vmul.u32 $0x8, v2;
	v13 =	vadd.s32 $0x4, v0;
	[tilespmem:$0x1FFE0] =	vst v11  }
0xc: {  	[tilespmem:$0x1FFF0] =	vst v13  }
0xd: {  	[tilespmem:$0x1FE00] =	vst v1;
	v1 =	vor.u32 $0x8, v3  }
0xe: {  	[tilespmem:$0x1FE10] =	vst v1;
	v1 =	vadd.s32 $0xE03, v0  }
0xf: {  	[tilespmem:$0x1FE20] =	vst v1;
	v1 =	vadd.s32 $0xE04, v0  }
0x10: {  	[tilespmem:$0x1FE30] =	vst v1;
	v1 =	vadd.s32 $0xE05, v0  }
0x11: {  	[tilespmem:$0x1FE40] =	vst v1;
	v1 =	vadd.s32 $0xE06, v0  }
0x12: {  	[tilespmem:$0x1FE50] =	vst v1;
	v1 =	vor.u32 $0x1C00, v0  }
0x13: {  	[tilespmem:$0x1FE60] =	vst v1;
	v1 =	vadd.s32 $0x1C01, v0  }
0x14: {  	[tilespmem:$0x1FE70] =	vst v1;
	v1 =	vadd.s32 $0x1C02, v0  }
0x15: {  	[tilespmem:$0x1FE80] =	vst v1;
	v1 =	vadd.s32 $0x1C03, v0  }
0x16: {  	[tilespmem:$0x1FE90] =	vst v1;
	v1 =	vadd.s32 $0x1C04, v0  }
0x17: {  	[tilespmem:$0x1FEA0] =	vst v1;
	v1 =	vadd.s32 $0x1C05, v0  }
0x18: {  	[tilespmem:$0x1FEB0] =	vst v1;
	v1 =	vadd.s32 $0x1C06, v0  }
0x19: {  	[tilespmem:$0x1FEC0] =	vst v1;
	v1 =	vor.u32 $0x2A00, v0  }
0x1a: {  	s2 =	srdreg.scid;
	[tilespmem:$0x1FED0] =	vst v1;
	v1 =	vadd.s32 $0x2A01, v0  }
0x1b: {  	s11 =	simm.s32 $0x2400;
	s25 =	simm.s32 $0x9400;
	s31 =	simm.s32 $0xBC00;
	[tilespmem:$0x1FEE0] =	vst v1;
	v1 =	vadd.s32 $0x2A02, v0  }
0x1c: {  	s9 =	simm.s32 $0xDC00;
	s10 =	simm.s32 $0xE400;
	s12 =	simm.s32 $0xEC00;
	[tilespmem:$0x1FEF0] =	vst v1;
	v1 =	vadd.s32 $0x2A03, v0  }
0x1d: {  	s13 =	simm.s32 $0xF400;
	s14 =	simm.s32 $0xFC00;
	s2 =	sand.u32 $0x1, s2;
	[tilespmem:$0x1FF00] =	vst v1;
	v1 =	vadd.s32 $0x2A04, v0  }
0x1e: {  	s15 =	simm.s32 $0x1;
	s16 =	simm.s32 $0x2;
	s4 =	sor.u32 s2, s4;
	[tilespmem:$0x1FF10] =	vst v1;
	v1 =	vadd.s32 $0x2A05, v0  }
0x1f: {  	s17 =	simm.s32 $0x3;
	s2 =	ssub.s32 $0x2, s2;
	s6 =	smul.u32 $0x46E, s4;
	[tilespmem:$0x1FF20] =	vst v1;
	v1 =	vadd.s32 $0x2A06, v0  }
0x20: {  	s18 =	simm.s32 $0x4;
	s7 =	sshrl.u32 s2, $0x1;
	s4 =	smul.u32 $0xA2, s4;
	[tilespmem:$0x1FF30] =	vst v1;
	v1 =	vor.u32 $0x3800, v0  }
0x21: {  	s20 =	simm.s32 $0x0;
	s5 =	sadd.s32 $0x400, s5;
	s2 =	ssub.s32 s2, s7;
	[tilespmem:$0x1FF40] =	vst v1;
	v1 =	vadd.s32 $0x3801, v0  }
0x22: {  	s7 =	sadd.s32 $0x100, s1;
	s0 =	sadd.s32 s0, s6;
	s8 =	sor.u32 $0x1, s4;
	[tilespmem:$0x1FF50] =	vst v1;
	v1 =	vadd.s32 $0x3802, v0  }
0x23: {  	s30 =	smax.u32 s2, $0x1;
	s2 =	simm.s32 $0xC400;
	[dreg:$0x4] =	wrdreg s0;
	[tilespmem:$0x1FF60] =	vst v1;
	v1 =	vadd.s32 $0x3803, v0  }
0x24: {  	vm0 =	vmmov $0xffff;
	v12 =	vadd.s32 $0x3, v0;
	s6 =	simm.s32 $0xD400;
	[dreg:$0x5] =	wrdreg s30;
	s0 =	simm.s32 $0xCC00;
	[tilespmem:$0x1FF70] =	vst v1  }
.LBB2_1:
0x25: {  	[dreg:$0x6] =	wrdreg s20  }
0x26: {  	s19 =	rddreg [dreg:$0x4];
	s20 =	simm.s32 $0x5  }
0x27: {  	[tilespmem:s3], [sflag:$0x5] =	stream.linear.gather [hbm4b:s19+s3], $0x23E0, $0x38;
	[tilespmem:$0x12400] =	vst v63  }
0x28: {  	_ =	swait.ge [sflag:s20], $0x23E0  }
0x29: {  	[sflag:s20] =	ssyncset.done $0x0  }
0x2a: {  	[sflag:s20] =	ssyncadd.s32 $0xFFFFDC20  }
0x2b: {  	v35 =	vld [tilespmem:$0x0];
	_ =	sdelay $0x2  }
0x2c: {  	v1 =	vld [tilespmem:$0x1FDF0];
	_ =	sdelay $0x1  }
0x2d: {  	v2 =	vld [tilespmem:$0x1FE00];
	v36 =	vshll.u32 v35, $0x2  }
0x2e: {  	v35 =	vand.u32 $0x7, v35;
	v36 =	vand.u32 $0xFFFFFFE0, v36  }
0x2f: {  	v3 =	vld [tilespmem:$0x1FE10];
	v35 =	vor.u32 v35, v36  }
0x30: {  	v36 =	vperm.xlane v35, v1;
	_ =	sdelay $0x1  }
0x31: {  	v36 =	vadd.s32 v2, v36;
	_ =	sdelay $0x1  }
0x32: {  	v35 =	vperm.xlane v35, v3;
	_ =	sdelay $0x1  }
0x33: {  	v35 =	vadd.s32 v2, v35  }
0x34: {  	[tilespmem:s11], [sflag:$0x1] =	stream.indirect_vreg.gather [hbm4b:s1+s3], $0x80, v36, vm0, $0xb8;
	[tilespmem:$0x12400] =	vst v63  }
0x35: {  	s21 =	simm.s32 $0x2C00  }
0x36: {  	[tilespmem:s21], [sflag:$0x1] =	stream.indirect_vreg.gather [hbm4b:s7+s3], $0x80, v36, vm0, $0xb8;
	[tilespmem:$0x12400] =	vst v63  }
0x37: {  	s22 =	simm.s32 $0x3400  }
0x38: {  	[tilespmem:s22], [sflag:$0x1] =	stream.indirect_vreg.gather [hbm4b:s1+s3], $0x80, v35, vm0, $0xb8;
	[tilespmem:$0x12400] =	vst v63  }
0x39: {  	s23 =	simm.s32 $0x3C00  }
0x3a: {  	[tilespmem:s23], [sflag:$0x1] =	stream.indirect_vreg.gather [hbm4b:s7+s3], $0x80, v35, vm0, $0xb8;
	[tilespmem:$0x12400] =	vst v63  }
0x3b: {  	v35 =	vld [tilespmem:$0x10];
	_ =	sdelay $0x4  }
0x3c: {  	v52 =	vshll.u32 v35, $0x2  }
0x3d: {  	v35 =	vand.u32 $0x7, v35;
	v36 =	vand.u32 $0xFFFFFFE0, v52  }
0x3e: {  	v35 =	vor.u32 v35, v36  }
0x3f: {  	v36 =	vperm.xlane v35, v1;
	_ =	sdelay $0x1  }
0x40: {  	v36 =	vadd.s32 v2, v36;
	_ =	sdelay $0x1  }
0x41: {  	v35 =	vperm.xlane v35, v3;
	_ =	sdelay $0x1  }
0x42: {  	s24 =	simm.s32 $0x4400;
	v35 =	vadd.s32 v2, v35  }
0x43: {  	[tilespmem:s24], [sflag:$0x1] =	stream.indirect_vreg.gather [hbm4b:s1+s3], $0x80, v36, vm0, $0xb8;
	[tilespmem:$0x12400] =	vst v63  }
0x44: {  	s26 =	simm.s32 $0x4C00  }
0x45: {  	[tilespmem:s26], [sflag:$0x1] =	stream.indirect_vreg.gather [hbm4b:s7+s3], $0x80, v36, vm0, $0xb8;
	[tilespmem:$0x12400] =	vst v63  }
0x46: {  	s28 =	simm.s32 $0x5400  }
0x47: {  	[tilespmem:s28], [sflag:$0x1] =	stream.indirect_vreg.gather [hbm4b:s1+s3], $0x80, v35, vm0, $0xb8;
	[tilespmem:$0x12400] =	vst v63  }
0x48: {  	s29 =	simm.s32 $0x5C00  }
0x49: {  	[tilespmem:s29], [sflag:$0x1] =	stream.indirect_vreg.gather [hbm4b:s7+s3], $0x80, v35, vm0, $0xb8;
	[tilespmem:$0x12400] =	vst v63  }
0x4a: {  	v35 =	vld [tilespmem:$0x20];
	_ =	sdelay $0x4  }
0x4b: {  	v53 =	vshll.u32 v35, $0x2  }
0x4c: {  	v35 =	vand.u32 $0x7, v35;
	v36 =	vand.u32 $0xFFFFFFE0, v53  }
0x4d: {  	v35 =	vor.u32 v35, v36  }
0x4e: {  	v36 =	vperm.xlane v35, v1;
	_ =	sdelay $0x1  }
0x4f: {  	v36 =	vadd.s32 v2, v36;
	_ =	sdelay $0x1  }
0x50: {  	v35 =	vperm.xlane v35, v3;
	_ =	sdelay $0x1  }
0x51: {  	s30 =	simm.s32 $0x6400;
	v35 =	vadd.s32 v2, v35  }
0x52: {  	[tilespmem:s30], [sflag:$0x1] =	stream.indirect_vreg.gather [hbm4b:s1+s3], $0x80, v36, vm0, $0xb8;
	[tilespmem:$0x12400] =	vst v63  }
0x53: {  	s20 =	simm.s32 $0x6C00  }
0x54: {  	[tilespmem:s20], [sflag:$0x1] =	stream.indirect_vreg.gather [hbm4b:s7+s3], $0x80, v36, vm0, $0xb8;
	[tilespmem:$0x12400] =	vst v63  }
0x55: {  	s21 =	simm.s32 $0x7400  }
0x56: {  	[tilespmem:s21], [sflag:$0x1] =	stream.indirect_vreg.gather [hbm4b:s1+s3], $0x80, v35, vm0, $0xb8;
	[tilespmem:$0x12400] =	vst v63  }
0x57: {  	s22 =	simm.s32 $0x7C00  }
0x58: {  	[tilespmem:s22], [sflag:$0x1] =	stream.indirect_vreg.gather [hbm4b:s7+s3], $0x80, v35, vm0, $0xb8;
	[tilespmem:$0x12400] =	vst v63  }
0x59: {  	v35 =	vld.msk [tilespmem:$0x30], $0xff;
	_ =	sdelay $0x4  }
0x5a: {  	v54 =	vshll.u32 v35, $0x2  }
0x5b: {  	v35 =	vand.u32 $0x7, v35;
	v36 =	vand.u32 $0xFFFFFFE0, v54  }
0x5c: {  	v35 =	vor.u32 v35, v36  }
0x5d: {  	v35 =	vperm.xlane v35, v1;
	_ =	sdelay $0x1  }
0x5e: {  	v35 =	vadd.s32 v2, v35;
	_ =	sdelay $0x3  }
0x5f: {  	s23 =	simm.s32 $0x8400  }
0x60: {  	[tilespmem:s23], [sflag:$0x1] =	stream.indirect_vreg.gather [hbm4b:s1+s3], $0x80, v35, vm0, $0xb8;
	[tilespmem:$0x12400] =	vst v63  }
0x61: {  	s24 =	simm.s32 $0x8C00  }
0x62: {  	[tilespmem:s24], [sflag:$0x1] =	stream.indirect_vreg.gather [hbm4b:s7+s3], $0x80, v35, vm0, $0xb8;
	[tilespmem:$0x12400] =	vst v63  }
0x63: {  	v35 =	vld [tilespmem:$0x38];
	_ =	sdelay $0x4  }
0x64: {  	v55 =	vshll.u32 v35, $0x2  }
0x65: {  	v35 =	vand.u32 $0x7, v35;
	v36 =	vand.u32 $0xFFFFFFE0, v55  }
0x66: {  	v35 =	vor.u32 v35, v36  }
0x67: {  	v36 =	vperm.xlane v35, v1;
	_ =	sdelay $0x1  }
0x68: {  	v36 =	vadd.s32 v2, v36;
	_ =	sdelay $0x1  }
0x69: {  	v35 =	vperm.xlane v35, v3;
	_ =	sdelay $0x1  }
0x6a: {  	v35 =	vadd.s32 v2, v35  }
0x6b: {  	[tilespmem:s25], [sflag:$0x2] =	stream.indirect_vreg.gather [hbm4b:s1+s3], $0x80, v36, vm0, $0xb8;
	[tilespmem:$0x12400] =	vst v63  }
0x6c: {  	s26 =	simm.s32 $0x9C00  }
0x6d: {  	[tilespmem:s26], [sflag:$0x2] =	stream.indirect_vreg.gather [hbm4b:s7+s3], $0x80, v36, vm0, $0xb8;
	[tilespmem:$0x12400] =	vst v63  }
0x6e: {  	s28 =	simm.s32 $0xA400  }
0x6f: {  	[tilespmem:s28], [sflag:$0x2] =	stream.indirect_vreg.gather [hbm4b:s1+s3], $0x80, v35, vm0, $0xb8;
	[tilespmem:$0x12400] =	vst v63  }
0x70: {  	s29 =	simm.s32 $0xAC00  }
0x71: {  	[tilespmem:s29], [sflag:$0x2] =	stream.indirect_vreg.gather [hbm4b:s7+s3], $0x80, v35, vm0, $0xb8;
	[tilespmem:$0x12400] =	vst v63  }
0x72: {  	v35 =	vld [tilespmem:$0x48];
	_ =	sdelay $0x4  }
0x73: {  	v56 =	vshll.u32 v35, $0x2  }
0x74: {  	v35 =	vand.u32 $0x7, v35;
	v36 =	vand.u32 $0xFFFFFFE0, v56  }
0x75: {  	v35 =	vor.u32 v35, v36  }
0x76: {  	v36 =	vperm.xlane v35, v1;
	_ =	sdelay $0x1  }
0x77: {  	v36 =	vadd.s32 v2, v36;
	_ =	sdelay $0x1  }
0x78: {  	v35 =	vperm.xlane v35, v3;
	_ =	sdelay $0x1  }
0x79: {  	s30 =	simm.s32 $0xB400;
	v35 =	vadd.s32 v2, v35  }
0x7a: {  	[tilespmem:s30], [sflag:$0x2] =	stream.indirect_vreg.gather [hbm4b:s1+s3], $0x80, v36, vm0, $0xb8;
	[tilespmem:$0x12400] =	vst v63  }
0x7b: {  	_ = 	snop  }
0x7c: {  	[tilespmem:s31], [sflag:$0x2] =	stream.indirect_vreg.gather [hbm4b:s7+s3], $0x80, v36, vm0, $0xb8;
	[tilespmem:$0x12400] =	vst v63  }
0x7d: {  	_ = 	snop  }
0x7e: {  	[tilespmem:s2], [sflag:$0x2] =	stream.indirect_vreg.gather [hbm4b:s1+s3], $0x80, v35, vm0, $0xb8;
	[tilespmem:$0x12400] =	vst v63  }
0x7f: {  	_ = 	snop  }
0x80: {  	[tilespmem:s0], [sflag:$0x2] =	stream.indirect_vreg.gather [hbm4b:s7+s3], $0x80, v35, vm0, $0xb8;
	[tilespmem:$0x12400] =	vst v63  }
0x81: {  	v35 =	vld [tilespmem:$0x58];
	_ =	sdelay $0x4  }
0x82: {  	v57 =	vshll.u32 v35, $0x2  }
0x83: {  	v35 =	vand.u32 $0x7, v35;
	v36 =	vand.u32 $0xFFFFFFE0, v57  }
0x84: {  	v35 =	vor.u32 v35, v36  }
0x85: {  	v36 =	vperm.xlane v35, v1;
	_ =	sdelay $0x1  }
0x86: {  	v36 =	vadd.s32 v2, v36;
	_ =	sdelay $0x1  }
0x87: {  	v35 =	vperm.xlane v35, v3;
	_ =	sdelay $0x1  }
0x88: {  	v35 =	vadd.s32 v2, v35  }
0x89: {  	[tilespmem:s6], [sflag:$0x2] =	stream.indirect_vreg.gather [hbm4b:s1+s3], $0x80, v36, vm0, $0xb8;
	[tilespmem:$0x12400] =	vst v63  }
0x8a: {  	_ = 	snop  }
0x8b: {  	[tilespmem:s9], [sflag:$0x2] =	stream.indirect_vreg.gather [hbm4b:s7+s3], $0x80, v36, vm0, $0xb8;
	[tilespmem:$0x12400] =	vst v63  }
0x8c: {  	_ = 	snop  }
0x8d: {  	[tilespmem:s10], [sflag:$0x2] =	stream.indirect_vreg.gather [hbm4b:s1+s3], $0x80, v35, vm0, $0xb8;
	[tilespmem:$0x12400] =	vst v63  }
0x8e: {  	_ = 	snop  }
0x8f: {  	[tilespmem:s12], [sflag:$0x2] =	stream.indirect_vreg.gather [hbm4b:s7+s3], $0x80, v35, vm0, $0xb8;
	[tilespmem:$0x12400] =	vst v63  }
0x90: {  	v35 =	vld.msk [tilespmem:$0x68], $0xff;
	_ =	sdelay $0x4  }
0x91: {  	v58 =	vshll.u32 v35, $0x2  }
0x92: {  	v35 =	vand.u32 $0x7, v35;
	v36 =	vand.u32 $0xFFFFFFE0, v58  }
0x93: {  	v35 =	vor.u32 v35, v36  }
0x94: {  	v35 =	vperm.xlane v35, v1;
	_ =	sdelay $0x1  }
0x95: {  	v35 =	vadd.s32 v2, v35;
	_ =	sdelay $0x4  }
0x96: {  	[tilespmem:s13], [sflag:$0x2] =	stream.indirect_vreg.gather [hbm4b:s1+s3], $0x80, v35, vm0, $0xb8;
	[tilespmem:$0x12400] =	vst v63  }
0x97: {  	s19 =	simm.s32 $0x0  }
0x98: {  	[tilespmem:s14], [sflag:$0x2] =	stream.indirect_vreg.gather [hbm4b:s7+s3], $0x80, v35, vm0, $0xb8;
	[tilespmem:$0x12400] =	vst v63  }
.LBB2_2:
0x99: {  	_ =	swait.ge [sflag:s15], $0x7000  }
0x9a: {  	v33 =	vld [tilespmem:$0x1FE30]  }
0x9b: {  	v34 =	vld [tilespmem:$0x1FE40]  }
0x9c: {  	v23 =	vld [tilespmem:$0x1FE50]  }
0x9d: {  	v24 =	vld [tilespmem:$0x1FE60]  }
0x9e: {  	v25 =	vld [tilespmem:$0x1FE70]  }
0x9f: {  	v26 =	vld [tilespmem:$0x1FE80]  }
0xa0: {  	v27 =	vld [tilespmem:$0x1FE90]  }
0xa1: {  	v28 =	vld [tilespmem:$0x1FEA0]  }
0xa2: {  	v29 =	vld [tilespmem:$0x1FEB0]  }
0xa3: {  	v30 =	vld [tilespmem:$0x1FEC0]  }
0xa4: {  	v31 =	vld [tilespmem:$0x1FED0]  }
0xa5: {  	v32 =	vld [tilespmem:$0x1FEE0]  }
0xa6: {  	v18 =	vld [tilespmem:$0x1FEF0]  }
0xa7: {  	v19 =	vld [tilespmem:$0x1FF00]  }
0xa8: {  	v20 =	vld [tilespmem:$0x1FF10]  }
0xa9: {  	s20 =	simm.s32 $0xFFFFFFFE;
	s21 =	simm.s32 $0x10;
	[sflag:s15] =	ssyncset.done $0x0;
	v21 =	vld [tilespmem:$0x1FF20]  }
0xaa: {  	s22 =	simm.s32 $0x10410;
	s23 =	simm.s32 $0x70;
	v22 =	vld [tilespmem:$0x1FF30];
	[sflag:s15] =	ssyncadd.s32 $0xFFFF9000  }
.LBB2_3:
0xab: {  	s26 =	sadd.s32 $0xFFFFFF90, s23  }
0xac: {  	v35 =	vadd.s32 s26, v0;
	v41 =	vadd.s32 s26, v12  }
0xad: {  	v36 =	vshll.u32 v35, $0x3;
	v37 =	vshrl.u32 v35, $0x2;
	v35 =	vand.u32 $0x107F, v35  }
0xae: {  	v44 =	vshll.u32 v41, $0x3;
	v45 =	vshrl.u32 v41, $0x2;
	v46 =	vand.u32 $0x107F, v41  }
0xaf: {  	v36 =	vand.u32 $0xC00, v36;
	v37 =	vand.u32 $0x380, v37;
	v38 =	vadd.s32 s26, v10  }
0xb0: {  	v35 =	vor.u32 v36, v35;
	v5 =	vadd.s32 s26, v11;
	v47 =	vadd.s32 s26, v13  }
0xb1: {  	v49 =	vadd.s32 s26, v59;
	v53 =	vadd.s32 s26, v60;
	v4 =	vshll.u32 v38, $0x3  }
0xb2: {  	v35 =	vor.u32 v37, v35;
	v39 =	vshrl.u32 v38, $0x2;
	v38 =	vand.u32 $0x107F, v38  }
0xb3: {  	v40 =	vshll.u32 v5, $0x3;
	v7 =	vshrl.u32 v5, $0x2;
	v36 =	vand.u32 $0xC00, v4  }
0xb4: {  	v37 =	vand.u32 $0x107F, v5;
	v39 =	vand.u32 $0x380, v39;
	v36 =	vor.u32 v36, v38  }
0xb5: {  	v48 =	vshll.u32 v47, $0x3;
	v6 =	vand.u32 $0xC00, v40;
	v36 =	vor.u32 v39, v36  }
0xb6: {  	v42 =	vshrl.u32 v47, $0x2;
	v40 =	vand.u32 $0x380, v7;
	v37 =	vor.u32 v6, v37  }
0xb7: {  	v41 =	vand.u32 $0x107F, v47;
	v38 =	vand.u32 $0xC00, v44;
	v37 =	vor.u32 v40, v37  }
0xb8: {  	v51 =	vshll.u32 v49, $0x3;
	v39 =	vand.u32 $0x380, v45;
	v38 =	vor.u32 v38, v46  }
0xb9: {  	v52 =	vshrl.u32 v49, $0x2;
	v40 =	vand.u32 $0xC00, v48;
	v38 =	vor.u32 v39, v38;
	v35 =	vld.idx.msk [tilespmem:v35+s11+$0x0], $0xffff  }
0xba: {  	v54 =	vshll.u32 v53, $0x3;
	v42 =	vand.u32 $0x380, v42;
	v40 =	vor.u32 v40, v41;
	v36 =	vld.idx.msk [tilespmem:v36+s11+$0x0], $0xffff  }
0xbb: {  	v41 =	vand.u32 $0x107F, v49;
	v50 =	vor.u32 v42, v40;
	v40 =	vand.u32 $0xC00, v51  }
0xbc: {  	v43 =	vshrl.u32 v53, $0x2;
	v42 =	vand.u32 $0x380, v52;
	v40 =	vor.u32 v40, v41;
	v37 =	vld.idx.msk [tilespmem:v37+s11+$0x0], $0xffff  }
0xbd: {  	v41 =	vand.u32 $0x107F, v53;
	v40 =	vor.u32 v42, v40;
	v42 =	vand.u32 $0xC00, v54  }
0xbe: {  	v43 =	vand.u32 $0x380, v43;
	v41 =	vor.u32 v42, v41;
	v38 =	vld.idx.msk [tilespmem:v38+s11+$0x0], $0xffff  }
0xbf: {  	v1 =	vld [tilespmem:$0x1FE20];
	v55 =	vor.u32 v43, v41;
	v35 =	vadd.f32 v36, v35  }
0xc0: {  	v39 =	vld.idx.msk [tilespmem:v50+s11+$0x0], $0xffff  }
0xc1: {  	v57 =	vadd.s32 s26, v61;
	v35 =	vadd.f32 v37, v35  }
0xc2: {  	v58 =	vshll.u32 v57, $0x3;
	v5 =	vadd.s32 s26, v62;
	v4 =	vshrl.u32 v57, $0x2;
	v56 =	vld.idx.msk [tilespmem:v40+s11+$0x0], $0xffff  }
0xc3: {  	v7 =	vadd.s32 s26, v63;
	v6 =	vshll.u32 v5, $0x3;
	v35 =	vadd.f32 v38, v35  }
0xc4: {  	v44 =	vshrl.u32 v5, $0x2;
	v47 =	vshrl.u32 v7, $0x2;
	v45 =	vshll.u32 v7, $0x3;
	v36 =	vld.idx.msk [tilespmem:v55+s11+$0x0], $0xffff  }
0xc5: {  	v48 =	vadd.s32 s26, v1;
	v46 =	vand.u32 $0xC00, v45;
	v35 =	vadd.f32 v39, v35  }
0xc6: {  	v49 =	vshll.u32 v48, $0x3;
	v51 =	vand.u32 $0x107F, v48;
	v52 =	vadd.s32 s26, v33  }
0xc7: {  	v53 =	vshll.u32 v52, $0x3;
	v54 =	vshrl.u32 v52, $0x2;
	v35 =	vadd.f32 v56, v35  }
0xc8: {  	v42 =	vand.u32 $0x107F, v52;
	v41 =	vand.u32 $0x380, v47;
	v37 =	vand.u32 $0xC00, v58  }
0xc9: {  	v38 =	vand.u32 $0x380, v4;
	v35 =	vadd.f32 v36, v35;
	v36 =	vand.u32 $0x107F, v57  }
0xca: {  	v39 =	vand.u32 $0x107F, v5;
	v36 =	vor.u32 v37, v36;
	v37 =	vand.u32 $0xC00, v6  }
0xcb: {  	v40 =	vand.u32 $0x380, v44;
	v36 =	vor.u32 v38, v36;
	v37 =	vor.u32 v37, v39  }
0xcc: {  	v50 =	vshrl.u32 v48, $0x2;
	v38 =	vand.u32 $0x107F, v7;
	v37 =	vor.u32 v40, v37  }
0xcd: {  	v55 =	vand.u32 $0x380, v54;
	v35 =	vmul.f32 $1.428571490e-01, v35;
	v38 =	vor.u32 v46, v38  }
0xce: {  	v4 =	vadd.s32 s26, v23;
	v39 =	vand.u32 $0xC00, v49;
	v38 =	vor.u32 v41, v38  }
0xcf: {  	v5 =	vshll.u32 v4, $0x3;
	v40 =	vand.u32 $0x380, v50;
	v39 =	vor.u32 v39, v51;
	[tilespmem:s22+$0xFFFFFFF0] =	vst v35  }
0xd0: {  	v56 =	vadd.s32 s26, v34;
	v41 =	vand.u32 $0xC00, v53;
	v39 =	vor.u32 v40, v39;
	v36 =	vld.idx.msk [tilespmem:v36+s11+$0x0], $0xffff  }
0xd1: {  	v58 =	vshrl.u32 v56, $0x2;
	v57 =	vshll.u32 v56, $0x3;
	v41 =	vor.u32 v41, v42;
	v37 =	vld.idx.msk [tilespmem:v37+s11+$0x0], $0xffff  }
0xd2: {  	v40 =	vand.u32 $0xC00, v57;
	v42 =	vand.u32 $0x107F, v56;
	v35 =	vor.u32 v55, v41  }
0xd3: {  	v6 =	vshrl.u32 v4, $0x2;
	v41 =	vand.u32 $0x380, v58;
	v40 =	vor.u32 v40, v42;
	v38 =	vld.idx.msk [tilespmem:v38+s11+$0x0], $0xffff  }
0xd4: {  	v42 =	vand.u32 $0x107F, v4;
	v40 =	vor.u32 v41, v40;
	v41 =	vand.u32 $0xC00, v5  }
0xd5: {  	v43 =	vand.u32 $0x380, v6;
	v41 =	vor.u32 v41, v42;
	v39 =	vld.idx.msk [tilespmem:v39+s11+$0x0], $0xffff  }
0xd6: {  	v7 =	vor.u32 v43, v41;
	v36 =	vadd.f32 v37, v36  }
0xd7: {  	v35 =	vld.idx.msk [tilespmem:v35+s11+$0x0], $0xffff  }
0xd8: {  	v44 =	vadd.s32 s26, v25;
	v36 =	vadd.f32 v38, v36  }
0xd9: {  	v45 =	vshll.u32 v44, $0x3;
	v47 =	vshrl.u32 v44, $0x2;
	v46 =	vadd.s32 s26, v26;
	v40 =	vld.idx.msk [tilespmem:v40+s11+$0x0], $0xffff  }
0xda: {  	v51 =	vadd.s32 s26, v27;
	v48 =	vshll.u32 v46, $0x3;
	v36 =	vadd.f32 v39, v36  }
0xdb: {  	v50 =	vshrl.u32 v46, $0x2;
	v52 =	vshll.u32 v51, $0x3;
	v53 =	vshrl.u32 v51, $0x2;
	v37 =	vld.idx.msk [tilespmem:v7+s11+$0x0], $0xffff  }
0xdc: {  	v54 =	vand.u32 $0x307F, v51;
	v49 =	vand.u32 $0xC00, v48;
	v35 =	vadd.f32 v35, v36  }
0xdd: {  	v55 =	vadd.s32 s26, v28;
	v4 =	vadd.s32 s26, v29;
	v41 =	vadd.s32 s26, v24  }
0xde: {  	v56 =	vshll.u32 v55, $0x3;
	v43 =	vshrl.u32 v41, $0x2;
	v35 =	vadd.f32 v40, v35  }
0xdf: {  	v57 =	vshrl.u32 v55, $0x2;
	v42 =	vshll.u32 v41, $0x3;
	v38 =	vand.u32 $0x380, v43  }
0xe0: {  	v36 =	vand.u32 $0x307F, v41;
	v35 =	vadd.f32 v37, v35;
	v37 =	vand.u32 $0xC00, v42  }
0xe1: {  	v39 =	vand.u32 $0x307F, v44;
	v36 =	vor.u32 v37, v36;
	v37 =	vand.u32 $0xC00, v45  }
0xe2: {  	v40 =	vand.u32 $0x380, v47;
	v36 =	vor.u32 v38, v36;
	v37 =	vor.u32 v37, v39  }
0xe3: {  	v5 =	vshll.u32 v4, $0x3;
	v38 =	vand.u32 $0x307F, v46;
	v37 =	vor.u32 v40, v37  }
0xe4: {  	s24 =	sadd.s32 $0xFFFFFFF0, s21;
	v41 =	vand.u32 $0x380, v50;
	v35 =	vmul.f32 $1.428571490e-01, v35;
	v38 =	vor.u32 v49, v38  }
0xe5: {  	s24 =	sand.u32 $0x1E0, s24;
	v6 =	vshrl.u32 v4, $0x2;
	v39 =	vand.u32 $0xC00, v52;
	v38 =	vor.u32 v41, v38  }
0xe6: {  	v7 =	vadd.s32 s26, v30;
	v40 =	vand.u32 $0x380, v53;
	v39 =	vor.u32 v39, v54;
	[tilespmem:s24+$0x10600] =	vst v35  }
0xe7: {  	v42 =	vand.u32 $0x307F, v55;
	v41 =	vand.u32 $0xC00, v56;
	v39 =	vor.u32 v40, v39;
	v36 =	vld.idx.msk [tilespmem:v36+s11+$0x0], $0xffff  }
0xe8: {  	v58 =	vand.u32 $0x380, v57;
	v44 =	vshll.u32 v7, $0x3;
	v41 =	vor.u32 v41, v42;
	v37 =	vld.idx.msk [tilespmem:v37+s11+$0x0], $0xffff  }
0xe9: {  	v40 =	vand.u32 $0xC00, v5;
	v42 =	vand.u32 $0x307F, v4;
	v35 =	vor.u32 v58, v41  }
0xea: {  	v45 =	vshrl.u32 v7, $0x2;
	v41 =	vand.u32 $0x380, v6;
	v40 =	vor.u32 v40, v42;
	v38 =	vld.idx.msk [tilespmem:v38+s11+$0x0], $0xffff  }
0xeb: {  	v42 =	vand.u32 $0x307F, v7;
	v40 =	vor.u32 v41, v40;
	v41 =	vand.u32 $0xC00, v44  }
0xec: {  	v43 =	vand.u32 $0x380, v45;
	v41 =	vor.u32 v41, v42;
	v39 =	vld.idx.msk [tilespmem:v39+s11+$0x0], $0xffff  }
0xed: {  	v46 =	vor.u32 v43, v41;
	v36 =	vadd.f32 v37, v36  }
0xee: {  	v35 =	vld.idx.msk [tilespmem:v35+s11+$0x0], $0xffff  }
0xef: {  	v51 =	vadd.s32 s26, v32;
	v48 =	vadd.s32 s26, v31;
	v36 =	vadd.f32 v38, v36  }
0xf0: {  	v50 =	vshrl.u32 v48, $0x2;
	v52 =	vshll.u32 v51, $0x3;
	v47 =	vld.idx.msk [tilespmem:v40+s11+$0x0], $0xffff  }
0xf1: {  	v49 =	vshll.u32 v48, $0x3;
	v53 =	vadd.s32 s26, v18;
	v36 =	vadd.f32 v39, v36  }
0xf2: {  	v54 =	vshrl.u32 v51, $0x2;
	v55 =	vshll.u32 v53, $0x3;
	v57 =	vshrl.u32 v53, $0x2;
	v37 =	vld.idx.msk [tilespmem:v46+s11+$0x0], $0xffff  }
0xf3: {  	v56 =	vand.u32 $0xC00, v55;
	v58 =	vadd.s32 s26, v19;
	v35 =	vadd.f32 v35, v36  }
0xf4: {  	v7 =	vadd.s32 s26, v20;
	v4 =	vshll.u32 v58, $0x3;
	v5 =	vshrl.u32 v58, $0x2  }
0xf5: {  	v6 =	vand.u32 $0x307F, v58;
	v44 =	vshll.u32 v7, $0x3;
	v35 =	vadd.f32 v47, v35  }
0xf6: {  	v45 =	vshrl.u32 v7, $0x2;
	v42 =	vand.u32 $0x307F, v7;
	v38 =	vand.u32 $0x380, v50  }
0xf7: {  	v36 =	vand.u32 $0x307F, v48;
	v35 =	vadd.f32 v37, v35;
	v37 =	vand.u32 $0xC00, v49  }
0xf8: {  	v39 =	vand.u32 $0x307F, v51;
	v36 =	vor.u32 v37, v36;
	v37 =	vand.u32 $0xC00, v52  }
0xf9: {  	v40 =	vand.u32 $0x380, v54;
	v36 =	vor.u32 v38, v36;
	v37 =	vor.u32 v37, v39  }
0xfa: {  	v41 =	vand.u32 $0x380, v57;
	v38 =	vand.u32 $0x307F, v53;
	v37 =	vor.u32 v40, v37  }
0xfb: {  	v46 =	vand.u32 $0x380, v45;
	v35 =	vmul.f32 $1.428571490e-01, v35;
	v38 =	vor.u32 v56, v38  }
0xfc: {  	v50 =	vadd.s32 s26, v22;
	v39 =	vand.u32 $0xC00, v4;
	v38 =	vor.u32 v41, v38  }
0xfd: {  	v2 =	vld [tilespmem:$0x1FF40];
	v51 =	vshll.u32 v50, $0x3;
	v40 =	vand.u32 $0x380, v5;
	v39 =	vor.u32 v39, v6;
	[tilespmem:s24+$0x10800] =	vst v35  }
0xfe: {  	v47 =	vadd.s32 s26, v21;
	v41 =	vand.u32 $0xC00, v44;
	v39 =	vor.u32 v40, v39;
	v36 =	vld.idx.msk [tilespmem:v36+s11+$0x0], $0xffff  }
0xff: {  	v48 =	vshll.u32 v47, $0x3;
	v49 =	vshrl.u32 v47, $0x2;
	v41 =	vor.u32 v41, v42;
	v37 =	vld.idx.msk [tilespmem:v37+s11+$0x0], $0xffff  }
0x100: {  	v40 =	vand.u32 $0xC00, v48;
	v42 =	vand.u32 $0x307F, v47;
	v35 =	vor.u32 v46, v41  }
0x101: {  	v52 =	vshrl.u32 v50, $0x2;
	v41 =	vand.u32 $0x380, v49;
	v40 =	vor.u32 v40, v42;
	v38 =	vld.idx.msk [tilespmem:v38+s11+$0x0], $0xffff  }
0x102: {  	v42 =	vand.u32 $0x307F, v50;
	v40 =	vor.u32 v41, v40;
	v41 =	vand.u32 $0xC00, v51  }
0x103: {  	v43 =	vand.u32 $0x380, v52;
	v41 =	vor.u32 v41, v42;
	v39 =	vld.idx.msk [tilespmem:v39+s11+$0x0], $0xffff  }
0x104: {  	v55 =	vadd.s32 s26, v2;
	v2 =	vld [tilespmem:$0x1FF50];
	v53 =	vor.u32 v43, v41;
	v36 =	vadd.f32 v37, v36  }
0x105: {  	v35 =	vld.idx.msk [tilespmem:v35+s11+$0x0], $0xffff  }
0x106: {  	v3 =	vld [tilespmem:$0x1FF60];
	v36 =	vadd.f32 v38, v36  }
0x107: {  	v54 =	vld.idx.msk [tilespmem:v40+s11+$0x0], $0xffff  }
0x108: {  	v36 =	vadd.f32 v39, v36  }
0x109: {  	v4 =	vshrl.u32 v55, $0x2;
	v56 =	vshll.u32 v55, $0x3;
	v37 =	vld.idx.msk [tilespmem:v53+s11+$0x0], $0xffff  }
0x10a: {  	v5 =	vadd.s32 s26, v2;
	v58 =	vand.u32 $0xC00, v56;
	v35 =	vadd.f32 v35, v36  }
0x10b: {  	v6 =	vshll.u32 v5, $0x3;
	v44 =	vadd.s32 s26, v3;
	v3 =	vadd.s32 $0x3804, v0  }
0x10c: {  	v7 =	vshrl.u32 v5, $0x2;
	v51 =	vadd.s32 s26, v3;
	v35 =	vadd.f32 v54, v35  }
0x10d: {  	v45 =	vshll.u32 v44, $0x3;
	v46 =	vshrl.u32 v44, $0x2;
	v43 =	vand.u32 $0x707F, v51  }
0x10e: {  	v40 =	vand.u32 $0x380, v7;
	v35 =	vadd.f32 v37, v35;
	v37 =	vand.u32 $0x380, v4;
	v4 =	vld [tilespmem:$0x1FF70]  }
0x10f: {  	v39 =	vand.u32 $0x707F, v5;
	v5 =	vadd.s32 $0x3805, v0;
	v36 =	vand.u32 $0x707F, v55  }
0x110: {  	v57 =	vmul.f32 $1.428571490e-01, v35;
	v35 =	vor.u32 v58, v36;
	v36 =	vand.u32 $0xC00, v6  }
0x111: {  	v36 =	vor.u32 v36, v39;
	v37 =	vor.u32 v37, v35;
	v35 =	vand.u32 $0xC00, v45  }
0x112: {  	v39 =	vand.u32 $0x707F, v44;
	v44 =	vshll.u32 v51, $0x3;
	v40 =	vor.u32 v40, v36  }
0x113: {  	v36 =	vand.u32 $0x380, v46;
	v35 =	vor.u32 v35, v39;
	v47 =	vadd.s32 s26, v4  }
0x114: {  	v45 =	vshrl.u32 v51, $0x2;
	v48 =	vor.u32 v36, v35;
	v49 =	vshll.u32 v47, $0x3  }
0x115: {  	v50 =	vshrl.u32 v47, $0x2;
	v39 =	vand.u32 $0x707F, v47;
	v36 =	vand.u32 $0xC00, v49  }
0x116: {  	v44 =	vand.u32 $0xC00, v44;
	[tilespmem:s24+$0x10A00] =	vst v57;
	v42 =	vand.u32 $0x380, v50;
	v39 =	vor.u32 v36, v39  }
0x117: {  	v46 =	vadd.s32 s26, v5;
	v52 =	vand.u32 $0x380, v45;
	v54 =	vld.idx.msk [tilespmem:v37+s11+$0x0], $0xffff;
	v39 =	vor.u32 v42, v39  }
0x118: {  	v43 =	vor.u32 v44, v43;
	v53 =	vshll.u32 v46, $0x3;
	v56 =	vshrl.u32 v46, $0x2;
	v40 =	vld.idx.msk [tilespmem:v40+s11+$0x0], $0xffff  }
0x119: {  	v57 =	vand.u32 $0x707F, v46;
	v38 =	vor.u32 v52, v43;
	v55 =	vand.u32 $0xC00, v53  }
0x11a: {  	v43 =	vand.u32 $0x380, v56;
	v37 =	vmovc v3;
	v3 =	vadd.s32 $0x3806, v0;
	v42 =	vor.u32 v55, v57;
	v41 =	vld.idx.msk [tilespmem:v48+s11+$0x0], $0xffff  }
0x11b: {  	v58 =	vadd.s32 s26, v3;
	v42 =	vor.u32 v43, v42  }
0x11c: {  	v14 =	vadd.s32 $0x4601, v0;
	v6 =	vshll.u32 v58, $0x3;
	v7 =	vshrl.u32 v58, $0x2;
	v39 =	vld.idx.msk [tilespmem:v39+s11+$0x0], $0xffff  }
0x11d: {  	v44 =	vand.u32 $0x707F, v58;
	v43 =	vand.u32 $0xC00, v6;
	v40 =	vadd.f32 v40, v54  }
0x11e: {  	v17 =	vadd.s32 $0x4602, v0;
	v46 =	vand.u32 $0x380, v7;
	v38 =	vld.idx.msk [tilespmem:v38+s11+$0x0], $0xffff;
	v43 =	vor.u32 v43, v44  }
0x11f: {  	v52 =	vadd.s32 s26, v14;
	v43 =	vor.u32 v46, v43;
	v40 =	vadd.f32 v41, v40  }
0x120: {  	v60 =	vadd.s32 s23, v60;
	v4 =	vadd.s32 s23, v4;
	v53 =	vshll.u32 v52, $0x3;
	v47 =	vld.idx.msk [tilespmem:v42+s11+$0x0], $0xffff  }
0x121: {  	v55 =	vadd.s32 s26, v17;
	v57 =	vadd.s32 s23, v0;
	v39 =	vadd.f32 v39, v40  }
0x122: {  	v56 =	vshll.u32 v55, $0x3;
	v6 =	vadd.s32 s23, v11;
	v44 =	vand.u32 $0x507F, v52  }
0x123: {  	v46 =	vand.u32 $0x107F, v57;
	v39 =	vadd.f32 v38, v39;
	v38 =	vmovc v5;
	v5 =	vor.u32 $0x4600, v0  }
0x124: {  	v54 =	vshrl.u32 v52, $0x2;
	v52 =	vshll.u32 v6, $0x3;
	v48 =	vld.idx.msk [tilespmem:v43+s11+$0x0], $0xffff;
	v49 =	vadd.s32 s26, v5  }
0x125: {  	v7 =	vand.u32 $0xC00, v52;
	v39 =	vadd.f32 v47, v39;
	v50 =	vshll.u32 v49, $0x3  }
0x126: {  	v51 =	vshrl.u32 v49, $0x2;
	v41 =	vand.u32 $0x507F, v49;
	v47 =	vshrl.u32 v55, $0x2  }
0x127: {  	v49 =	vshrl.u32 v57, $0x2;
	v42 =	vand.u32 $0xC00, v50;
	v43 =	vand.u32 $0x380, v51  }
0x128: {  	v47 =	vand.u32 $0x380, v47;
	v50 =	vadd.s32 s23, v10;
	v49 =	vand.u32 $0x380, v49  }
0x129: {  	v40 =	vadd.f32 v48, v39;
	v41 =	vor.u32 v42, v41;
	v42 =	vand.u32 $0xC00, v53  }
0x12a: {  	v48 =	vshll.u32 v57, $0x3;
	v58 =	vshll.u32 v50, $0x3;
	v51 =	vshrl.u32 v50, $0x2  }
0x12b: {  	v50 =	vand.u32 $0x107F, v50;
	v53 =	vadd.s32 s23, v12;
	v41 =	vor.u32 v43, v41  }
0x12c: {  	v43 =	vand.u32 $0x380, v54;
	v42 =	vor.u32 v42, v44;
	v44 =	vand.u32 $0x507F, v55  }
0x12d: {  	v48 =	vand.u32 $0xC00, v48;
	v51 =	vand.u32 $0x380, v51;
	v57 =	vshll.u32 v53, $0x3  }
0x12e: {  	v45 =	vmul.f32 $1.428571490e-01, v40;
	v42 =	vor.u32 v43, v42;
	v43 =	vand.u32 $0xC00, v56  }
0x12f: {  	v46 =	vor.u32 v48, v46;
	v48 =	vand.u32 $0xC00, v58;
	v56 =	vshrl.u32 v6, $0x2  }
0x130: {  	v39 =	vmovc v3;
	v58 =	vshrl.u32 v53, $0x2;
	v3 =	vadd.s32 s23, v2;
	v46 =	vor.u32 v49, v46  }
0x131: {  	v48 =	vor.u32 v48, v50;
	v49 =	vand.u32 $0x107F, v6;
	v52 =	vand.u32 $0x380, v56  }
0x132: {  	v50 =	vand.u32 $0xC00, v57;
	v6 =	vand.u32 $0x107F, v53;
	v57 =	vadd.s32 s23, v59  }
0x133: {  	v43 =	vor.u32 v43, v44;
	v49 =	vor.u32 v7, v49;
	v48 =	vor.u32 v51, v48  }
0x134: {  	v7 =	vadd.s32 s23, v13;
	v51 =	vand.u32 $0x380, v58;
	v50 =	vor.u32 v50, v6  }
0x135: {  	v58 =	vshll.u32 v57, $0x3;
	v59 =	vshrl.u32 v57, $0x2;
	[tilespmem:s24+$0x10C00] =	vst v45;
	v49 =	vor.u32 v52, v49  }
0x136: {  	v6 =	vshll.u32 v60, $0x3;
	v56 =	vshll.u32 v7, $0x3;
	v54 =	vshrl.u32 v7, $0x2;
	v41 =	vld.idx.msk [tilespmem:v41+s11+$0x0], $0xffff  }
0x137: {  	v53 =	vand.u32 $0x107F, v7;
	v50 =	vor.u32 v51, v50;
	v52 =	vand.u32 $0xC00, v56;
	v46 =	vld.idx.msk [tilespmem:v46+s11+$0x0], $0xffff  }
0x138: {  	v43 =	vor.u32 v47, v43;
	v54 =	vand.u32 $0x380, v54;
	v52 =	vor.u32 v52, v53;
	v48 =	vld.idx.msk [tilespmem:v48+s11+$0x0], $0xffff  }
0x139: {  	v53 =	vand.u32 $0x107F, v57;
	v42 =	vld.idx.msk [tilespmem:v42+s11+$0x0], $0xffff;
	v51 =	vor.u32 v54, v52;
	v52 =	vand.u32 $0xC00, v58  }
0x13a: {  	v7 =	vshrl.u32 v60, $0x2;
	v54 =	vand.u32 $0x380, v59;
	v52 =	vor.u32 v52, v53;
	v44 =	vld.idx.msk [tilespmem:v49+s11+$0x0], $0xffff  }
0x13b: {  	v53 =	vand.u32 $0x107F, v60;
	v49 =	vor.u32 v54, v52;
	v52 =	vand.u32 $0xC00, v6  }
0x13c: {  	v56 =	vadd.s32 s23, v62;
	v58 =	vand.u32 $0x380, v7;
	v57 =	vld.idx.msk [tilespmem:v50+s11+$0x0], $0xffff;
	v59 =	vor.u32 v52, v53  }
0x13d: {  	v43 =	vld.idx.msk [tilespmem:v43+s11+$0x0], $0xffff;
	v50 =	vand.u32 $0x107F, v56;
	v47 =	vor.u32 v58, v59;
	v46 =	vadd.f32 v48, v46  }
0x13e: {  	v52 =	vadd.s32 s23, v61;
	v42 =	vadd.f32 v42, v41;
	v41 =	vadd.s32 $0x4603, v0;
	v60 =	vld.idx.msk [tilespmem:v51+s11+$0x0], $0xffff  }
0x13f: {  	v53 =	vshll.u32 v52, $0x3;
	v55 =	vshrl.u32 v52, $0x2;
	v44 =	vadd.f32 v44, v46  }
0x140: {  	v58 =	vadd.s32 s23, v63;
	v59 =	vshrl.u32 v56, $0x2;
	v63 =	vadd.s32 s23, v1;
	v6 =	vld.idx.msk [tilespmem:v49+s11+$0x0], $0xffff  }
0x141: {  	v1 =	vshrl.u32 v3, $0x2;
	v7 =	vadd.s32 s26, v41;
	v44 =	vadd.f32 v57, v44  }
0x142: {  	v54 =	vand.u32 $0xC00, v53;
	v62 =	vshrl.u32 v58, $0x2;
	v45 =	vadd.f32 v43, v42;
	v47 =	vld.idx.msk [tilespmem:v47+s11+$0x0], $0xffff  }
0x143: {  	v51 =	vshll.u32 v7, $0x3;
	v48 =	vand.u32 $0x380, v55;
	v44 =	vadd.f32 v60, v44  }
0x144: {  	v43 =	vand.u32 $0xC00, v51;
	v49 =	vand.u32 $0x507F, v7;
	v51 =	vand.u32 $0x380, v59  }
0x145: {  	v46 =	vand.u32 $0x107F, v52;
	v52 =	vand.u32 $0x380, v62;
	v44 =	vadd.f32 v6, v44  }
0x146: {  	v49 =	vor.u32 v43, v49;
	v43 =	vadd.s32 $0x4605, v0;
	v57 =	vshll.u32 v56, $0x3  }
0x147: {  	v56 =	vand.u32 $0x107F, v63;
	v60 =	vshll.u32 v58, $0x3;
	v44 =	vadd.f32 v47, v44  }
0x148: {  	v61 =	vand.u32 $0xC00, v60;
	v6 =	vshll.u32 v63, $0x3;
	v47 =	vshrl.u32 v7, $0x2  }
0x149: {  	v7 =	vshrl.u32 v63, $0x2;
	v47 =	vand.u32 $0x380, v47;
	v42 =	vmul.f32 $1.428571490e-01, v44  }
0x14a: {  	v44 =	vor.u32 v54, v46;
	v46 =	vand.u32 $0xC00, v57;
	v57 =	vadd.s32 s23, v33  }
0x14b: {  	v47 =	vor.u32 v47, v49;
	v44 =	vor.u32 v48, v44;
	v46 =	vor.u32 v46, v50  }
0x14c: {  	v48 =	vand.u32 $0x107F, v58;
	v50 =	vand.u32 $0xC00, v6;
	v58 =	vshll.u32 v57, $0x3  }
0x14d: {  	v59 =	vshrl.u32 v57, $0x2;
	v53 =	vand.u32 $0x107F, v57;
	v48 =	vor.u32 v61, v48  }
0x14e: {  	v46 =	vor.u32 v51, v46;
	v51 =	vand.u32 $0x380, v7;
	v50 =	vor.u32 v50, v56  }
0x14f: {  	v60 =	vand.u32 $0x380, v59;
	v61 =	vadd.s32 s23, v34;
	v7 =	vadd.s32 s23, v23  }
0x150: {  	v48 =	vor.u32 v52, v48;
	v52 =	vand.u32 $0xC00, v58;
	v50 =	vor.u32 v51, v50  }
0x151: {  	v63 =	vshll.u32 v61, $0x3;
	v6 =	vshrl.u32 v61, $0x2;
	v56 =	vshll.u32 v7, $0x3  }
0x152: {  	v55 =	vshrl.u32 v7, $0x2;
	v54 =	vand.u32 $0x107F, v7;
	v52 =	vor.u32 v52, v53  }
0x153: {  	[tilespmem:s22+$0x0] =	vst v42;
	v42 =	vand.u32 $0xC00, v63;
	v53 =	vand.u32 $0x107F, v61;
	v55 =	vand.u32 $0x380, v55  }
0x154: {  	v62 =	vor.u32 v60, v52;
	v52 =	vand.u32 $0x380, v6;
	v53 =	vor.u32 v42, v53;
	v44 =	vld.idx.msk [tilespmem:v44+s11+$0x0], $0xffff  }
0x155: {  	v42 =	vadd.s32 $0x4604, v0;
	v52 =	vor.u32 v52, v53;
	v53 =	vand.u32 $0xC00, v56;
	v46 =	vld.idx.msk [tilespmem:v46+s11+$0x0], $0xffff  }
0x156: {  	v63 =	vadd.s32 s26, v43;
	v47 =	vld.idx.msk [tilespmem:v47+s11+$0x0], $0xffff;
	v56 =	vadd.s32 s26, v42;
	v53 =	vor.u32 v53, v54  }
0x157: {  	v6 =	vshll.u32 v63, $0x3;
	v57 =	vshll.u32 v56, $0x3;
	v48 =	vld.idx.msk [tilespmem:v48+s11+$0x0], $0xffff;
	v58 =	vor.u32 v55, v53  }
0x158: {  	v7 =	vand.u32 $0xC00, v6;
	v60 =	vshrl.u32 v56, $0x2;
	v50 =	vld.idx.msk [tilespmem:v50+s11+$0x0], $0xffff;
	v59 =	vand.u32 $0xC00, v57  }
0x159: {  	v61 =	vand.u32 $0x380, v60;
	v57 =	vshrl.u32 v63, $0x2;
	v51 =	vld.idx.msk [tilespmem:v62+s11+$0x0], $0xffff;
	v62 =	vand.u32 $0x507F, v56  }
0x15a: {  	v53 =	vor.u32 v59, v62;
	v59 =	vand.u32 $0x507F, v63;
	v44 =	vadd.f32 v46, v44  }
0x15b: {  	v45 =	vadd.f32 v47, v45;
	v49 =	vor.u32 v7, v59;
	v7 =	vadd.s32 s23, v24  }
0x15c: {  	v59 =	vadd.s32 s23, v25;
	v46 =	vld.idx.msk [tilespmem:v58+s11+$0x0], $0xffff;
	v58 =	vand.u32 $0x380, v57;
	v44 =	vadd.f32 v48, v44  }
0x15d: {  	v52 =	vld.idx.msk [tilespmem:v52+s11+$0x0], $0xffff;
	v56 =	vshll.u32 v7, $0x3;
	v54 =	vand.u32 $0x307F, v59;
	v48 =	vor.u32 v61, v53  }
0x15e: {  	v49 =	vor.u32 v58, v49;
	v50 =	vadd.f32 v50, v44;
	v44 =	vadd.s32 $0x4606, v0  }
0x15f: {  	v57 =	vand.u32 $0xC00, v56;
	v58 =	vshrl.u32 v7, $0x2;
	v60 =	vadd.s32 s26, v44  }
0x160: {  	v53 =	vand.u32 $0x380, v58;
	v50 =	vadd.f32 v51, v50;
	v61 =	vshll.u32 v60, $0x3  }
0x161: {  	v63 =	vshrl.u32 v60, $0x2;
	v6 =	vand.u32 $0x507F, v60;
	v60 =	vshll.u32 v59, $0x3  }
0x162: {  	v62 =	vand.u32 $0xC00, v61;
	v61 =	vadd.s32 s23, v26;
	v50 =	vadd.f32 v52, v50  }
0x163: {  	v52 =	vand.u32 $0x380, v63;
	v51 =	vor.u32 v62, v6;
	v62 =	vshrl.u32 v59, $0x2  }
0x164: {  	v63 =	vshll.u32 v61, $0x3;
	v51 =	vor.u32 v52, v51;
	v52 =	vand.u32 $0xC00, v60  }
0x165: {  	v55 =	vand.u32 $0x380, v62;
	v6 =	vand.u32 $0xC00, v63;
	v62 =	vadd.s32 s23, v28  }
0x166: {  	v46 =	vadd.f32 v46, v50;
	v50 =	vand.u32 $0x307F, v7;
	v52 =	vor.u32 v52, v54  }
0x167: {  	v48 =	vld.idx.msk [tilespmem:v48+s11+$0x0], $0xffff;
	v7 =	vshrl.u32 v61, $0x2;
	v63 =	vshll.u32 v62, $0x3;
	v58 =	vshrl.u32 v62, $0x2  }
0x168: {  	v50 =	vor.u32 v57, v50;
	v57 =	vadd.s32 s23, v27;
	v56 =	vand.u32 $0x380, v7  }
0x169: {  	v52 =	vor.u32 v55, v52;
	v7 =	vadd.s32 s23, v29;
	v46 =	vmul.f32 $1.428571490e-01, v46  }
0x16a: {  	v50 =	vor.u32 v53, v50;
	v53 =	vand.u32 $0x307F, v61;
	v59 =	vshll.u32 v57, $0x3  }
0x16b: {  	v60 =	vshrl.u32 v57, $0x2;
	v61 =	vand.u32 $0x307F, v57;
	v57 =	vand.u32 $0x307F, v62  }
0x16c: {  	v48 =	vadd.f32 v48, v45;
	v53 =	vor.u32 v6, v53;
	v54 =	vand.u32 $0xC00, v59  }
0x16d: {  	v55 =	vand.u32 $0x380, v60;
	v6 =	vand.u32 $0x380, v58;
	v59 =	vshll.u32 v7, $0x3  }
0x16e: {  	v60 =	vshrl.u32 v7, $0x2;
	v53 =	vor.u32 v56, v53;
	v56 =	vand.u32 $0xC00, v63  }
0x16f: {  	s28 =	sand.u32 $0x1F0, s21;
	v49 =	vld.idx.msk [tilespmem:v49+s11+$0x0], $0xffff;
	v54 =	vor.u32 v54, v61;
	v61 =	vadd.s32 s23, v30;
	v56 =	vor.u32 v56, v57  }
0x170: {  	[tilespmem:s28+$0x10600] =	vst v46;
	v51 =	vld.idx.msk [tilespmem:v51+s11+$0x0], $0xffff;
	v54 =	vor.u32 v55, v54;
	v55 =	vand.u32 $0xC00, v59;
	v57 =	vand.u32 $0x307F, v7  }
0x171: {  	v46 =	vor.u32 v6, v56;
	v52 =	vld.idx.msk [tilespmem:v52+s11+$0x0], $0xffff;
	v56 =	vand.u32 $0x380, v60;
	v55 =	vor.u32 v55, v57  }
0x172: {  	v45 =	vor.u32 $0x5400, v0;
	v6 =	vshll.u32 v61, $0x3;
	v50 =	vld.idx.msk [tilespmem:v50+s11+$0x0], $0xffff;
	v63 =	vor.u32 v56, v55  }
0x173: {  	v7 =	vshrl.u32 v61, $0x2;
	v57 =	vand.u32 $0x307F, v61;
	v55 =	vand.u32 $0xC00, v6  }
0x174: {  	v48 =	vadd.f32 v49, v48;
	v56 =	vand.u32 $0x380, v7;
	v55 =	vor.u32 v55, v57;
	v62 =	vld.idx.msk [tilespmem:v53+s11+$0x0], $0xffff  }
0x175: {  	v1 =	vand.u32 $0x380, v1;
	v59 =	vadd.s32 s26, v45;
	v58 =	vor.u32 v56, v55;
	v54 =	vld.idx.msk [tilespmem:v54+s11+$0x0], $0xffff  }
0x176: {  	v61 =	vshll.u32 v59, $0x3;
	v49 =	vand.u32 $0x707F, v59;
	v48 =	vadd.f32 v51, v48;
	v60 =	vld.idx.msk [tilespmem:v46+s11+$0x0], $0xffff  }
0x177: {  	v46 =	vadd.s32 $0x5401, v0;
	v50 =	vadd.f32 v52, v50;
	v53 =	vld.idx.msk [tilespmem:v63+s11+$0x0], $0xffff;
	v63 =	vshrl.u32 v59, $0x2  }
0x178: {  	v6 =	vadd.s32 s26, v46;
	v52 =	vmul.f32 $1.428571490e-01, v48;
	v51 =	vand.u32 $0x380, v63  }
0x179: {  	v7 =	vshll.u32 v6, $0x3;
	v59 =	vand.u32 $0x707F, v6;
	v47 =	vadd.f32 v62, v50  }
0x17a: {  	v62 =	vand.u32 $0xC00, v61;
	v56 =	vld.idx.msk [tilespmem:v58+s11+$0x0], $0xffff;
	v57 =	vand.u32 $0xC00, v7;
	v58 =	vshrl.u32 v6, $0x2  }
0x17b: {  	v61 =	vadd.s32 s23, v31;
	v7 =	vadd.s32 s23, v32;
	v47 =	vadd.f32 v54, v47  }
0x17c: {  	v49 =	vor.u32 v62, v49;
	v48 =	vor.u32 v57, v59;
	v63 =	vshll.u32 v61, $0x3  }
0x17d: {  	v6 =	vshrl.u32 v61, $0x2;
	v55 =	vand.u32 $0x307F, v61;
	v47 =	vadd.f32 v60, v47  }
0x17e: {  	v59 =	vshll.u32 v7, $0x3;
	v61 =	vadd.s32 s23, v18;
	v57 =	vand.u32 $0x307F, v7  }
0x17f: {  	v51 =	vor.u32 v51, v49;
	v49 =	vand.u32 $0x380, v58;
	v53 =	vadd.f32 v53, v47  }
0x180: {  	v54 =	vand.u32 $0x380, v6;
	v6 =	vshrl.u32 v61, $0x2;
	v47 =	vadd.s32 $0x5402, v0  }
0x181: {  	v16 =	vmovc v12;
	v50 =	vadd.s32 s26, v47;
	v12 =	vadd.s32 s23, v47;
	v60 =	vadd.f32 v56, v53  }
0x182: {  	v53 =	vor.u32 v49, v48;
	v62 =	vshll.u32 v50, $0x3;
	v49 =	vand.u32 $0xC00, v63  }
0x183: {  	v63 =	vshll.u32 v61, $0x3;
	v56 =	vand.u32 $0xC00, v62;
	v49 =	vor.u32 v49, v55  }
0x184: {  	v62 =	vshrl.u32 v7, $0x2;
	v55 =	vand.u32 $0x307F, v61;
	v7 =	vadd.s32 s23, v19  }
0x185: {  	v48 =	vmul.f32 $1.428571490e-01, v60;
	v49 =	vor.u32 v54, v49;
	v60 =	vand.u32 $0xC00, v59  }
0x186: {  	v58 =	vand.u32 $0x380, v62;
	v59 =	vand.u32 $0x380, v6;
	v6 =	vshrl.u32 v7, $0x2  }
0x187: {  	v54 =	vor.u32 v60, v57;
	v57 =	vand.u32 $0xC00, v63;
	v63 =	vshll.u32 v7, $0x3  }
0x188: {  	v7 =	vand.u32 $0x307F, v7;
	v60 =	vadd.s32 s23, v20;
	v55 =	vor.u32 v57, v55  }
0x189: {  	v54 =	vor.u32 v58, v54;
	v57 =	vand.u32 $0xC00, v63;
	v58 =	vand.u32 $0x380, v6  }
0x18a: {  	v6 =	vshll.u32 v60, $0x3;
	v55 =	vor.u32 v59, v55;
	v57 =	vor.u32 v57, v7  }
0x18b: {  	v59 =	vand.u32 $0xC00, v6;
	v7 =	vshrl.u32 v60, $0x2;
	v60 =	vand.u32 $0x307F, v60  }
0x18c: {  	v6 =	vand.u32 $0x380, v7;
	v59 =	vor.u32 v59, v60;
	v7 =	vadd.s32 s23, v21  }
0x18d: {  	[tilespmem:s28+$0x10800] =	vst v48;
	v57 =	vor.u32 v58, v57;
	v58 =	vor.u32 v6, v59;
	v63 =	vshll.u32 v7, $0x3  }
0x18e: {  	v49 =	vld.idx.msk [tilespmem:v49+s11+$0x0], $0xffff;
	v6 =	vshrl.u32 v7, $0x2;
	v60 =	vand.u32 $0x307F, v7;
	v7 =	vshrl.u32 v50, $0x2  }
0x18f: {  	[tilespmem:s24+$0x10E00] =	vst v52;
	v50 =	vand.u32 $0x707F, v50;
	v48 =	vand.u32 $0xC00, v63;
	v59 =	vand.u32 $0x380, v6;
	v54 =	vld.idx.msk [tilespmem:v54+s11+$0x0], $0xffff  }
0x190: {  	v51 =	vld.idx.msk [tilespmem:v51+s11+$0x0], $0xffff;
	v7 =	vand.u32 $0x380, v7;
	v48 =	vor.u32 v48, v60;
	v60 =	vadd.s32 s23, v22  }
0x191: {  	v50 =	vor.u32 v56, v50;
	v55 =	vld.idx.msk [tilespmem:v55+s11+$0x0], $0xffff;
	v59 =	vor.u32 v59, v48;
	v63 =	vshll.u32 v60, $0x3  }
0x192: {  	v53 =	vld.idx.msk [tilespmem:v53+s11+$0x0], $0xffff;
	v6 =	vshrl.u32 v60, $0x2;
	v60 =	vand.u32 $0x307F, v60;
	v48 =	vand.u32 $0xC00, v63  }
0x193: {  	v57 =	vld.idx.msk [tilespmem:v57+s11+$0x0], $0xffff;
	v62 =	vand.u32 $0x380, v6;
	v60 =	vor.u32 v48, v60;
	v48 =	vadd.s32 $0x5403, v0  }
0x194: {  	v56 =	vadd.s32 s26, v48;
	v49 =	vadd.f32 v54, v49;
	v54 =	vor.u32 v62, v60  }
0x195: {  	v60 =	vor.u32 v7, v50;
	v6 =	vshll.u32 v56, $0x3;
	v7 =	vshrl.u32 v56, $0x2  }
0x196: {  	v56 =	vand.u32 $0x707F, v56;
	v50 =	vand.u32 $0xC00, v6;
	v55 =	vadd.f32 v55, v49  }
0x197: {  	v51 =	vadd.f32 v53, v51;
	v58 =	vld.idx.msk [tilespmem:v58+s11+$0x0], $0xffff;
	v49 =	vadd.s32 $0x5404, v0;
	v56 =	vor.u32 v50, v56  }
0x198: {  	v35 =	vld [tilespmem:$0x1FF40];
	v50 =	vadd.s32 $0x5405, v0;
	v62 =	vadd.s32 s26, v49;
	v55 =	vadd.f32 v57, v55  }
0x199: {  	v59 =	vld.idx.msk [tilespmem:v59+s11+$0x0], $0xffff;
	v57 =	vand.u32 $0x380, v7;
	v63 =	vshll.u32 v62, $0x3;
	v6 =	vshrl.u32 v62, $0x2  }
0x19a: {  	v62 =	vand.u32 $0x707F, v62;
	v61 =	vand.u32 $0xC00, v63;
	v7 =	vand.u32 $0x380, v6  }
0x19b: {  	v36 =	vld [tilespmem:$0x1FF60];
	v56 =	vor.u32 v57, v56;
	v61 =	vor.u32 v61, v62;
	v62 =	vadd.s32 s26, v50  }
0x19c: {  	v54 =	vld.idx.msk [tilespmem:v54+s11+$0x0], $0xffff;
	v55 =	vadd.f32 v58, v55;
	v57 =	vor.u32 v7, v61;
	v63 =	vshll.u32 v62, $0x3  }
0x19d: {  	v6 =	vshrl.u32 v62, $0x2;
	v7 =	vadd.s32 s23, v35;
	v62 =	vand.u32 $0x707F, v62  }
0x19e: {  	v60 =	vld.idx.msk [tilespmem:v60+s11+$0x0], $0xffff;
	v55 =	vadd.f32 v59, v55;
	v58 =	vand.u32 $0xC00, v63;
	v35 =	vshll.u32 v7, $0x3  }
0x19f: {  	v59 =	vand.u32 $0x380, v6;
	v6 =	vshrl.u32 v7, $0x2;
	v61 =	vand.u32 $0xC00, v35  }
0x1a0: {  	v63 =	vand.u32 $0x380, v6;
	v35 =	vadd.s32 s23, v36;
	v58 =	vor.u32 v58, v62  }
0x1a1: {  	v54 =	vadd.f32 v54, v55;
	v55 =	vand.u32 $0x707F, v7;
	v7 =	vshll.u32 v3, $0x3  }
0x1a2: {  	v3 =	vand.u32 $0x707F, v3;
	v2 =	vshll.u32 v35, $0x3;
	v36 =	vshrl.u32 v35, $0x2  }
0x1a3: {  	v58 =	vor.u32 v59, v58;
	v51 =	vadd.f32 v60, v51;
	v55 =	vor.u32 v61, v55  }
0x1a4: {  	v61 =	vand.u32 $0xC00, v7;
	v2 =	vand.u32 $0xC00, v2;
	v7 =	vshll.u32 v4, $0x3  }
0x1a5: {  	v54 =	vmul.f32 $1.428571490e-01, v54;
	v55 =	vor.u32 v63, v55;
	v3 =	vor.u32 v61, v3  }
0x1a6: {  	v63 =	vand.u32 $0x707F, v35;
	v61 =	vand.u32 $0x380, v36;
	v35 =	vshrl.u32 v4, $0x2  }
0x1a7: {  	v4 =	vand.u32 $0x707F, v4;
	v36 =	vadd.s32 s23, v37;
	v1 =	vor.u32 v1, v3  }
0x1a8: {  	v2 =	vor.u32 v2, v63;
	v3 =	vand.u32 $0xC00, v7;
	v52 =	vand.u32 $0x380, v35  }
0x1a9: {  	v7 =	vshrl.u32 v36, $0x2;
	v63 =	vand.u32 $0x707F, v36;
	v2 =	vor.u32 v61, v2  }
0x1aa: {  	v3 =	vor.u32 v3, v4;
	v61 =	vshll.u32 v36, $0x3;
	[tilespmem:s28+$0x10A00] =	vst v54;
	v35 =	vand.u32 $0x380, v7  }
0x1ab: {  	v36 =	vadd.s32 s23, v38;
	v4 =	vand.u32 $0xC00, v61;
	v3 =	vor.u32 v52, v3;
	v55 =	vld.idx.msk [tilespmem:v55+s11+$0x0], $0xffff  }
0x1ac: {  	v6 =	vshrl.u32 v36, $0x2;
	v4 =	vor.u32 v4, v63;
	v63 =	vshll.u32 v36, $0x3;
	v1 =	vld.idx.msk [tilespmem:v1+s11+$0x0], $0xffff  }
0x1ad: {  	v56 =	vld.idx.msk [tilespmem:v56+s11+$0x0], $0xffff;
	v61 =	vand.u32 $0x707F, v36;
	v4 =	vor.u32 v35, v4;
	v52 =	vand.u32 $0xC00, v63  }
0x1ae: {  	v7 =	vadd.s32 s23, v39;
	v54 =	vand.u32 $0x380, v6;
	v52 =	vor.u32 v52, v61;
	v2 =	vld.idx.msk [tilespmem:v2+s11+$0x0], $0xffff  }
0x1af: {  	v59 =	vadd.s32 s23, v5;
	v36 =	vshrl.u32 v7, $0x2;
	v63 =	vld.idx.msk [tilespmem:v57+s11+$0x0], $0xffff;
	v52 =	vor.u32 v54, v52  }
0x1b0: {  	v40 =	vmovc v5;
	v5 =	vadd.s32 s23, v17;
	v35 =	vshll.u32 v7, $0x3;
	v62 =	vand.u32 $0x380, v36;
	v3 =	vld.idx.msk [tilespmem:v3+s11+$0x0], $0xffff  }
0x1b1: {  	v61 =	vand.u32 $0x707F, v7;
	v54 =	vand.u32 $0xC00, v35;
	v1 =	vadd.f32 v1, v55  }
0x1b2: {  	v7 =	vshll.u32 v5, $0x3;
	v35 =	vadd.f32 v56, v51;
	v54 =	vor.u32 v54, v61;
	v4 =	vld.idx.msk [tilespmem:v4+s11+$0x0], $0xffff  }
0x1b3: {  	v54 =	vor.u32 v62, v54;
	v62 =	vadd.s32 s23, v14;
	v1 =	vadd.f32 v2, v1  }
0x1b4: {  	v51 =	vadd.s32 $0x5406, v0;
	v6 =	vshrl.u32 v62, $0x2;
	v2 =	vld.idx.msk [tilespmem:v52+s11+$0x0], $0xffff;
	v52 =	vadd.f32 v63, v35  }
0x1b5: {  	v36 =	vld.idx.msk [tilespmem:v58+s11+$0x0], $0xffff;
	v35 =	vshll.u32 v59, $0x3;
	v1 =	vadd.f32 v3, v1;
	v3 =	vadd.s32 s26, v51  }
0x1b6: {  	v63 =	vshll.u32 v62, $0x3;
	v56 =	vshll.u32 v3, $0x3;
	v58 =	vshrl.u32 v3, $0x2  }
0x1b7: {  	v3 =	vand.u32 $0x707F, v3;
	v1 =	vadd.f32 v4, v1;
	v57 =	vand.u32 $0xC00, v56  }
0x1b8: {  	v54 =	vld.idx.msk [tilespmem:v54+s11+$0x0], $0xffff;
	v53 =	vand.u32 $0x380, v58;
	v4 =	vand.u32 $0x507F, v59;
	v56 =	vand.u32 $0x507F, v62  }
0x1b9: {  	v62 =	vadd.s32 s23, v41;
	v3 =	vor.u32 v57, v3;
	v57 =	vand.u32 $0x380, v6  }
0x1ba: {  	v6 =	vand.u32 $0x507F, v62;
	v1 =	vadd.f32 v2, v1;
	v2 =	vadd.f32 v36, v52  }
0x1bb: {  	v3 =	vor.u32 v53, v3;
	v52 =	vor.u32 $0x6200, v0;
	v53 =	vadd.s32 $0x6201, v0  }
0x1bc: {  	v36 =	vshrl.u32 v59, $0x2;
	v60 =	vadd.s32 s26, v52;
	v61 =	vadd.s32 s26, v53  }
0x1bd: {  	v55 =	vand.u32 $0x380, v36;
	v36 =	vshrl.u32 v5, $0x2;
	v1 =	vadd.f32 v54, v1  }
0x1be: {  	v54 =	vand.u32 $0xC00, v35;
	v35 =	vand.u32 $0xC00, v7;
	v58 =	vand.u32 $0x380, v36  }
0x1bf: {  	v7 =	vadd.s32 s23, v42;
	v10 =	vshrl.u32 v60, $0x2;
	v4 =	vor.u32 v54, v4  }
0x1c0: {  	v54 =	vand.u32 $0xC00, v63;
	v63 =	vshll.u32 v62, $0x3;
	v36 =	vshrl.u32 v7, $0x2  }
0x1c1: {  	v59 =	vand.u32 $0x507F, v7;
	v1 =	vmul.f32 $1.428571490e-01, v1;
	v4 =	vor.u32 v55, v4  }
0x1c2: {  	v54 =	vor.u32 v54, v56;
	v55 =	vand.u32 $0x507F, v5;
	v56 =	vand.u32 $0xC00, v63  }
0x1c3: {  	v5 =	vshrl.u32 v62, $0x2;
	v63 =	vadd.s32 s23, v43;
	v54 =	vor.u32 v57, v54  }
0x1c4: {  	v62 =	vadd.s32 s23, v44;
	v55 =	vor.u32 v35, v55;
	v57 =	vand.u32 $0x380, v5  }
0x1c5: {  	v56 =	vor.u32 v56, v6;
	v35 =	vshll.u32 v7, $0x3;
	v55 =	vor.u32 v58, v55  }
0x1c6: {  	v5 =	vshll.u32 v63, $0x3;
	v7 =	vshrl.u32 v63, $0x2;
	v3 =	vld.idx.msk [tilespmem:v3+s11+$0x0], $0xffff;
	v58 =	vand.u32 $0xC00, v35;
	[tilespmem:s28+$0x10C00] =	vst v1  }
0x1c7: {  	v1 =	vand.u32 $0x380, v36;
	v56 =	vor.u32 v57, v56;
	v58 =	vor.u32 v58, v59;
	v4 =	vld.idx.msk [tilespmem:v4+s11+$0x0], $0xffff  }
0x1c8: {  	v6 =	vand.u32 $0xC00, v5;
	v35 =	vshll.u32 v62, $0x3;
	v1 =	vor.u32 v1, v58;
	v58 =	vld.idx.msk [tilespmem:v54+s11+$0x0], $0xffff  }
0x1c9: {  	v57 =	vand.u32 $0x380, v7;
	v59 =	vand.u32 $0x507F, v63;
	v36 =	vand.u32 $0xC00, v35  }
0x1ca: {  	v35 =	vshrl.u32 v62, $0x2;
	v62 =	vand.u32 $0x507F, v62;
	v59 =	vor.u32 v6, v59;
	v63 =	vld.idx.msk [tilespmem:v55+s11+$0x0], $0xffff  }
0x1cb: {  	v5 =	vor.u32 v57, v59;
	v59 =	vand.u32 $0x380, v35;
	v57 =	vor.u32 v36, v62  }
0x1cc: {  	v36 =	vshll.u32 v60, $0x3;
	v54 =	vadd.s32 $0x6202, v0;
	v62 =	vor.u32 v59, v57;
	v6 =	vld.idx.msk [tilespmem:v56+s11+$0x0], $0xffff  }
0x1cd: {  	v57 =	vadd.s32 $0x6205, v0;
	v2 =	vadd.f32 v3, v2;
	v4 =	vadd.f32 v58, v4  }
0x1ce: {  	v55 =	vadd.s32 $0x6203, v0;
	v56 =	vadd.s32 $0x6204, v0;
	v7 =	vadd.s32 s26, v54;
	v1 =	vld.idx.msk [tilespmem:v1+s11+$0x0], $0xffff  }
0x1cf: {  	v8 =	vadd.s32 s26, v55;
	v9 =	vadd.s32 s26, v56;
	v4 =	vadd.f32 v63, v4  }
0x1d0: {  	v2 =	vmul.f32 $1.428571490e-01, v2;
	v3 =	vld.idx.msk [tilespmem:v5+s11+$0x0], $0xffff;
	v5 =	vand.u32 $0xC00, v36;
	v58 =	vadd.s32 $0x6206, v0  }
0x1d1: {  	v35 =	vld.idx.msk [tilespmem:v62+s11+$0x0], $0xffff;
	v62 =	vshll.u32 v7, $0x3;
	v59 =	vadd.s32 s26, v58;
	v4 =	vadd.f32 v6, v4  }
0x1d2: {  	v63 =	vadd.s32 s26, v57;
	v6 =	vand.u32 $0x380, v10;
	v10 =	vand.u32 $0x707F, v60  }
0x1d3: {  	v5 =	vor.u32 v5, v10;
	v10 =	vshll.u32 v61, $0x3;
	v1 =	vadd.f32 v1, v4  }
0x1d4: {  	v36 =	vand.u32 $0xC00, v10;
	v10 =	vshrl.u32 v61, $0x2;
	v61 =	vand.u32 $0x707F, v61  }
0x1d5: {  	v10 =	vand.u32 $0x380, v10;
	v4 =	vor.u32 v36, v61;
	v61 =	vadd.s32 s23, v46  }
0x1d6: {  	v1 =	vadd.f32 v3, v1;
	v3 =	vor.u32 v6, v5;
	v4 =	vor.u32 v10, v4  }
0x1d7: {  	v6 =	vadd.s32 s23, v45;
	v5 =	vand.u32 $0xC00, v62;
	v10 =	vshrl.u32 v7, $0x2  }
0x1d8: {  	v11 =	vshll.u32 v61, $0x3;
	v7 =	vand.u32 $0x707F, v7;
	v36 =	vshrl.u32 v6, $0x2  }
0x1d9: {  	v11 =	vand.u32 $0xC00, v11;
	v5 =	vor.u32 v5, v7;
	v10 =	vand.u32 $0x380, v10  }
0x1da: {  	v1 =	vadd.f32 v35, v1;
	v35 =	vshll.u32 v6, $0x3;
	v6 =	vand.u32 $0x707F, v6  }
0x1db: {  	v62 =	vand.u32 $0x380, v36;
	v36 =	vshll.u32 v12, $0x3;
	v60 =	vand.u32 $0xC00, v35  }
0x1dc: {  	v35 =	vshrl.u32 v61, $0x2;
	v61 =	vand.u32 $0x707F, v61;
	v1 =	vmul.f32 $1.428571490e-01, v1  }
0x1dd: {  	v6 =	vor.u32 v60, v6;
	v60 =	vand.u32 $0x380, v35;
	v11 =	vor.u32 v11, v61  }
0x1de: {  	v35 =	vshrl.u32 v12, $0x2;
	v12 =	vand.u32 $0x707F, v12;
	v6 =	vor.u32 v62, v6  }
0x1df: {  	[tilespmem:s24+$0x11000] =	vst v2;
	v11 =	vor.u32 v60, v11;
	v60 =	vand.u32 $0xC00, v36;
	v36 =	vadd.s32 s23, v48  }
0x1e0: {  	v61 =	vand.u32 $0x380, v35;
	v3 =	vld.idx.msk [tilespmem:v3+s11+$0x0], $0xffff;
	v12 =	vor.u32 v60, v12;
	v35 =	vshll.u32 v36, $0x3  }
0x1e1: {  	v4 =	vld.idx.msk [tilespmem:v4+s11+$0x0], $0xffff;
	v13 =	vshrl.u32 v36, $0x2;
	v62 =	vand.u32 $0x707F, v36;
	v60 =	vand.u32 $0xC00, v35  }
0x1e2: {  	v13 =	vand.u32 $0x380, v13;
	v12 =	vor.u32 v61, v12;
	v60 =	vor.u32 v60, v62  }
0x1e3: {  	v61 =	vadd.s32 s23, v50;
	v62 =	vadd.s32 s23, v49;
	v13 =	vor.u32 v13, v60  }
0x1e4: {  	v36 =	vshll.u32 v62, $0x3;
	v35 =	vshrl.u32 v62, $0x2;
	v62 =	vand.u32 $0x707F, v62  }
0x1e5: {  	[tilespmem:s28+$0x10E00] =	vst v1;
	v60 =	vand.u32 $0xC00, v36;
	v1 =	vand.u32 $0x380, v35;
	v36 =	vshll.u32 v61, $0x3  }
0x1e6: {  	v35 =	vshrl.u32 v61, $0x2;
	v61 =	vand.u32 $0x707F, v61;
	v3 =	vadd.f32 v4, v3  }
0x1e7: {  	v4 =	vor.u32 v10, v5;
	v10 =	vshrl.u32 v9, $0x2;
	v60 =	vor.u32 v60, v62  }
0x1e8: {  	v2 =	vld.idx.msk [tilespmem:v11+s11+$0x0], $0xffff;
	v11 =	vand.u32 $0xC00, v36;
	v36 =	vadd.s32 s23, v51;
	v10 =	vand.u32 $0x380, v10  }
0x1e9: {  	v6 =	vld.idx.msk [tilespmem:v6+s11+$0x0], $0xffff;
	v62 =	vadd.s32 s23, v52;
	v1 =	vor.u32 v1, v60;
	v60 =	vand.u32 $0x380, v35  }
0x1ea: {  	v11 =	vor.u32 v11, v61;
	v7 =	vld.idx.msk [tilespmem:v12+s11+$0x0], $0xffff;
	v12 =	vshll.u32 v36, $0x3;
	v35 =	vshrl.u32 v36, $0x2  }
0x1eb: {  	v61 =	vand.u32 $0x707F, v36;
	v36 =	vshll.u32 v8, $0x3;
	v11 =	vor.u32 v60, v11  }
0x1ec: {  	v12 =	vand.u32 $0xC00, v12;
	v60 =	vand.u32 $0x380, v35;
	v35 =	vshrl.u32 v8, $0x2  }
0x1ed: {  	v8 =	vand.u32 $0x707F, v8;
	v13 =	vld.idx.msk [tilespmem:v13+s11+$0x0], $0xffff;
	v12 =	vor.u32 v12, v61;
	v61 =	vadd.s32 s23, v56  }
0x1ee: {  	v2 =	vadd.f32 v2, v6;
	v6 =	vor.u32 v60, v12;
	v12 =	vand.u32 $0xC00, v36  }
0x1ef: {  	v60 =	vand.u32 $0x380, v35;
	v8 =	vor.u32 v12, v8;
	v12 =	vshrl.u32 v62, $0x2  }
0x1f0: {  	v1 =	vld.idx.msk [tilespmem:v1+s11+$0x0], $0xffff;
	v2 =	vadd.f32 v7, v2;
	v5 =	vor.u32 v60, v8;
	v8 =	vshll.u32 v9, $0x3  }
0x1f1: {  	v9 =	vand.u32 $0x707F, v9;
	v12 =	vand.u32 $0x380, v12;
	v8 =	vand.u32 $0xC00, v8  }
0x1f2: {  	v36 =	vld.idx.msk [tilespmem:v11+s11+$0x0], $0xffff;
	v11 =	vand.u32 $0x707F, v63;
	v2 =	vadd.f32 v13, v2;
	v8 =	vor.u32 v8, v9  }
0x1f3: {  	v9 =	vshll.u32 v63, $0x3;
	v13 =	vadd.s32 s23, v53;
	v7 =	vor.u32 v10, v8  }
0x1f4: {  	v6 =	vld.idx.msk [tilespmem:v6+s11+$0x0], $0xffff;
	v8 =	vshll.u32 v59, $0x3;
	v10 =	vshll.u32 v62, $0x3;
	v35 =	vshrl.u32 v13, $0x2  }
0x1f5: {  	v1 =	vadd.f32 v1, v2;
	v2 =	vand.u32 $0xC00, v9;
	v9 =	vshrl.u32 v63, $0x2  }
0x1f6: {  	v8 =	vand.u32 $0xC00, v8;
	v10 =	vand.u32 $0xC00, v10;
	v9 =	vand.u32 $0x380, v9  }
0x1f7: {  	v2 =	vor.u32 v2, v11;
	v11 =	vand.u32 $0x707F, v59;
	v1 =	vadd.f32 v36, v1  }
0x1f8: {  	v2 =	vor.u32 v9, v2;
	v9 =	vshrl.u32 v59, $0x2;
	v59 =	vand.u32 $0x380, v35  }
0x1f9: {  	v8 =	vor.u32 v8, v11;
	v1 =	vadd.f32 v6, v1;
	v6 =	vand.u32 $0x707F, v62  }
0x1fa: {  	v6 =	vor.u32 v10, v6;
	v10 =	vshll.u32 v13, $0x3;
	v13 =	vand.u32 $0x707F, v13  }
0x1fb: {  	v6 =	vor.u32 v12, v6;
	v10 =	vand.u32 $0xC00, v10;
	v12 =	vadd.s32 s23, v54  }
0x1fc: {  	v1 =	vmul.f32 $1.428571490e-01, v1;
	v36 =	vshll.u32 v12, $0x3;
	v10 =	vor.u32 v10, v13  }
0x1fd: {  	v35 =	vshrl.u32 v12, $0x2;
	v12 =	vand.u32 $0x707F, v12;
	v13 =	vand.u32 $0xC00, v36  }
0x1fe: {  	v36 =	vadd.s32 s23, v55;
	v60 =	vand.u32 $0x380, v35;
	v10 =	vor.u32 v59, v10  }
0x1ff: {  	v12 =	vor.u32 v13, v12;
	v13 =	vshll.u32 v36, $0x3;
	v35 =	vshrl.u32 v36, $0x2  }
0x200: {  	v36 =	vand.u32 $0x707F, v36;
	v12 =	vor.u32 v60, v12;
	v13 =	vand.u32 $0xC00, v13  }
0x201: {  	v59 =	vand.u32 $0x380, v35;
	v35 =	vshll.u32 v61, $0x3;
	v13 =	vor.u32 v13, v36  }
0x202: {  	v60 =	vand.u32 $0xC00, v35;
	v36 =	vshrl.u32 v61, $0x2;
	v61 =	vand.u32 $0x707F, v61  }
0x203: {  	[tilespmem:s28+$0x11000] =	vst v1;
	v1 =	vand.u32 $0x380, v36;
	v60 =	vor.u32 v60, v61;
	v61 =	vadd.s32 s23, v57  }
0x204: {  	v6 =	vld.idx.msk [tilespmem:v6+s11+$0x0], $0xffff;
	v13 =	vor.u32 v59, v13;
	v1 =	vor.u32 v1, v60;
	v35 =	vshll.u32 v61, $0x3  }
0x205: {  	v10 =	vld.idx.msk [tilespmem:v10+s11+$0x0], $0xffff;
	v36 =	vshrl.u32 v61, $0x2;
	v61 =	vand.u32 $0x707F, v61;
	v59 =	vand.u32 $0xC00, v35  }
0x206: {  	v4 =	vld.idx.msk [tilespmem:v4+s11+$0x0], $0xffff;
	v60 =	vand.u32 $0x380, v36;
	v59 =	vor.u32 v59, v61;
	v61 =	vadd.s32 s23, v58  }
0x207: {  	v9 =	vand.u32 $0x380, v9;
	v11 =	vld.idx.msk [tilespmem:v12+s11+$0x0], $0xffff;
	v12 =	vor.u32 v60, v59;
	v35 =	vshll.u32 v61, $0x3  }
0x208: {  	v5 =	vld.idx.msk [tilespmem:v5+s11+$0x0], $0xffff;
	v36 =	vshrl.u32 v61, $0x2;
	v61 =	vand.u32 $0x707F, v61;
	v59 =	vand.u32 $0xC00, v35  }
0x209: {  	v8 =	vor.u32 v9, v8;
	v13 =	vld.idx.msk [tilespmem:v13+s11+$0x0], $0xffff;
	v35 =	vand.u32 $0x380, v36;
	v9 =	vor.u32 v59, v61  }
0x20a: {  	v7 =	vld.idx.msk [tilespmem:v7+s11+$0x0], $0xffff;
	v6 =	vadd.f32 v10, v6;
	v9 =	vor.u32 v35, v9  }
0x20b: {  	v3 =	vadd.f32 v4, v3;
	v1 =	vld.idx.msk [tilespmem:v1+s11+$0x0], $0xffff  }
0x20c: {  	v2 =	vld.idx.msk [tilespmem:v2+s11+$0x0], $0xffff;
	v36 =	vadd.f32 v11, v6  }
0x20d: {  	v3 =	vadd.f32 v5, v3;
	v5 =	vld.idx.msk [tilespmem:v12+s11+$0x0], $0xffff  }
0x20e: {  	v35 =	vld.idx.msk [tilespmem:v8+s11+$0x0], $0xffff;
	v4 =	vadd.f32 v13, v36  }
0x20f: {  	v3 =	vadd.f32 v7, v3;
	v36 =	vld.idx.msk [tilespmem:v9+s11+$0x0], $0xffff  }
0x210: {  	v1 =	vadd.f32 v1, v4  }
0x211: {  	v63 =	vld [tilespmem:$0x1FFC0];
	v2 =	vadd.f32 v2, v3  }
0x212: {  	s20 =	sadd.s32 $0x2, s20;
	v62 =	vld [tilespmem:$0x1FFB0];
	v1 =	vadd.f32 v5, v1  }
0x213: {  	p0 =	slt.u32 s20, $0x1E;
	v60 =	vld [tilespmem:$0x1FF90];
	v2 =	vadd.f32 v35, v2  }
.Ltmp0:
0x214: {  	v61 =	vld [tilespmem:$0x1FFA0];
	v1 =	vadd.f32 v36, v1;
	(pc) =	sbr.rel @p0 .LBB2_3-.Ltmp0, $4  }
0x215: {  	v10 =	vld [tilespmem:$0x1FFD0];
	v2 =	vmul.f32 $1.428571490e-01, v2  }
0x216: {  	v59 =	vld [tilespmem:$0x1FF80];
	v1 =	vmul.f32 $1.428571490e-01, v1  }
0x217: {  	v11 =	vld [tilespmem:$0x1FFE0];
	[tilespmem:s24+$0x11200] =	vst v2  }
0x218: {  	s21 =	sadd.s32 $0x20, s21;
	s22 =	sadd.s32 $0x20, s22;
	s23 =	sadd.s32 $0xE0, s23;
	v12 =	vmov v16;
	v13 =	vld [tilespmem:$0x1FFF0];
	[tilespmem:s28+$0x11200] =	vst v1  }
0x219: {  	s20 =	smul.u32 $0x1C0, s19;
	_ =	sdelay $0x1  }
0x21a: {  	s20 =	sshra.s32 s20, $0x2  }
0x21b: {  	v1 =	vld [tilespmem:s20+$0x70];
	_ =	sdelay $0x2  }
0x21c: {  	v3 =	vld [tilespmem:$0x1FDF0];
	_ =	sdelay $0x1  }
0x21d: {  	v4 =	vld [tilespmem:$0x1FE00];
	v2 =	vshll.u32 v1, $0x2  }
0x21e: {  	v1 =	vand.u32 $0x7, v1;
	v2 =	vand.u32 $0xFFFFFFE0, v2  }
0x21f: {  	v5 =	vld [tilespmem:$0x1FE10];
	v1 =	vor.u32 v1, v2  }
0x220: {  	v2 =	vperm.xlane v1, v3;
	_ =	sdelay $0x1  }
0x221: {  	v2 =	vadd.s32 v4, v2;
	_ =	sdelay $0x1  }
0x222: {  	v1 =	vperm.xlane v1, v5;
	_ =	sdelay $0x1  }
0x223: {  	v1 =	vadd.s32 v4, v1  }
0x224: {  	[tilespmem:s11], [sflag:$0x1] =	stream.indirect_vreg.gather [hbm4b:s1+s3], $0x80, v2, vm0, $0xb8;
	[tilespmem:$0x12400] =	vst v63  }
0x225: {  	s21 =	simm.s32 $0x2C00  }
0x226: {  	[tilespmem:s21], [sflag:$0x1] =	stream.indirect_vreg.gather [hbm4b:s7+s3], $0x80, v2, vm0, $0xb8;
	[tilespmem:$0x12400] =	vst v63  }
0x227: {  	s24 =	simm.s32 $0x3400  }
0x228: {  	[tilespmem:s24], [sflag:$0x1] =	stream.indirect_vreg.gather [hbm4b:s1+s3], $0x80, v1, vm0, $0xb8;
	[tilespmem:$0x12400] =	vst v63  }
0x229: {  	s26 =	simm.s32 $0x3C00  }
0x22a: {  	[tilespmem:s26], [sflag:$0x1] =	stream.indirect_vreg.gather [hbm4b:s7+s3], $0x80, v1, vm0, $0xb8;
	[tilespmem:$0x12400] =	vst v63  }
0x22b: {  	v1 =	vld [tilespmem:s20+$0x80];
	_ =	sdelay $0x4  }
0x22c: {  	v2 =	vshll.u32 v1, $0x2  }
0x22d: {  	v1 =	vand.u32 $0x7, v1;
	v2 =	vand.u32 $0xFFFFFFE0, v2  }
0x22e: {  	v1 =	vor.u32 v1, v2  }
0x22f: {  	v2 =	vperm.xlane v1, v3;
	_ =	sdelay $0x1  }
0x230: {  	v2 =	vadd.s32 v4, v2;
	_ =	sdelay $0x1  }
0x231: {  	v1 =	vperm.xlane v1, v5;
	_ =	sdelay $0x1  }
0x232: {  	s28 =	simm.s32 $0x4400;
	v1 =	vadd.s32 v4, v1  }
0x233: {  	[tilespmem:s28], [sflag:$0x1] =	stream.indirect_vreg.gather [hbm4b:s1+s3], $0x80, v2, vm0, $0xb8;
	[tilespmem:$0x12400] =	vst v63  }
0x234: {  	s29 =	simm.s32 $0x4C00  }
0x235: {  	[tilespmem:s29], [sflag:$0x1] =	stream.indirect_vreg.gather [hbm4b:s7+s3], $0x80, v2, vm0, $0xb8;
	[tilespmem:$0x12400] =	vst v63  }
0x236: {  	s30 =	simm.s32 $0x5400  }
0x237: {  	[tilespmem:s30], [sflag:$0x1] =	stream.indirect_vreg.gather [hbm4b:s1+s3], $0x80, v1, vm0, $0xb8;
	[tilespmem:$0x12400] =	vst v63  }
0x238: {  	s22 =	simm.s32 $0x5C00  }
0x239: {  	[tilespmem:s22], [sflag:$0x1] =	stream.indirect_vreg.gather [hbm4b:s7+s3], $0x80, v1, vm0, $0xb8;
	[tilespmem:$0x12400] =	vst v63  }
0x23a: {  	v1 =	vld [tilespmem:s20+$0x90];
	_ =	sdelay $0x4  }
0x23b: {  	v2 =	vshll.u32 v1, $0x2  }
0x23c: {  	v1 =	vand.u32 $0x7, v1;
	v2 =	vand.u32 $0xFFFFFFE0, v2  }
0x23d: {  	v1 =	vor.u32 v1, v2  }
0x23e: {  	v2 =	vperm.xlane v1, v3;
	_ =	sdelay $0x1  }
0x23f: {  	v2 =	vadd.s32 v4, v2;
	_ =	sdelay $0x1  }
0x240: {  	v1 =	vperm.xlane v1, v5;
	_ =	sdelay $0x1  }
0x241: {  	s23 =	simm.s32 $0x6400;
	v1 =	vadd.s32 v4, v1  }
0x242: {  	[tilespmem:s23], [sflag:$0x1] =	stream.indirect_vreg.gather [hbm4b:s1+s3], $0x80, v2, vm0, $0xb8;
	[tilespmem:$0x12400] =	vst v63  }
0x243: {  	s24 =	simm.s32 $0x6C00  }
0x244: {  	[tilespmem:s24], [sflag:$0x1] =	stream.indirect_vreg.gather [hbm4b:s7+s3], $0x80, v2, vm0, $0xb8;
	[tilespmem:$0x12400] =	vst v63  }
0x245: {  	s26 =	simm.s32 $0x7400  }
0x246: {  	[tilespmem:s26], [sflag:$0x1] =	stream.indirect_vreg.gather [hbm4b:s1+s3], $0x80, v1, vm0, $0xb8;
	[tilespmem:$0x12400] =	vst v63  }
0x247: {  	s28 =	simm.s32 $0x7C00  }
0x248: {  	[tilespmem:s28], [sflag:$0x1] =	stream.indirect_vreg.gather [hbm4b:s7+s3], $0x80, v1, vm0, $0xb8;
	[tilespmem:$0x12400] =	vst v63  }
0x249: {  	v1 =	vld.msk [tilespmem:s20+$0xA0], $0xff;
	_ =	sdelay $0x4  }
0x24a: {  	v2 =	vshll.u32 v1, $0x2  }
0x24b: {  	v1 =	vand.u32 $0x7, v1;
	v2 =	vand.u32 $0xFFFFFFE0, v2  }
0x24c: {  	v1 =	vor.u32 v1, v2  }
0x24d: {  	v1 =	vperm.xlane v1, v3;
	_ =	sdelay $0x1  }
0x24e: {  	v1 =	vadd.s32 v4, v1;
	_ =	sdelay $0x3  }
0x24f: {  	s21 =	sshll.u32 s19, $0x1;
	s29 =	simm.s32 $0x8400  }
0x250: {  	[tilespmem:s29], [sflag:$0x1] =	stream.indirect_vreg.gather [hbm4b:s1+s3], $0x80, v1, vm0, $0xb8;
	[tilespmem:$0x12400] =	vst v63  }
0x251: {  	s30 =	sadd.s32 s4, s21;
	s22 =	simm.s32 $0x8C00  }
0x252: {  	[tilespmem:s22], [sflag:$0x1] =	stream.indirect_vreg.gather [hbm4b:s7+s3], $0x80, v1, vm0, $0xb8;
	[tilespmem:$0x12400] =	vst v63  }
0x253: {  	s22 =	sshll.u32 s30, $0x9  }
0x254: {  	s23 =	simm.s32 $0x10400;
	s22 =	sadd.s32 s5, s22  }
0x255: {  	[hbm4b:s22+s3] =	stream.linear.scatter [tilespmem:s23], [sflag:$0x3], $0x1000, $0x38;
	[tilespmem:$0x12400] =	vst v63  }
0x256: {  	_ =	swait.ge [sflag:s16], $0x7000  }
0x257: {  	s24 =	simm.s32 $0x11410;
	s26 =	simm.s32 $0x70;
	[sflag:s16] =	ssyncset.done $0x0  }
0x258: {  	s22 =	simm.s32 $0xFFFFFFFE;
	s23 =	simm.s32 $0x10;
	[sflag:s16] =	ssyncadd.s32 $0xFFFF9000  }
.LBB2_5:
0x259: {  	s29 =	sadd.s32 $0xFFFFFF90, s26  }
0x25a: {  	v1 =	vadd.s32 s29, v0  }
0x25b: {  	v7 =	vadd.s32 s29, v12;
	v2 =	vshll.u32 v1, $0x3  }
0x25c: {  	v3 =	vshrl.u32 v1, $0x2;
	v1 =	vand.u32 $0x107F, v1;
	v2 =	vand.u32 $0xC00, v2  }
0x25d: {  	v3 =	vand.u32 $0x380, v3;
	v4 =	vadd.s32 s29, v10;
	v1 =	vor.u32 v2, v1  }
0x25e: {  	v2 =	vshll.u32 v4, $0x3;
	v1 =	vor.u32 v3, v1;
	v3 =	vadd.s32 s29, v11  }
0x25f: {  	v5 =	vshrl.u32 v4, $0x2;
	v4 =	vand.u32 $0x107F, v4;
	v2 =	vand.u32 $0xC00, v2  }
0x260: {  	v6 =	vshll.u32 v3, $0x3;
	v5 =	vand.u32 $0x380, v5;
	v36 =	vshrl.u32 v3, $0x2  }
0x261: {  	v3 =	vand.u32 $0x107F, v3;
	v2 =	vor.u32 v2, v4;
	v35 =	vand.u32 $0xC00, v6  }
0x262: {  	v6 =	vand.u32 $0x380, v36;
	v36 =	vand.u32 $0x107F, v7;
	v3 =	vor.u32 v35, v3  }
0x263: {  	v35 =	vshll.u32 v7, $0x3;
	v2 =	vor.u32 v5, v2;
	v5 =	vshrl.u32 v7, $0x2  }
0x264: {  	v3 =	vor.u32 v6, v3;
	v4 =	vand.u32 $0xC00, v35;
	v35 =	vadd.s32 s29, v13  }
0x265: {  	v5 =	vand.u32 $0x380, v5;
	v4 =	vor.u32 v4, v36;
	v36 =	vshll.u32 v35, $0x3  }
0x266: {  	v8 =	vshrl.u32 v35, $0x2;
	v7 =	vand.u32 $0x107F, v35;
	v35 =	vadd.s32 s29, v59  }
0x267: {  	v6 =	vand.u32 $0xC00, v36;
	v8 =	vand.u32 $0x380, v8;
	v4 =	vor.u32 v5, v4  }
0x268: {  	v1 =	vld.idx.msk [tilespmem:v1+s25+$0x0], $0xffff;
	v36 =	vshll.u32 v35, $0x3;
	v6 =	vor.u32 v6, v7;
	v7 =	vand.u32 $0x107F, v35  }
0x269: {  	v5 =	vor.u32 v8, v6;
	v2 =	vld.idx.msk [tilespmem:v2+s25+$0x0], $0xffff;
	v6 =	vand.u32 $0xC00, v36;
	v8 =	vshrl.u32 v35, $0x2  }
0x26a: {  	v35 =	vadd.s32 s29, v60;
	v8 =	vand.u32 $0x380, v8;
	v6 =	vor.u32 v6, v7  }
0x26b: {  	v3 =	vld.idx.msk [tilespmem:v3+s25+$0x0], $0xffff;
	v6 =	vor.u32 v8, v6;
	v8 =	vshll.u32 v35, $0x3  }
0x26c: {  	v9 =	vshrl.u32 v35, $0x2;
	v7 =	vand.u32 $0x107F, v35;
	v8 =	vand.u32 $0xC00, v8  }
0x26d: {  	v9 =	vand.u32 $0x380, v9;
	v4 =	vld.idx.msk [tilespmem:v4+s25+$0x0], $0xffff;
	v7 =	vor.u32 v8, v7  }
0x26e: {  	v1 =	vadd.f32 v2, v1;
	v2 =	vor.u32 v9, v7  }
0x26f: {  	v5 =	vld.idx.msk [tilespmem:v5+s25+$0x0], $0xffff  }
0x270: {  	v1 =	vadd.f32 v3, v1  }
0x271: {  	v3 =	vld.idx.msk [tilespmem:v6+s25+$0x0], $0xffff  }
0x272: {  	v1 =	vadd.f32 v4, v1  }
0x273: {  	v2 =	vld.idx.msk [tilespmem:v2+s25+$0x0], $0xffff  }
0x274: {  	v1 =	vadd.f32 v5, v1;
	_ =	sdelay $0x1  }
0x275: {  	v1 =	vadd.f32 v3, v1;
	_ =	sdelay $0x1  }
0x276: {  	v1 =	vadd.f32 v2, v1;
	v2 =	vadd.s32 s29, v61  }
0x277: {  	v3 =	vshll.u32 v2, $0x3  }
0x278: {  	v36 =	vshrl.u32 v2, $0x2;
	v2 =	vand.u32 $0x107F, v2;
	v3 =	vand.u32 $0xC00, v3  }
0x279: {  	v35 =	vadd.s32 s29, v62;
	v4 =	vand.u32 $0x380, v36;
	v2 =	vor.u32 v3, v2  }
0x27a: {  	v5 =	vand.u32 $0x107F, v35;
	v2 =	vor.u32 v4, v2;
	v4 =	vadd.s32 s29, v63  }
0x27b: {  	v36 =	vshrl.u32 v35, $0x2;
	v3 =	vshll.u32 v35, $0x3;
	v35 =	vshll.u32 v4, $0x3;
	_ =	sdelay $0x1  }
0x27c: {  	v3 =	vand.u32 $0xC00, v3  }
0x27d: {  	v3 =	vor.u32 v3, v5;
	v5 =	vand.u32 $0xC00, v35;
	v35 =	vmovc v22;
	v22 =	vmov v21  }
0x27e: {  	v21 =	vmovc v20;
	v20 =	vmovc v19;
	v19 =	vmov v18;
	v18 =	vmov v32;
	v32 =	vmov v31  }
0x27f: {  	v31 =	vmovc v30;
	v30 =	vmovc v29;
	v29 =	vmov v28;
	v28 =	vmov v27;
	v27 =	vmov v26  }
0x280: {  	v26 =	vmovc v25;
	v25 =	vmovc v24;
	v24 =	vmov v23;
	v23 =	vmov v34;
	v34 =	vmov v33;
	v33 =	vld [tilespmem:$0x1FE20];
	_ =	sdelay $0x2  }
0x281: {  	v6 =	vand.u32 $0x380, v36;
	v36 =	vshrl.u32 v4, $0x2  }
0x282: {  	v1 =	vmul.f32 $1.428571490e-01, v1;
	v4 =	vand.u32 $0x107F, v4;
	v7 =	vand.u32 $0x380, v36  }
0x283: {  	v3 =	vor.u32 v6, v3;
	v4 =	vor.u32 v5, v4;
	v8 =	vadd.s32 s29, v33  }
0x284: {  	v4 =	vor.u32 v7, v4;
	v36 =	vshll.u32 v8, $0x3;
	v6 =	vshrl.u32 v8, $0x2  }
0x285: {  	v5 =	vand.u32 $0xC00, v36;
	v36 =	vand.u32 $0x107F, v8;
	v8 =	vadd.s32 s29, v34  }
0x286: {  	v6 =	vand.u32 $0x380, v6;
	v5 =	vor.u32 v5, v36;
	v36 =	vshll.u32 v8, $0x3  }
0x287: {  	v9 =	vshrl.u32 v8, $0x2;
	v8 =	vand.u32 $0x107F, v8;
	v7 =	vand.u32 $0xC00, v36  }
0x288: {  	[tilespmem:s24+$0xFFFFFFF0] =	vst v1;
	v1 =	vand.u32 $0x380, v9;
	v7 =	vor.u32 v7, v8;
	v8 =	vadd.s32 s29, v23  }
0x289: {  	v2 =	vld.idx.msk [tilespmem:v2+s25+$0x0], $0xffff;
	v5 =	vor.u32 v6, v5;
	v1 =	vor.u32 v1, v7;
	v36 =	vshll.u32 v8, $0x3  }
0x28a: {  	v3 =	vld.idx.msk [tilespmem:v3+s25+$0x0], $0xffff;
	v6 =	vand.u32 $0xC00, v36;
	v36 =	vshrl.u32 v8, $0x2;
	v8 =	vand.u32 $0x107F, v8  }
0x28b: {  	v7 =	vand.u32 $0x380, v36;
	v6 =	vor.u32 v6, v8;
	v8 =	vadd.s32 s29, v24  }
0x28c: {  	v4 =	vld.idx.msk [tilespmem:v4+s25+$0x0], $0xffff;
	v6 =	vor.u32 v7, v6;
	v36 =	vshll.u32 v8, $0x3  }
0x28d: {  	v9 =	vshrl.u32 v8, $0x2;
	v8 =	vand.u32 $0x107F, v8;
	v7 =	vand.u32 $0xC00, v36  }
0x28e: {  	v5 =	vld.idx.msk [tilespmem:v5+s25+$0x0], $0xffff;
	v9 =	vand.u32 $0x380, v9;
	v7 =	vor.u32 v7, v8  }
0x28f: {  	v2 =	vadd.f32 v3, v2;
	v3 =	vor.u32 v9, v7  }
0x290: {  	v1 =	vld.idx.msk [tilespmem:v1+s25+$0x0], $0xffff  }
0x291: {  	v2 =	vadd.f32 v4, v2  }
0x292: {  	v36 =	vld.idx.msk [tilespmem:v6+s25+$0x0], $0xffff  }
0x293: {  	v2 =	vadd.f32 v5, v2  }
0x294: {  	v3 =	vld.idx.msk [tilespmem:v3+s25+$0x0], $0xffff  }
0x295: {  	v1 =	vadd.f32 v1, v2  }
0x296: {  	v2 =	vadd.s32 s29, v25  }
0x297: {  	v4 =	vshrl.u32 v2, $0x2;
	v1 =	vadd.f32 v36, v1  }
0x298: {  	v8 =	vadd.s32 s29, v28;
	v4 =	vand.u32 $0x380, v4;
	v36 =	vadd.s32 s29, v26  }
0x299: {  	v6 =	vshrl.u32 v36, $0x2;
	v1 =	vadd.f32 v3, v1;
	v3 =	vshll.u32 v2, $0x3  }
0x29a: {  	v5 =	vand.u32 $0x307F, v36;
	v2 =	vand.u32 $0x307F, v2;
	v3 =	vand.u32 $0xC00, v3  }
0x29b: {  	v6 =	vand.u32 $0x380, v6;
	v2 =	vor.u32 v3, v2;
	v3 =	vshll.u32 v36, $0x3  }
0x29c: {  	v2 =	vor.u32 v4, v2;
	v3 =	vand.u32 $0xC00, v3;
	v4 =	vadd.s32 s29, v27  }
0x29d: {  	v1 =	vmul.f32 $1.428571490e-01, v1;
	v36 =	vshll.u32 v4, $0x3;
	v3 =	vor.u32 v3, v5  }
0x29e: {  	v5 =	vand.u32 $0xC00, v36;
	v36 =	vshrl.u32 v4, $0x2;
	v4 =	vand.u32 $0x307F, v4  }
0x29f: {  	v3 =	vor.u32 v6, v3;
	v6 =	vshrl.u32 v8, $0x2;
	v7 =	vand.u32 $0x380, v36  }
0x2a0: {  	v4 =	vor.u32 v5, v4;
	v36 =	vshll.u32 v8, $0x3;
	v6 =	vand.u32 $0x380, v6  }
0x2a1: {  	v5 =	vand.u32 $0xC00, v36;
	v36 =	vand.u32 $0x307F, v8;
	v8 =	vadd.s32 s29, v29  }
0x2a2: {  	s28 =	sadd.s32 $0xFFFFFFF0, s23;
	v4 =	vor.u32 v7, v4;
	v5 =	vor.u32 v5, v36;
	v36 =	vshll.u32 v8, $0x3  }
0x2a3: {  	s28 =	sand.u32 $0x1E0, s28;
	v9 =	vshrl.u32 v8, $0x2;
	v8 =	vand.u32 $0x307F, v8;
	v7 =	vand.u32 $0xC00, v36  }
0x2a4: {  	[tilespmem:s28+$0x11600] =	vst v1;
	v1 =	vand.u32 $0x380, v9;
	v7 =	vor.u32 v7, v8;
	v8 =	vadd.s32 s29, v30  }
0x2a5: {  	v2 =	vld.idx.msk [tilespmem:v2+s25+$0x0], $0xffff;
	v5 =	vor.u32 v6, v5;
	v1 =	vor.u32 v1, v7;
	v36 =	vshll.u32 v8, $0x3  }
0x2a6: {  	v3 =	vld.idx.msk [tilespmem:v3+s25+$0x0], $0xffff;
	v6 =	vand.u32 $0xC00, v36;
	v36 =	vshrl.u32 v8, $0x2;
	v8 =	vand.u32 $0x307F, v8  }
0x2a7: {  	v7 =	vand.u32 $0x380, v36;
	v6 =	vor.u32 v6, v8;
	v8 =	vadd.s32 s29, v31  }
0x2a8: {  	v4 =	vld.idx.msk [tilespmem:v4+s25+$0x0], $0xffff;
	v6 =	vor.u32 v7, v6;
	v36 =	vshll.u32 v8, $0x3  }
0x2a9: {  	v9 =	vshrl.u32 v8, $0x2;
	v8 =	vand.u32 $0x307F, v8;
	v7 =	vand.u32 $0xC00, v36  }
0x2aa: {  	v5 =	vld.idx.msk [tilespmem:v5+s25+$0x0], $0xffff;
	v9 =	vand.u32 $0x380, v9;
	v7 =	vor.u32 v7, v8  }
0x2ab: {  	v2 =	vadd.f32 v3, v2;
	v3 =	vor.u32 v9, v7  }
0x2ac: {  	v1 =	vld.idx.msk [tilespmem:v1+s25+$0x0], $0xffff  }
0x2ad: {  	v2 =	vadd.f32 v4, v2  }
0x2ae: {  	v36 =	vld.idx.msk [tilespmem:v6+s25+$0x0], $0xffff  }
0x2af: {  	v2 =	vadd.f32 v5, v2  }
0x2b0: {  	v3 =	vld.idx.msk [tilespmem:v3+s25+$0x0], $0xffff  }
0x2b1: {  	v1 =	vadd.f32 v1, v2;
	_ =	sdelay $0x1  }
0x2b2: {  	v2 =	vadd.s32 s29, v32;
	v1 =	vadd.f32 v36, v1  }
0x2b3: {  	v8 =	vadd.s32 s29, v20;
	v4 =	vshrl.u32 v2, $0x2  }
0x2b4: {  	v4 =	vand.u32 $0x380, v4;
	v1 =	vadd.f32 v3, v1;
	v3 =	vshll.u32 v2, $0x3  }
0x2b5: {  	v36 =	vadd.s32 s29, v18;
	v2 =	vand.u32 $0x307F, v2;
	v3 =	vand.u32 $0xC00, v3  }
0x2b6: {  	v6 =	vshrl.u32 v36, $0x2;
	v5 =	vand.u32 $0x307F, v36;
	v2 =	vor.u32 v3, v2  }
0x2b7: {  	v3 =	vshll.u32 v36, $0x3;
	v2 =	vor.u32 v4, v2;
	v4 =	vadd.s32 s29, v19  }
0x2b8: {  	v6 =	vand.u32 $0x380, v6;
	v3 =	vand.u32 $0xC00, v3;
	v36 =	vshll.u32 v4, $0x3  }
0x2b9: {  	v1 =	vmul.f32 $1.428571490e-01, v1;
	v3 =	vor.u32 v3, v5;
	v5 =	vand.u32 $0xC00, v36  }
0x2ba: {  	v36 =	vshrl.u32 v4, $0x2;
	v4 =	vand.u32 $0x307F, v4;
	v3 =	vor.u32 v6, v3  }
0x2bb: {  	v6 =	vshrl.u32 v8, $0x2;
	v7 =	vand.u32 $0x380, v36;
	v4 =	vor.u32 v5, v4  }
0x2bc: {  	v36 =	vshll.u32 v8, $0x3;
	v6 =	vand.u32 $0x380, v6;
	v4 =	vor.u32 v7, v4  }
0x2bd: {  	v5 =	vand.u32 $0xC00, v36;
	v36 =	vand.u32 $0x307F, v8;
	v8 =	vadd.s32 s29, v21  }
0x2be: {  	[tilespmem:s28+$0x11800] =	vst v1;
	v5 =	vor.u32 v5, v36;
	v36 =	vshll.u32 v8, $0x3;
	v9 =	vshrl.u32 v8, $0x2  }
0x2bf: {  	v8 =	vand.u32 $0x307F, v8;
	v2 =	vld.idx.msk [tilespmem:v2+s25+$0x0], $0xffff;
	v7 =	vand.u32 $0xC00, v36;
	v5 =	vor.u32 v6, v5  }
0x2c0: {  	v1 =	vand.u32 $0x380, v9;
	v7 =	vor.u32 v7, v8;
	v8 =	vadd.s32 s29, v22;
	v3 =	vld.idx.msk [tilespmem:v3+s25+$0x0], $0xffff  }
0x2c1: {  	v1 =	vor.u32 v1, v7;
	v36 =	vshll.u32 v8, $0x3  }
0x2c2: {  	v6 =	vand.u32 $0xC00, v36;
	v36 =	vshrl.u32 v8, $0x2;
	v8 =	vand.u32 $0x307F, v8;
	v4 =	vld.idx.msk [tilespmem:v4+s25+$0x0], $0xffff  }
0x2c3: {  	v7 =	vand.u32 $0x380, v36;
	v6 =	vor.u32 v6, v8;
	v8 =	vadd.s32 s29, v35  }
0x2c4: {  	v6 =	vor.u32 v7, v6;
	v36 =	vshll.u32 v8, $0x3;
	v9 =	vshrl.u32 v8, $0x2;
	v5 =	vld.idx.msk [tilespmem:v5+s25+$0x0], $0xffff  }
0x2c5: {  	v8 =	vand.u32 $0x307F, v8;
	v7 =	vand.u32 $0xC00, v36;
	v2 =	vadd.f32 v3, v2  }
0x2c6: {  	v9 =	vand.u32 $0x380, v9;
	v7 =	vor.u32 v7, v8;
	v1 =	vld.idx.msk [tilespmem:v1+s25+$0x0], $0xffff  }
0x2c7: {  	v3 =	vor.u32 v9, v7;
	v2 =	vadd.f32 v4, v2;
	_ =	sdelay $0x1  }
0x2c8: {  	v2 =	vadd.f32 v5, v2  }
0x2c9: {  	v36 =	vld.idx.msk [tilespmem:v6+s25+$0x0], $0xffff  }
0x2ca: {  	v1 =	vadd.f32 v1, v2;
	v2 =	vld [tilespmem:$0x1FF40]  }
0x2cb: {  	v3 =	vld.idx.msk [tilespmem:v3+s25+$0x0], $0xffff;
	_ =	sdelay $0x2  }
0x2cc: {  	v1 =	vadd.f32 v36, v1  }
0x2cd: {  	v2 =	vadd.s32 s29, v2  }
0x2ce: {  	v15 =	vmovc v14;
	v14 =	vmovc v40;
	v40 =	vmov v39;
	v36 =	vld [tilespmem:$0x1FF50];
	v1 =	vadd.f32 v3, v1;
	v3 =	vshll.u32 v2, $0x3  }
0x2cf: {  	v39 =	vmovc v38;
	v38 =	vmovc v37;
	v37 =	vld [tilespmem:$0x1FF70];
	v4 =	vshrl.u32 v2, $0x2;
	v2 =	vand.u32 $0x707F, v2;
	v3 =	vand.u32 $0xC00, v3  }
0x2d0: {  	v4 =	vand.u32 $0x380, v4;
	v2 =	vor.u32 v3, v2  }
0x2d1: {  	v2 =	vor.u32 v4, v2;
	v4 =	vld [tilespmem:$0x1FF60];
	_ =	sdelay $0x1  }
0x2d2: {  	v5 =	vadd.s32 s29, v36  }
0x2d3: {  	v8 =	vadd.s32 s29, v37;
	v3 =	vshll.u32 v5, $0x3  }
0x2d4: {  	v6 =	vshrl.u32 v5, $0x2;
	v5 =	vand.u32 $0x707F, v5;
	v3 =	vand.u32 $0xC00, v3  }
0x2d5: {  	v6 =	vand.u32 $0x380, v6;
	v3 =	vor.u32 v3, v5;
	v4 =	vadd.s32 s29, v4  }
0x2d6: {  	v1 =	vmul.f32 $1.428571490e-01, v1;
	v3 =	vor.u32 v6, v3;
	v7 =	vshll.u32 v4, $0x3  }
0x2d7: {  	v5 =	vand.u32 $0xC00, v7;
	v7 =	vshrl.u32 v4, $0x2;
	v4 =	vand.u32 $0x707F, v4  }
0x2d8: {  	v6 =	vshrl.u32 v8, $0x2;
	v7 =	vand.u32 $0x380, v7;
	v4 =	vor.u32 v5, v4  }
0x2d9: {  	v6 =	vand.u32 $0x380, v6;
	v5 =	vshll.u32 v8, $0x3;
	v4 =	vor.u32 v7, v4  }
0x2da: {  	v5 =	vand.u32 $0xC00, v5;
	v7 =	vand.u32 $0x707F, v8;
	v8 =	vadd.s32 s29, v38  }
0x2db: {  	[tilespmem:s28+$0x11A00] =	vst v1;
	v5 =	vor.u32 v5, v7;
	v7 =	vshll.u32 v8, $0x3;
	v9 =	vshrl.u32 v8, $0x2  }
0x2dc: {  	v2 =	vld.idx.msk [tilespmem:v2+s25+$0x0], $0xffff;
	v8 =	vand.u32 $0x707F, v8;
	v7 =	vand.u32 $0xC00, v7;
	v5 =	vor.u32 v6, v5  }
0x2dd: {  	v3 =	vld.idx.msk [tilespmem:v3+s25+$0x0], $0xffff;
	v1 =	vand.u32 $0x380, v9;
	v7 =	vor.u32 v7, v8;
	v8 =	vadd.s32 s29, v39  }
0x2de: {  	v1 =	vor.u32 v1, v7;
	v6 =	vshll.u32 v8, $0x3  }
0x2df: {  	v7 =	vshrl.u32 v8, $0x2;
	v8 =	vand.u32 $0x707F, v8;
	v6 =	vand.u32 $0xC00, v6;
	v4 =	vld.idx.msk [tilespmem:v4+s25+$0x0], $0xffff  }
0x2e0: {  	v7 =	vand.u32 $0x380, v7;
	v6 =	vor.u32 v6, v8  }
0x2e1: {  	v8 =	vadd.s32 s29, v40;
	v6 =	vor.u32 v7, v6;
	v5 =	vld.idx.msk [tilespmem:v5+s25+$0x0], $0xffff  }
0x2e2: {  	v2 =	vadd.f32 v3, v2;
	v7 =	vshll.u32 v8, $0x3  }
0x2e3: {  	v9 =	vshrl.u32 v8, $0x2;
	v8 =	vand.u32 $0x707F, v8;
	v7 =	vand.u32 $0xC00, v7;
	v1 =	vld.idx.msk [tilespmem:v1+s25+$0x0], $0xffff  }
0x2e4: {  	v9 =	vand.u32 $0x380, v9;
	v7 =	vor.u32 v7, v8;
	v2 =	vadd.f32 v4, v2  }
0x2e5: {  	v12 =	vadd.s32 s26, v16;
	v3 =	vor.u32 v9, v7;
	v9 =	vadd.s32 s26, v10  }
0x2e6: {  	v10 =	vshrl.u32 v9, $0x2;
	v4 =	vld.idx.msk [tilespmem:v6+s25+$0x0], $0xffff;
	v2 =	vadd.f32 v5, v2;
	v5 =	vadd.s32 s26, v0  }
0x2e7: {  	v10 =	vand.u32 $0x380, v10;
	v7 =	vshll.u32 v5, $0x3;
	v8 =	vshrl.u32 v5, $0x2  }
0x2e8: {  	v5 =	vand.u32 $0x107F, v5;
	v1 =	vadd.f32 v1, v2;
	v7 =	vand.u32 $0xC00, v7  }
0x2e9: {  	v2 =	vadd.s32 s29, v14;
	v8 =	vand.u32 $0x380, v8;
	v5 =	vor.u32 v7, v5  }
0x2ea: {  	v7 =	vshll.u32 v9, $0x3;
	v9 =	vand.u32 $0x107F, v9;
	v5 =	vor.u32 v8, v5  }
0x2eb: {  	v3 =	vld.idx.msk [tilespmem:v3+s25+$0x0], $0xffff;
	v7 =	vand.u32 $0xC00, v7;
	v8 =	vadd.s32 s26, v11;
	v1 =	vadd.f32 v4, v1  }
0x2ec: {  	v4 =	vshrl.u32 v2, $0x2;
	v11 =	vshll.u32 v8, $0x3;
	v7 =	vor.u32 v7, v9  }
0x2ed: {  	v4 =	vand.u32 $0x380, v4;
	v9 =	vand.u32 $0xC00, v11;
	v11 =	vshrl.u32 v8, $0x2  }
0x2ee: {  	v8 =	vand.u32 $0x107F, v8;
	v7 =	vor.u32 v10, v7;
	v10 =	vshrl.u32 v12, $0x2  }
0x2ef: {  	v11 =	vand.u32 $0x380, v11;
	v8 =	vor.u32 v9, v8;
	v9 =	vshll.u32 v12, $0x3  }
0x2f0: {  	v10 =	vand.u32 $0x380, v10;
	v1 =	vadd.f32 v3, v1;
	v3 =	vshll.u32 v2, $0x3  }
0x2f1: {  	v2 =	vand.u32 $0x507F, v2;
	v8 =	vor.u32 v11, v8;
	v9 =	vand.u32 $0xC00, v9  }
0x2f2: {  	v11 =	vand.u32 $0x107F, v12;
	v12 =	vadd.s32 s26, v13;
	v3 =	vand.u32 $0xC00, v3  }
0x2f3: {  	v9 =	vor.u32 v9, v11;
	v11 =	vshll.u32 v12, $0x3;
	v13 =	vshrl.u32 v12, $0x2  }
0x2f4: {  	v12 =	vand.u32 $0x107F, v12;
	v1 =	vmul.f32 $1.428571490e-01, v1;
	v2 =	vor.u32 v3, v2  }
0x2f5: {  	v3 =	vadd.s32 s29, v15;
	v11 =	vand.u32 $0xC00, v11;
	v13 =	vand.u32 $0x380, v13  }
0x2f6: {  	v9 =	vor.u32 v10, v9;
	v2 =	vor.u32 v4, v2;
	v4 =	vshll.u32 v3, $0x3  }
0x2f7: {  	v6 =	vshrl.u32 v3, $0x2;
	v3 =	vand.u32 $0x507F, v3;
	v11 =	vor.u32 v11, v12  }
0x2f8: {  	v5 =	vld.idx.msk [tilespmem:v5+s25+$0x0], $0xffff;
	v12 =	vadd.s32 s26, v59;
	v4 =	vand.u32 $0xC00, v4;
	v6 =	vand.u32 $0x380, v6  }
0x2f9: {  	v7 =	vld.idx.msk [tilespmem:v7+s25+$0x0], $0xffff;
	v10 =	vor.u32 v13, v11;
	v11 =	vshll.u32 v12, $0x3;
	v13 =	vshrl.u32 v12, $0x2  }
0x2fa: {  	v12 =	vand.u32 $0x107F, v12;
	v11 =	vand.u32 $0xC00, v11;
	v3 =	vor.u32 v4, v3  }
0x2fb: {  	v13 =	vand.u32 $0x380, v13;
	v59 =	vld.idx.msk [tilespmem:v8+s25+$0x0], $0xffff;
	v11 =	vor.u32 v11, v12;
	v3 =	vor.u32 v6, v3  }
0x2fc: {  	v12 =	vadd.s32 s26, v60;
	v8 =	vor.u32 v13, v11  }
0x2fd: {  	[tilespmem:s28+$0x11C00] =	vst v1;
	v11 =	vshll.u32 v12, $0x3;
	v13 =	vshrl.u32 v12, $0x2;
	v6 =	vld.idx.msk [tilespmem:v9+s25+$0x0], $0xffff  }
0x2fe: {  	v12 =	vand.u32 $0x107F, v12;
	v11 =	vand.u32 $0xC00, v11;
	v5 =	vadd.f32 v7, v5;
	v2 =	vld.idx.msk [tilespmem:v2+s25+$0x0], $0xffff  }
0x2ff: {  	v9 =	vand.u32 $0x380, v13;
	v11 =	vor.u32 v11, v12;
	v1 =	vld.idx.msk [tilespmem:v10+s25+$0x0], $0xffff  }
0x300: {  	v60 =	vor.u32 v9, v11;
	v4 =	vadd.f32 v59, v5;
	v3 =	vld.idx.msk [tilespmem:v3+s25+$0x0], $0xffff  }
0x301: {  	v5 =	vadd.s32 s26, v61;
	v59 =	vld.idx.msk [tilespmem:v8+s25+$0x0], $0xffff  }
0x302: {  	v11 =	vadd.s32 s26, v33;
	v61 =	vshrl.u32 v5, $0x2;
	v4 =	vadd.f32 v6, v4  }
0x303: {  	v8 =	vadd.s32 s26, v62;
	v7 =	vand.u32 $0x380, v61;
	v61 =	vadd.s32 s26, v63  }
0x304: {  	v9 =	vshrl.u32 v8, $0x2;
	v1 =	vadd.f32 v1, v4;
	v4 =	vadd.s32 s29, v17  }
0x305: {  	v10 =	vshll.u32 v61, $0x3;
	v9 =	vand.u32 $0x380, v9;
	v6 =	vld.idx.msk [tilespmem:v60+s25+$0x0], $0xffff;
	v60 =	vshll.u32 v4, $0x3  }
0x306: {  	v1 =	vadd.f32 v59, v1;
	v59 =	vadd.f32 v3, v2;
	v2 =	vand.u32 $0xC00, v60  }
0x307: {  	v3 =	vshrl.u32 v4, $0x2;
	v4 =	vand.u32 $0x507F, v4;
	v60 =	vshll.u32 v5, $0x3  }
0x308: {  	v5 =	vand.u32 $0x107F, v5;
	v3 =	vand.u32 $0x380, v3;
	v2 =	vor.u32 v2, v4  }
0x309: {  	v4 =	vand.u32 $0xC00, v60;
	v60 =	vshll.u32 v8, $0x3;
	v8 =	vand.u32 $0x107F, v8  }
0x30a: {  	v4 =	vor.u32 v4, v5;
	v5 =	vand.u32 $0xC00, v60;
	v2 =	vor.u32 v3, v2  }
0x30b: {  	v1 =	vadd.f32 v6, v1;
	v4 =	vor.u32 v7, v4;
	v5 =	vor.u32 v5, v8  }
0x30c: {  	v8 =	vand.u32 $0xC00, v10;
	v10 =	vshrl.u32 v61, $0x2;
	v7 =	vand.u32 $0x107F, v61  }
0x30d: {  	v6 =	vadd.s32 s29, v41;
	v10 =	vand.u32 $0x380, v10;
	v7 =	vor.u32 v8, v7  }
0x30e: {  	v8 =	vshll.u32 v11, $0x3;
	v5 =	vor.u32 v9, v5;
	v9 =	vshrl.u32 v11, $0x2  }
0x30f: {  	v33 =	vmovc v34;
	v1 =	vmul.f32 $1.428571490e-01, v1;
	v7 =	vor.u32 v10, v7;
	v8 =	vand.u32 $0xC00, v8  }
0x310: {  	v10 =	vand.u32 $0x107F, v11;
	v11 =	vadd.s32 s26, v33;
	v9 =	vand.u32 $0x380, v9  }
0x311: {  	v8 =	vor.u32 v8, v10;
	v10 =	vshll.u32 v11, $0x3;
	v12 =	vshrl.u32 v11, $0x2  }
0x312: {  	v34 =	vmovc v23;
	v11 =	vand.u32 $0x107F, v11;
	v10 =	vand.u32 $0xC00, v10;
	[tilespmem:s24+$0x0] =	vst v1;
	v1 =	vand.u32 $0x380, v12  }
0x313: {  	v8 =	vor.u32 v9, v8;
	v10 =	vor.u32 v10, v11;
	v11 =	vadd.s32 s26, v34  }
0x314: {  	v12 =	vshll.u32 v6, $0x3;
	v4 =	vld.idx.msk [tilespmem:v4+s25+$0x0], $0xffff;
	v1 =	vor.u32 v1, v10;
	v9 =	vshll.u32 v11, $0x3  }
0x315: {  	v23 =	vmovc v24;
	v5 =	vld.idx.msk [tilespmem:v5+s25+$0x0], $0xffff;
	v10 =	vshrl.u32 v11, $0x2;
	v11 =	vand.u32 $0x107F, v11;
	v9 =	vand.u32 $0xC00, v9  }
0x316: {  	v10 =	vand.u32 $0x380, v10;
	v9 =	vor.u32 v9, v11;
	v11 =	vadd.s32 s26, v23  }
0x317: {  	v12 =	vand.u32 $0xC00, v12;
	v7 =	vld.idx.msk [tilespmem:v7+s25+$0x0], $0xffff;
	v9 =	vor.u32 v10, v9;
	v10 =	vshll.u32 v11, $0x3  }
0x318: {  	v13 =	vshrl.u32 v11, $0x2;
	v11 =	vand.u32 $0x107F, v11;
	v10 =	vand.u32 $0xC00, v10  }
0x319: {  	v8 =	vld.idx.msk [tilespmem:v8+s25+$0x0], $0xffff;
	v13 =	vand.u32 $0x380, v13;
	v10 =	vor.u32 v10, v11;
	v11 =	vshrl.u32 v6, $0x2  }
0x31a: {  	v4 =	vadd.f32 v5, v4;
	v6 =	vand.u32 $0x507F, v6;
	v62 =	vor.u32 v13, v10  }
0x31b: {  	v10 =	vand.u32 $0x380, v11;
	v11 =	vadd.s32 s29, v42;
	v6 =	vor.u32 v12, v6  }
0x31c: {  	v1 =	vld.idx.msk [tilespmem:v1+s25+$0x0], $0xffff;
	v12 =	vshll.u32 v11, $0x3;
	v4 =	vadd.f32 v7, v4;
	v3 =	vor.u32 v10, v6  }
0x31d: {  	v24 =	vmovc v25;
	v25 =	vmovc v26;
	v10 =	vand.u32 $0x507F, v11;
	v63 =	vand.u32 $0xC00, v12;
	v60 =	vld.idx.msk [tilespmem:v9+s25+$0x0], $0xffff;
	v9 =	vshrl.u32 v11, $0x2  }
0x31e: {  	v12 =	vadd.s32 s26, v25;
	v4 =	vadd.f32 v8, v4;
	v8 =	vand.u32 $0x380, v9  }
0x31f: {  	v6 =	vor.u32 v63, v10;
	v9 =	vadd.s32 s29, v43;
	v63 =	vadd.s32 s26, v24  }
0x320: {  	v13 =	vshrl.u32 v12, $0x2;
	v10 =	vshll.u32 v9, $0x3;
	v11 =	vshrl.u32 v9, $0x2  }
0x321: {  	v9 =	vand.u32 $0x507F, v9;
	v6 =	vor.u32 v8, v6;
	v13 =	vand.u32 $0x380, v13  }
0x322: {  	v5 =	vld.idx.msk [tilespmem:v62+s25+$0x0], $0xffff;
	v1 =	vadd.f32 v1, v4;
	v61 =	vand.u32 $0xC00, v10;
	v10 =	vand.u32 $0x380, v11  }
0x323: {  	v26 =	vmovc v27;
	v27 =	vmovc v28;
	v11 =	vshrl.u32 v63, $0x2;
	v4 =	vor.u32 v61, v9;
	v9 =	vadd.s32 s29, v44  }
0x324: {  	v11 =	vand.u32 $0x380, v11;
	v61 =	vadd.s32 s26, v27;
	v1 =	vadd.f32 v60, v1  }
0x325: {  	v4 =	vor.u32 v10, v4;
	v62 =	vshll.u32 v9, $0x3;
	v8 =	vshrl.u32 v9, $0x2  }
0x326: {  	v10 =	vshll.u32 v63, $0x3;
	v9 =	vand.u32 $0x507F, v9;
	v7 =	vand.u32 $0xC00, v62  }
0x327: {  	v10 =	vand.u32 $0xC00, v10;
	v1 =	vadd.f32 v5, v1;
	v5 =	vand.u32 $0x307F, v63  }
0x328: {  	v8 =	vand.u32 $0x380, v8;
	v7 =	vor.u32 v7, v9;
	v5 =	vor.u32 v10, v5  }
0x329: {  	v10 =	vshll.u32 v12, $0x3;
	v5 =	vor.u32 v11, v5;
	v11 =	vadd.s32 s26, v26  }
0x32a: {  	v12 =	vand.u32 $0x307F, v12;
	v10 =	vand.u32 $0xC00, v10;
	v60 =	vshll.u32 v11, $0x3  }
0x32b: {  	v1 =	vmul.f32 $1.428571490e-01, v1;
	v10 =	vor.u32 v10, v12;
	v12 =	vand.u32 $0xC00, v60  }
0x32c: {  	v60 =	vshrl.u32 v11, $0x2;
	v11 =	vand.u32 $0x307F, v11;
	v10 =	vor.u32 v13, v10  }
0x32d: {  	v13 =	vshrl.u32 v61, $0x2;
	v60 =	vand.u32 $0x380, v60;
	v11 =	vor.u32 v12, v11  }
0x32e: {  	v28 =	vmovc v29;
	v12 =	vshll.u32 v61, $0x3;
	v13 =	vand.u32 $0x380, v13;
	v11 =	vor.u32 v60, v11  }
0x32f: {  	v12 =	vand.u32 $0xC00, v12;
	v60 =	vand.u32 $0x307F, v61;
	v61 =	vadd.s32 s26, v28  }
0x330: {  	s30 =	sand.u32 $0x1F0, s23;
	v12 =	vor.u32 v12, v60;
	v60 =	vshll.u32 v61, $0x3;
	v62 =	vshrl.u32 v61, $0x2  }
0x331: {  	v29 =	vmovc v30;
	v2 =	vld.idx.msk [tilespmem:v2+s25+$0x0], $0xffff;
	[tilespmem:s30+$0x11600] =	vst v1;
	v61 =	vand.u32 $0x307F, v61;
	v60 =	vand.u32 $0xC00, v60;
	v1 =	vand.u32 $0x380, v62  }
0x332: {  	v5 =	vld.idx.msk [tilespmem:v5+s25+$0x0], $0xffff;
	v12 =	vor.u32 v13, v12;
	v60 =	vor.u32 v60, v61;
	v61 =	vadd.s32 s26, v29  }
0x333: {  	v7 =	vor.u32 v8, v7;
	v10 =	vld.idx.msk [tilespmem:v10+s25+$0x0], $0xffff;
	v1 =	vor.u32 v1, v60;
	v13 =	vshll.u32 v61, $0x3  }
0x334: {  	v30 =	vmovc v31;
	v3 =	vld.idx.msk [tilespmem:v3+s25+$0x0], $0xffff;
	v60 =	vshrl.u32 v61, $0x2;
	v61 =	vand.u32 $0x307F, v61;
	v13 =	vand.u32 $0xC00, v13  }
0x335: {  	v60 =	vand.u32 $0x380, v60;
	v9 =	vld.idx.msk [tilespmem:v11+s25+$0x0], $0xffff;
	v13 =	vor.u32 v13, v61;
	v61 =	vadd.s32 s26, v30  }
0x336: {  	v2 =	vadd.f32 v2, v59;
	v6 =	vld.idx.msk [tilespmem:v6+s25+$0x0], $0xffff;
	v11 =	vor.u32 v60, v13;
	v13 =	vshll.u32 v61, $0x3  }
0x337: {  	v60 =	vshrl.u32 v61, $0x2;
	v61 =	vand.u32 $0x307F, v61;
	v8 =	vld.idx.msk [tilespmem:v12+s25+$0x0], $0xffff;
	v13 =	vand.u32 $0xC00, v13  }
0x338: {  	v4 =	vld.idx.msk [tilespmem:v4+s25+$0x0], $0xffff;
	v12 =	vand.u32 $0x380, v60;
	v5 =	vadd.f32 v10, v5;
	v13 =	vor.u32 v13, v61  }
0x339: {  	v2 =	vadd.f32 v3, v2;
	v1 =	vld.idx.msk [tilespmem:v1+s25+$0x0], $0xffff;
	v10 =	vor.u32 v12, v13  }
0x33a: {  	v7 =	vld.idx.msk [tilespmem:v7+s25+$0x0], $0xffff;
	v5 =	vadd.f32 v9, v5  }
0x33b: {  	v2 =	vadd.f32 v6, v2;
	v3 =	vld.idx.msk [tilespmem:v11+s25+$0x0], $0xffff  }
0x33c: {  	v31 =	vmov v32;
	v32 =	vmov v18;
	v5 =	vadd.f32 v8, v5  }
0x33d: {  	v2 =	vadd.f32 v4, v2;
	v62 =	vadd.s32 s26, v32  }
0x33e: {  	v63 =	vshll.u32 v62, $0x3;
	v1 =	vadd.f32 v1, v5;
	v59 =	vld.idx.msk [tilespmem:v10+s25+$0x0], $0xffff  }
0x33f: {  	v18 =	vmovc v19;
	v19 =	vmovc v20;
	v2 =	vadd.f32 v7, v2;
	v7 =	vand.u32 $0x307F, v62;
	v8 =	vshrl.u32 v62, $0x2  }
0x340: {  	v10 =	vadd.s32 s26, v19;
	v1 =	vadd.f32 v3, v1;
	v3 =	vadd.s32 s26, v31  }
0x341: {  	v8 =	vand.u32 $0x380, v8;
	v62 =	vshll.u32 v10, $0x3;
	v60 =	vshll.u32 v3, $0x3  }
0x342: {  	v61 =	vshrl.u32 v3, $0x2;
	v3 =	vand.u32 $0x307F, v3;
	v4 =	vand.u32 $0xC00, v60  }
0x343: {  	v6 =	vand.u32 $0x380, v61;
	v60 =	vadd.s32 s26, v18;
	v1 =	vadd.f32 v59, v1  }
0x344: {  	v59 =	vmul.f32 $1.428571490e-01, v2;
	v3 =	vor.u32 v4, v3;
	v4 =	vand.u32 $0xC00, v63  }
0x345: {  	v9 =	vshll.u32 v60, $0x3;
	v3 =	vor.u32 v6, v3;
	v4 =	vor.u32 v4, v7  }
0x346: {  	v61 =	vand.u32 $0xC00, v9;
	v9 =	vshrl.u32 v60, $0x2;
	v6 =	vand.u32 $0x307F, v60  }
0x347: {  	v7 =	vand.u32 $0xC00, v62;
	v1 =	vmul.f32 $1.428571490e-01, v1;
	v9 =	vand.u32 $0x380, v9  }
0x348: {  	v20 =	vmovc v21;
	v6 =	vor.u32 v61, v6;
	v4 =	vor.u32 v8, v4;
	v8 =	vshrl.u32 v10, $0x2  }
0x349: {  	v6 =	vor.u32 v9, v6;
	v9 =	vand.u32 $0x307F, v10;
	v10 =	vadd.s32 s26, v20  }
0x34a: {  	v8 =	vand.u32 $0x380, v8;
	v7 =	vor.u32 v7, v9;
	v9 =	vshll.u32 v10, $0x3  }
0x34b: {  	v21 =	vmovc v22;
	v11 =	vshrl.u32 v10, $0x2;
	v10 =	vand.u32 $0x307F, v10;
	v9 =	vand.u32 $0xC00, v9  }
0x34c: {  	[tilespmem:s30+$0x11800] =	vst v1;
	v1 =	vand.u32 $0x380, v11;
	v9 =	vor.u32 v9, v10;
	v10 =	vadd.s32 s26, v21  }
0x34d: {  	v7 =	vor.u32 v8, v7;
	v3 =	vld.idx.msk [tilespmem:v3+s25+$0x0], $0xffff;
	v1 =	vor.u32 v1, v9;
	v8 =	vshll.u32 v10, $0x3  }
0x34e: {  	v4 =	vld.idx.msk [tilespmem:v4+s25+$0x0], $0xffff;
	v9 =	vshrl.u32 v10, $0x2;
	v10 =	vand.u32 $0x307F, v10;
	v8 =	vand.u32 $0xC00, v8  }
0x34f: {  	v9 =	vand.u32 $0x380, v9;
	v8 =	vor.u32 v8, v10;
	v10 =	vadd.s32 s26, v35  }
0x350: {  	v2 =	vadd.s32 s29, v45;
	v6 =	vld.idx.msk [tilespmem:v6+s25+$0x0], $0xffff;
	v8 =	vor.u32 v9, v8;
	v9 =	vshll.u32 v10, $0x3  }
0x351: {  	v11 =	vshrl.u32 v10, $0x2;
	v10 =	vand.u32 $0x307F, v10;
	v9 =	vand.u32 $0xC00, v9  }
0x352: {  	v5 =	vshll.u32 v2, $0x3;
	v7 =	vld.idx.msk [tilespmem:v7+s25+$0x0], $0xffff;
	v11 =	vand.u32 $0x380, v11;
	v9 =	vor.u32 v9, v10  }
0x353: {  	v12 =	vshrl.u32 v2, $0x2;
	v3 =	vadd.f32 v4, v3;
	v63 =	vor.u32 v11, v9  }
0x354: {  	v2 =	vand.u32 $0x707F, v2;
	v5 =	vand.u32 $0xC00, v5;
	v61 =	vadd.s32 s29, v47;
	v1 =	vld.idx.msk [tilespmem:v1+s25+$0x0], $0xffff  }
0x355: {  	v2 =	vor.u32 v5, v2;
	v9 =	vand.u32 $0x380, v12;
	v3 =	vadd.f32 v6, v3  }
0x356: {  	v22 =	vmovc v35;
	v62 =	vshll.u32 v61, $0x3;
	v35 =	vadd.s32 s29, v46;
	v2 =	vor.u32 v9, v2;
	v8 =	vld.idx.msk [tilespmem:v8+s25+$0x0], $0xffff  }
0x357: {  	v9 =	vshrl.u32 v61, $0x2;
	v6 =	vand.u32 $0x707F, v61;
	v61 =	vld [tilespmem:$0x1FF40];
	v3 =	vadd.f32 v7, v3  }
0x358: {  	v5 =	vand.u32 $0x707F, v35;
	v10 =	vshll.u32 v35, $0x3;
	v4 =	vld.idx.msk [tilespmem:v63+s25+$0x0], $0xffff  }
0x359: {  	v11 =	vshrl.u32 v35, $0x2;
	v60 =	vand.u32 $0xC00, v10;
	v1 =	vadd.f32 v1, v3  }
0x35a: {  	v10 =	vand.u32 $0x380, v11;
	v3 =	vand.u32 $0x380, v9;
	v9 =	vadd.s32 s29, v48  }
0x35b: {  	v7 =	vand.u32 $0xC00, v62;
	v63 =	vshll.u32 v9, $0x3;
	v1 =	vadd.f32 v8, v1  }
0x35c: {  	v5 =	vor.u32 v60, v5;
	v6 =	vor.u32 v7, v6;
	v35 =	vand.u32 $0xC00, v63  }
0x35d: {  	v8 =	vand.u32 $0x707F, v9;
	v1 =	vadd.f32 v4, v1;
	v4 =	vadd.s32 s26, v61  }
0x35e: {  	v3 =	vor.u32 v3, v6;
	v6 =	vor.u32 v35, v8;
	v8 =	vshll.u32 v4, $0x3  }
0x35f: {  	v62 =	vand.u32 $0xC00, v8;
	v8 =	vshrl.u32 v4, $0x2;
	v4 =	vand.u32 $0x707F, v4  }
0x360: {  	v5 =	vor.u32 v10, v5;
	v8 =	vand.u32 $0x380, v8;
	v4 =	vor.u32 v62, v4  }
0x361: {  	v4 =	vor.u32 v8, v4;
	v8 =	vld [tilespmem:$0x1FF60]  }
0x362: {  	v60 =	vshrl.u32 v9, $0x2;
	v9 =	vadd.s32 s26, v36  }
0x363: {  	[tilespmem:s28+$0x11E00] =	vst v59;
	v7 =	vand.u32 $0x380, v60;
	v63 =	vshll.u32 v9, $0x3;
	v10 =	vshrl.u32 v9, $0x2  }
0x364: {  	v2 =	vld.idx.msk [tilespmem:v2+s25+$0x0], $0xffff;
	v9 =	vand.u32 $0x707F, v9;
	v6 =	vor.u32 v7, v6;
	v7 =	vand.u32 $0xC00, v63  }
0x365: {  	v5 =	vld.idx.msk [tilespmem:v5+s25+$0x0], $0xffff;
	v10 =	vand.u32 $0x380, v10;
	v7 =	vor.u32 v7, v9  }
0x366: {  	v12 =	vadd.s32 s26, v37;
	v7 =	vor.u32 v10, v7;
	v8 =	vadd.s32 s26, v8  }
0x367: {  	v10 =	vshrl.u32 v12, $0x2;
	v1 =	vmul.f32 $1.428571490e-01, v1;
	v11 =	vshll.u32 v8, $0x3  }
0x368: {  	v9 =	vand.u32 $0xC00, v11;
	v11 =	vshrl.u32 v8, $0x2;
	v8 =	vand.u32 $0x707F, v8  }
0x369: {  	v10 =	vand.u32 $0x380, v10;
	v11 =	vand.u32 $0x380, v11;
	v8 =	vor.u32 v9, v8  }
0x36a: {  	v37 =	vmovc v38;
	v3 =	vld.idx.msk [tilespmem:v3+s25+$0x0], $0xffff;
	v2 =	vadd.f32 v5, v2;
	v9 =	vshll.u32 v12, $0x3;
	v8 =	vor.u32 v11, v8  }
0x36b: {  	v9 =	vand.u32 $0xC00, v9;
	v11 =	vand.u32 $0x707F, v12;
	v12 =	vadd.s32 s26, v37  }
0x36c: {  	v9 =	vor.u32 v9, v11;
	v11 =	vshll.u32 v12, $0x3;
	v13 =	vshrl.u32 v12, $0x2  }
0x36d: {  	v38 =	vmovc v39;
	[tilespmem:s30+$0x11A00] =	vst v1;
	v12 =	vand.u32 $0x707F, v12;
	v11 =	vand.u32 $0xC00, v11;
	v1 =	vand.u32 $0x380, v13  }
0x36e: {  	v7 =	vld.idx.msk [tilespmem:v7+s25+$0x0], $0xffff;
	v9 =	vor.u32 v10, v9;
	v11 =	vor.u32 v11, v12;
	v12 =	vadd.s32 s26, v38  }
0x36f: {  	v2 =	vadd.f32 v3, v2;
	v4 =	vld.idx.msk [tilespmem:v4+s25+$0x0], $0xffff;
	v1 =	vor.u32 v1, v11;
	v10 =	vshll.u32 v12, $0x3  }
0x370: {  	v39 =	vmovc v40;
	v6 =	vld.idx.msk [tilespmem:v6+s25+$0x0], $0xffff;
	v11 =	vshrl.u32 v12, $0x2;
	v12 =	vand.u32 $0x707F, v12;
	v10 =	vand.u32 $0xC00, v10  }
0x371: {  	v11 =	vand.u32 $0x380, v11;
	v8 =	vld.idx.msk [tilespmem:v8+s25+$0x0], $0xffff;
	v10 =	vor.u32 v10, v12;
	v12 =	vadd.s32 s26, v39  }
0x372: {  	v3 =	vadd.s32 s29, v49;
	v10 =	vor.u32 v11, v10;
	v11 =	vshll.u32 v12, $0x3  }
0x373: {  	v13 =	vshrl.u32 v12, $0x2;
	v12 =	vand.u32 $0x707F, v12;
	v35 =	vld.idx.msk [tilespmem:v9+s25+$0x0], $0xffff;
	v11 =	vand.u32 $0xC00, v11  }
0x374: {  	v4 =	vadd.f32 v7, v4;
	v9 =	vand.u32 $0x380, v13;
	v11 =	vor.u32 v11, v12  }
0x375: {  	v2 =	vadd.f32 v6, v2;
	v12 =	vadd.s32 s26, v41;
	v36 =	vor.u32 v9, v11  }
0x376: {  	v1 =	vld.idx.msk [tilespmem:v1+s25+$0x0], $0xffff;
	v9 =	vshll.u32 v3, $0x3;
	v11 =	vshrl.u32 v3, $0x2;
	v4 =	vadd.f32 v8, v4  }
0x377: {  	v3 =	vand.u32 $0x707F, v3;
	v8 =	vand.u32 $0xC00, v9;
	v9 =	vand.u32 $0x380, v11  }
0x378: {  	v3 =	vor.u32 v8, v3;
	v8 =	vadd.s32 s29, v50;
	v4 =	vadd.f32 v35, v4  }
0x379: {  	v3 =	vor.u32 v9, v3;
	v59 =	vshll.u32 v8, $0x3;
	v61 =	vshrl.u32 v8, $0x2  }
0x37a: {  	v10 =	vld.idx.msk [tilespmem:v10+s25+$0x0], $0xffff;
	v63 =	vand.u32 $0x707F, v8;
	v8 =	vadd.s32 s29, v51;
	v9 =	vadd.s32 s26, v15  }
0x37b: {  	v5 =	vand.u32 $0xC00, v59;
	v1 =	vadd.f32 v1, v4;
	v62 =	vand.u32 $0x380, v61  }
0x37c: {  	v35 =	vshll.u32 v8, $0x3;
	v59 =	vshrl.u32 v8, $0x2;
	v8 =	vand.u32 $0x707F, v8;
	v60 =	vld.idx.msk [tilespmem:v36+s25+$0x0], $0xffff  }
0x37d: {  	v5 =	vor.u32 v5, v63;
	v36 =	vand.u32 $0xC00, v35;
	v7 =	vand.u32 $0x380, v59  }
0x37e: {  	v59 =	vadd.s32 s29, v58;
	v4 =	vor.u32 v62, v5;
	v5 =	vor.u32 v36, v8  }
0x37f: {  	v62 =	vshll.u32 v9, $0x3;
	v1 =	vadd.f32 v10, v1;
	v5 =	vor.u32 v7, v5  }
0x380: {  	v40 =	vmovc v14;
	v7 =	vand.u32 $0xC00, v62;
	v10 =	vshrl.u32 v9, $0x2;
	v9 =	vand.u32 $0x507F, v9  }
0x381: {  	v62 =	vadd.s32 s26, v48;
	v3 =	vld.idx.msk [tilespmem:v3+s25+$0x0], $0xffff;
	v1 =	vadd.f32 v60, v1;
	v60 =	vadd.s32 s26, v40  }
0x382: {  	v10 =	vand.u32 $0x380, v10;
	v7 =	vor.u32 v7, v9;
	v8 =	vshll.u32 v60, $0x3  }
0x383: {  	v6 =	vand.u32 $0x507F, v60;
	v4 =	vld.idx.msk [tilespmem:v4+s25+$0x0], $0xffff;
	v61 =	vand.u32 $0xC00, v8;
	v8 =	vshrl.u32 v60, $0x2  }
0x384: {  	v7 =	vor.u32 v10, v7;
	v8 =	vand.u32 $0x380, v8;
	v6 =	vor.u32 v61, v6  }
0x385: {  	v10 =	vshrl.u32 v12, $0x2;
	v6 =	vor.u32 v8, v6;
	v8 =	vadd.s32 s26, v17  }
0x386: {  	v10 =	vand.u32 $0x380, v10;
	v5 =	vld.idx.msk [tilespmem:v5+s25+$0x0], $0xffff;
	v2 =	vadd.f32 v3, v2;
	v11 =	vshll.u32 v8, $0x3  }
0x387: {  	v1 =	vmul.f32 $1.428571490e-01, v1;
	v9 =	vand.u32 $0xC00, v11;
	v11 =	vshrl.u32 v8, $0x2  }
0x388: {  	v8 =	vand.u32 $0x507F, v8;
	v2 =	vadd.f32 v4, v2;
	v4 =	vadd.s32 s29, v57  }
0x389: {  	v11 =	vand.u32 $0x380, v11;
	v8 =	vor.u32 v9, v8;
	v9 =	vshll.u32 v12, $0x3  }
0x38a: {  	v8 =	vor.u32 v11, v8;
	v9 =	vand.u32 $0xC00, v9;
	v11 =	vand.u32 $0x507F, v12  }
0x38b: {  	[tilespmem:s30+$0x11C00] =	vst v1;
	v12 =	vadd.s32 s26, v42;
	v2 =	vadd.f32 v5, v2;
	v9 =	vor.u32 v9, v11  }
0x38c: {  	v7 =	vld.idx.msk [tilespmem:v7+s25+$0x0], $0xffff;
	v11 =	vshll.u32 v12, $0x3;
	v13 =	vshrl.u32 v12, $0x2;
	v12 =	vand.u32 $0x507F, v12  }
0x38d: {  	v6 =	vld.idx.msk [tilespmem:v6+s25+$0x0], $0xffff;
	v11 =	vand.u32 $0xC00, v11;
	v1 =	vand.u32 $0x380, v13;
	v9 =	vor.u32 v10, v9  }
0x38e: {  	v13 =	vadd.s32 s29, v56;
	v11 =	vor.u32 v11, v12;
	v12 =	vadd.s32 s26, v43  }
0x38f: {  	v2 =	vmul.f32 $1.428571490e-01, v2;
	v1 =	vor.u32 v1, v11;
	v10 =	vshll.u32 v12, $0x3  }
0x390: {  	v11 =	vshrl.u32 v12, $0x2;
	v12 =	vand.u32 $0x507F, v12;
	v10 =	vand.u32 $0xC00, v10;
	v3 =	vld.idx.msk [tilespmem:v8+s25+$0x0], $0xffff  }
0x391: {  	v11 =	vand.u32 $0x380, v11;
	v10 =	vor.u32 v10, v12;
	v12 =	vadd.s32 s26, v44  }
0x392: {  	v63 =	vadd.f32 v7, v6;
	v7 =	vadd.s32 s29, v52;
	v8 =	vor.u32 v11, v10;
	v9 =	vld.idx.msk [tilespmem:v9+s25+$0x0], $0xffff  }
0x393: {  	v10 =	vshll.u32 v12, $0x3;
	v11 =	vshrl.u32 v12, $0x2;
	v12 =	vand.u32 $0x507F, v12  }
0x394: {  	v36 =	vshrl.u32 v7, $0x2;
	v10 =	vand.u32 $0xC00, v10;
	v11 =	vand.u32 $0x380, v11;
	v1 =	vld.idx.msk [tilespmem:v1+s25+$0x0], $0xffff  }
0x395: {  	v10 =	vor.u32 v10, v12;
	v12 =	vadd.s32 s29, v55;
	v3 =	vadd.f32 v3, v63  }
0x396: {  	v6 =	vor.u32 v11, v10;
	v10 =	vadd.s32 s29, v53;
	v11 =	vadd.s32 s29, v54  }
0x397: {  	v63 =	vshll.u32 v11, $0x3;
	v35 =	vld.idx.msk [tilespmem:v8+s25+$0x0], $0xffff;
	v8 =	vshll.u32 v7, $0x3;
	v3 =	vadd.f32 v9, v3  }
0x398: {  	v9 =	vand.u32 $0x380, v36;
	v7 =	vand.u32 $0x707F, v7;
	v8 =	vand.u32 $0xC00, v8  }
0x399: {  	v7 =	vor.u32 v8, v7;
	v8 =	vshll.u32 v10, $0x3;
	v1 =	vadd.f32 v1, v3  }
0x39a: {  	v3 =	vand.u32 $0xC00, v8;
	v8 =	vshrl.u32 v10, $0x2;
	v10 =	vand.u32 $0x707F, v10  }
0x39b: {  	v6 =	vld.idx.msk [tilespmem:v6+s25+$0x0], $0xffff;
	v5 =	vor.u32 v9, v7;
	v7 =	vand.u32 $0xC00, v63;
	v8 =	vand.u32 $0x380, v8  }
0x39c: {  	v3 =	vor.u32 v3, v10;
	v10 =	vadd.s32 s26, v46;
	v1 =	vadd.f32 v35, v1  }
0x39d: {  	v3 =	vor.u32 v8, v3;
	v35 =	vadd.s32 s26, v45;
	v8 =	vshrl.u32 v11, $0x2  }
0x39e: {  	v11 =	vand.u32 $0x707F, v11;
	v9 =	vshll.u32 v35, $0x3;
	v36 =	vshrl.u32 v35, $0x2  }
0x39f: {  	v7 =	vor.u32 v7, v11;
	v8 =	vand.u32 $0x380, v8;
	v9 =	vand.u32 $0xC00, v9  }
0x3a0: {  	v60 =	vand.u32 $0x380, v36;
	v36 =	vshrl.u32 v10, $0x2;
	v1 =	vadd.f32 v6, v1  }
0x3a1: {  	v6 =	vand.u32 $0x707F, v35;
	v35 =	vshll.u32 v10, $0x3;
	v10 =	vand.u32 $0x707F, v10  }
0x3a2: {  	v61 =	vand.u32 $0x380, v36;
	v6 =	vor.u32 v9, v6;
	v9 =	vand.u32 $0xC00, v35  }
0x3a3: {  	v35 =	vadd.s32 s26, v47;
	v1 =	vmul.f32 $1.428571490e-01, v1;
	v9 =	vor.u32 v9, v10  }
0x3a4: {  	[tilespmem:s28+$0x12000] =	vst v2;
	v10 =	vshll.u32 v35, $0x3;
	v6 =	vor.u32 v60, v6;
	v36 =	vshrl.u32 v35, $0x2  }
0x3a5: {  	v5 =	vld.idx.msk [tilespmem:v5+s25+$0x0], $0xffff;
	v35 =	vand.u32 $0x707F, v35;
	v9 =	vor.u32 v61, v9;
	v10 =	vand.u32 $0xC00, v10  }
0x3a6: {  	v3 =	vld.idx.msk [tilespmem:v3+s25+$0x0], $0xffff;
	v60 =	vand.u32 $0x380, v36;
	v36 =	vshll.u32 v62, $0x3;
	v10 =	vor.u32 v10, v35  }
0x3a7: {  	v61 =	vand.u32 $0xC00, v36;
	v35 =	vshrl.u32 v62, $0x2;
	v62 =	vand.u32 $0x707F, v62  }
0x3a8: {  	v63 =	vand.u32 $0x380, v35;
	v61 =	vor.u32 v61, v62;
	v62 =	vadd.s32 s26, v49  }
0x3a9: {  	v10 =	vor.u32 v60, v10;
	v60 =	vor.u32 v63, v61;
	v36 =	vshll.u32 v62, $0x3  }
0x3aa: {  	v35 =	vshrl.u32 v62, $0x2;
	v62 =	vand.u32 $0x707F, v62;
	v61 =	vand.u32 $0xC00, v36  }
0x3ab: {  	[tilespmem:s30+$0x11E00] =	vst v1;
	v1 =	vand.u32 $0x380, v35;
	v3 =	vadd.f32 v3, v5;
	v61 =	vor.u32 v61, v62  }
0x3ac: {  	v6 =	vld.idx.msk [tilespmem:v6+s25+$0x0], $0xffff;
	v5 =	vor.u32 v8, v7;
	v62 =	vadd.s32 s26, v50;
	v1 =	vor.u32 v1, v61  }
0x3ad: {  	v2 =	vld.idx.msk [tilespmem:v9+s25+$0x0], $0xffff;
	v36 =	vshll.u32 v62, $0x3;
	v35 =	vshrl.u32 v62, $0x2;
	v62 =	vand.u32 $0x707F, v62  }
0x3ae: {  	v9 =	vand.u32 $0xC00, v36;
	v61 =	vand.u32 $0x380, v35;
	v36 =	vadd.s32 s26, v51  }
0x3af: {  	v10 =	vld.idx.msk [tilespmem:v10+s25+$0x0], $0xffff;
	v9 =	vor.u32 v9, v62;
	v11 =	vshll.u32 v36, $0x3;
	v35 =	vshrl.u32 v36, $0x2  }
0x3b0: {  	v62 =	vand.u32 $0x707F, v36;
	v36 =	vshll.u32 v12, $0x3;
	v11 =	vand.u32 $0xC00, v11  }
0x3b1: {  	v9 =	vor.u32 v61, v9;
	v61 =	vand.u32 $0x380, v35;
	v11 =	vor.u32 v11, v62  }
0x3b2: {  	v60 =	vld.idx.msk [tilespmem:v60+s25+$0x0], $0xffff;
	v2 =	vadd.f32 v2, v6;
	v62 =	vadd.s32 s26, v52;
	v35 =	vor.u32 v61, v11  }
0x3b3: {  	v11 =	vand.u32 $0xC00, v36;
	v36 =	vshrl.u32 v12, $0x2;
	v12 =	vand.u32 $0x707F, v12  }
0x3b4: {  	v1 =	vld.idx.msk [tilespmem:v1+s25+$0x0], $0xffff;
	v61 =	vand.u32 $0x380, v36;
	v11 =	vor.u32 v11, v12;
	v2 =	vadd.f32 v10, v2  }
0x3b5: {  	v10 =	vshrl.u32 v13, $0x2;
	v12 =	vshrl.u32 v62, $0x2;
	v7 =	vor.u32 v61, v11  }
0x3b6: {  	v10 =	vand.u32 $0x380, v10;
	v11 =	vand.u32 $0x707F, v13;
	v8 =	vld.idx.msk [tilespmem:v9+s25+$0x0], $0xffff;
	v9 =	vshll.u32 v13, $0x3  }
0x3b7: {  	v12 =	vand.u32 $0x380, v12;
	v2 =	vadd.f32 v60, v2;
	v9 =	vand.u32 $0xC00, v9  }
0x3b8: {  	v61 =	vadd.s32 s26, v56;
	v13 =	vadd.s32 s26, v53;
	v9 =	vor.u32 v9, v11  }
0x3b9: {  	v6 =	vld.idx.msk [tilespmem:v35+s25+$0x0], $0xffff;
	v11 =	vshll.u32 v4, $0x3;
	v1 =	vadd.f32 v1, v2;
	v35 =	vshrl.u32 v13, $0x2  }
0x3ba: {  	v2 =	vand.u32 $0xC00, v11;
	v11 =	vshrl.u32 v4, $0x2;
	v4 =	vand.u32 $0x707F, v4  }
0x3bb: {  	v11 =	vand.u32 $0x380, v11;
	v2 =	vor.u32 v2, v4;
	v4 =	vor.u32 v10, v9  }
0x3bc: {  	v9 =	vshrl.u32 v59, $0x2;
	v10 =	vshll.u32 v62, $0x3;
	v1 =	vadd.f32 v8, v1  }
0x3bd: {  	v2 =	vor.u32 v11, v2;
	v8 =	vshll.u32 v59, $0x3;
	v9 =	vand.u32 $0x380, v9  }
0x3be: {  	v11 =	vand.u32 $0x707F, v59;
	v10 =	vand.u32 $0xC00, v10;
	v59 =	vand.u32 $0x380, v35  }
0x3bf: {  	v8 =	vand.u32 $0xC00, v8;
	v1 =	vadd.f32 v6, v1;
	v6 =	vand.u32 $0x707F, v62  }
0x3c0: {  	v6 =	vor.u32 v10, v6;
	v10 =	vshll.u32 v13, $0x3;
	v13 =	vand.u32 $0x707F, v13  }
0x3c1: {  	v6 =	vor.u32 v12, v6;
	v10 =	vand.u32 $0xC00, v10;
	v12 =	vadd.s32 s26, v54  }
0x3c2: {  	v1 =	vmul.f32 $1.428571490e-01, v1;
	v36 =	vshll.u32 v12, $0x3;
	v10 =	vor.u32 v10, v13  }
0x3c3: {  	v35 =	vshrl.u32 v12, $0x2;
	v12 =	vand.u32 $0x707F, v12;
	v13 =	vand.u32 $0xC00, v36  }
0x3c4: {  	v36 =	vadd.s32 s26, v55;
	v60 =	vand.u32 $0x380, v35;
	v10 =	vor.u32 v59, v10  }
0x3c5: {  	v12 =	vor.u32 v13, v12;
	v13 =	vshll.u32 v36, $0x3;
	v35 =	vshrl.u32 v36, $0x2  }
0x3c6: {  	v36 =	vand.u32 $0x707F, v36;
	v12 =	vor.u32 v60, v12;
	v13 =	vand.u32 $0xC00, v13  }
0x3c7: {  	v59 =	vand.u32 $0x380, v35;
	v35 =	vshll.u32 v61, $0x3;
	v13 =	vor.u32 v13, v36  }
0x3c8: {  	v60 =	vand.u32 $0xC00, v35;
	v36 =	vshrl.u32 v61, $0x2;
	v61 =	vand.u32 $0x707F, v61  }
0x3c9: {  	[tilespmem:s30+$0x12000] =	vst v1;
	v1 =	vand.u32 $0x380, v36;
	v60 =	vor.u32 v60, v61;
	v61 =	vadd.s32 s26, v57  }
0x3ca: {  	v6 =	vld.idx.msk [tilespmem:v6+s25+$0x0], $0xffff;
	v13 =	vor.u32 v59, v13;
	v1 =	vor.u32 v1, v60;
	v35 =	vshll.u32 v61, $0x3  }
0x3cb: {  	v10 =	vld.idx.msk [tilespmem:v10+s25+$0x0], $0xffff;
	v36 =	vshrl.u32 v61, $0x2;
	v61 =	vand.u32 $0x707F, v61;
	v59 =	vand.u32 $0xC00, v35  }
0x3cc: {  	v5 =	vld.idx.msk [tilespmem:v5+s25+$0x0], $0xffff;
	v60 =	vand.u32 $0x380, v36;
	v59 =	vor.u32 v59, v61;
	v61 =	vadd.s32 s26, v58  }
0x3cd: {  	v8 =	vor.u32 v8, v11;
	v11 =	vld.idx.msk [tilespmem:v12+s25+$0x0], $0xffff;
	v12 =	vor.u32 v60, v59;
	v35 =	vshll.u32 v61, $0x3  }
0x3ce: {  	v7 =	vld.idx.msk [tilespmem:v7+s25+$0x0], $0xffff;
	v36 =	vshrl.u32 v61, $0x2;
	v61 =	vand.u32 $0x707F, v61;
	v59 =	vand.u32 $0xC00, v35  }
0x3cf: {  	v8 =	vor.u32 v9, v8;
	v13 =	vld.idx.msk [tilespmem:v13+s25+$0x0], $0xffff;
	v35 =	vand.u32 $0x380, v36;
	v9 =	vor.u32 v59, v61  }
0x3d0: {  	v4 =	vld.idx.msk [tilespmem:v4+s25+$0x0], $0xffff;
	v6 =	vadd.f32 v10, v6;
	v9 =	vor.u32 v35, v9  }
0x3d1: {  	v3 =	vadd.f32 v5, v3;
	v1 =	vld.idx.msk [tilespmem:v1+s25+$0x0], $0xffff  }
0x3d2: {  	v2 =	vld.idx.msk [tilespmem:v2+s25+$0x0], $0xffff;
	v36 =	vadd.f32 v11, v6  }
0x3d3: {  	v3 =	vadd.f32 v7, v3;
	v6 =	vld.idx.msk [tilespmem:v12+s25+$0x0], $0xffff  }
0x3d4: {  	v35 =	vld.idx.msk [tilespmem:v8+s25+$0x0], $0xffff;
	v5 =	vadd.f32 v13, v36  }
0x3d5: {  	v3 =	vadd.f32 v4, v3;
	v36 =	vld.idx.msk [tilespmem:v9+s25+$0x0], $0xffff  }
0x3d6: {  	v1 =	vadd.f32 v1, v5  }
0x3d7: {  	v63 =	vld [tilespmem:$0x1FFC0];
	v2 =	vadd.f32 v2, v3  }
0x3d8: {  	s22 =	sadd.s32 $0x2, s22;
	v62 =	vld [tilespmem:$0x1FFB0];
	v1 =	vadd.f32 v6, v1  }
0x3d9: {  	p0 =	slt.u32 s22, $0x1E;
	v60 =	vld [tilespmem:$0x1FF90];
	v2 =	vadd.f32 v35, v2  }
.Ltmp1:
0x3da: {  	v61 =	vld [tilespmem:$0x1FFA0];
	v1 =	vadd.f32 v36, v1;
	(pc) =	sbr.rel @p0 .LBB2_5-.Ltmp1, $4  }
0x3db: {  	v10 =	vld [tilespmem:$0x1FFD0];
	v2 =	vmul.f32 $1.428571490e-01, v2  }
0x3dc: {  	v59 =	vld [tilespmem:$0x1FF80];
	v1 =	vmul.f32 $1.428571490e-01, v1  }
0x3dd: {  	v11 =	vld [tilespmem:$0x1FFE0];
	[tilespmem:s28+$0x12200] =	vst v2  }
0x3de: {  	s23 =	sadd.s32 $0x20, s23;
	s24 =	sadd.s32 $0x20, s24;
	v14 =	vmov v15;
	s26 =	sadd.s32 $0xE0, s26;
	v12 =	vmov v16;
	v13 =	vld [tilespmem:$0x1FFF0];
	[tilespmem:s30+$0x12200] =	vst v1  }
0x3df: {  	v1 =	vld [tilespmem:s20+$0xA8];
	_ =	sdelay $0x2  }
0x3e0: {  	v3 =	vld [tilespmem:$0x1FDF0];
	_ =	sdelay $0x1  }
0x3e1: {  	v4 =	vld [tilespmem:$0x1FE00];
	v2 =	vshll.u32 v1, $0x2  }
0x3e2: {  	v1 =	vand.u32 $0x7, v1;
	v2 =	vand.u32 $0xFFFFFFE0, v2  }
0x3e3: {  	v5 =	vld [tilespmem:$0x1FE10];
	v1 =	vor.u32 v1, v2  }
0x3e4: {  	v2 =	vperm.xlane v1, v3;
	_ =	sdelay $0x1  }
0x3e5: {  	v2 =	vadd.s32 v4, v2;
	_ =	sdelay $0x1  }
0x3e6: {  	v1 =	vperm.xlane v1, v5;
	_ =	sdelay $0x1  }
0x3e7: {  	v1 =	vadd.s32 v4, v1  }
0x3e8: {  	[tilespmem:s25], [sflag:$0x2] =	stream.indirect_vreg.gather [hbm4b:s1+s3], $0x80, v2, vm0, $0xb8;
	[tilespmem:$0x12400] =	vst v63  }
0x3e9: {  	s22 =	simm.s32 $0x9C00  }
0x3ea: {  	[tilespmem:s22], [sflag:$0x2] =	stream.indirect_vreg.gather [hbm4b:s7+s3], $0x80, v2, vm0, $0xb8;
	[tilespmem:$0x12400] =	vst v63  }
0x3eb: {  	s24 =	simm.s32 $0xA400  }
0x3ec: {  	[tilespmem:s24], [sflag:$0x2] =	stream.indirect_vreg.gather [hbm4b:s1+s3], $0x80, v1, vm0, $0xb8;
	[tilespmem:$0x12400] =	vst v63  }
0x3ed: {  	s26 =	simm.s32 $0xAC00  }
0x3ee: {  	[tilespmem:s26], [sflag:$0x2] =	stream.indirect_vreg.gather [hbm4b:s7+s3], $0x80, v1, vm0, $0xb8;
	[tilespmem:$0x12400] =	vst v63  }
0x3ef: {  	v1 =	vld [tilespmem:s20+$0xB8];
	_ =	sdelay $0x4  }
0x3f0: {  	v2 =	vshll.u32 v1, $0x2  }
0x3f1: {  	v1 =	vand.u32 $0x7, v1;
	v2 =	vand.u32 $0xFFFFFFE0, v2  }
0x3f2: {  	v1 =	vor.u32 v1, v2  }
0x3f3: {  	v2 =	vperm.xlane v1, v3;
	_ =	sdelay $0x1  }
0x3f4: {  	v2 =	vadd.s32 v4, v2;
	_ =	sdelay $0x1  }
0x3f5: {  	v1 =	vperm.xlane v1, v5;
	_ =	sdelay $0x1  }
0x3f6: {  	s28 =	simm.s32 $0xB400;
	v1 =	vadd.s32 v4, v1  }
0x3f7: {  	[tilespmem:s28], [sflag:$0x2] =	stream.indirect_vreg.gather [hbm4b:s1+s3], $0x80, v2, vm0, $0xb8;
	[tilespmem:$0x12400] =	vst v63  }
0x3f8: {  	_ = 	snop  }
0x3f9: {  	[tilespmem:s31], [sflag:$0x2] =	stream.indirect_vreg.gather [hbm4b:s7+s3], $0x80, v2, vm0, $0xb8;
	[tilespmem:$0x12400] =	vst v63  }
0x3fa: {  	_ = 	snop  }
0x3fb: {  	[tilespmem:s2], [sflag:$0x2] =	stream.indirect_vreg.gather [hbm4b:s1+s3], $0x80, v1, vm0, $0xb8;
	[tilespmem:$0x12400] =	vst v63  }
0x3fc: {  	_ = 	snop  }
0x3fd: {  	[tilespmem:s0], [sflag:$0x2] =	stream.indirect_vreg.gather [hbm4b:s7+s3], $0x80, v1, vm0, $0xb8;
	[tilespmem:$0x12400] =	vst v63  }
0x3fe: {  	v1 =	vld [tilespmem:s20+$0xC8];
	_ =	sdelay $0x4  }
0x3ff: {  	v2 =	vshll.u32 v1, $0x2  }
0x400: {  	v1 =	vand.u32 $0x7, v1;
	v2 =	vand.u32 $0xFFFFFFE0, v2  }
0x401: {  	v1 =	vor.u32 v1, v2  }
0x402: {  	v2 =	vperm.xlane v1, v3;
	_ =	sdelay $0x1  }
0x403: {  	v2 =	vadd.s32 v4, v2;
	_ =	sdelay $0x1  }
0x404: {  	v1 =	vperm.xlane v1, v5;
	_ =	sdelay $0x1  }
0x405: {  	v1 =	vadd.s32 v4, v1  }
0x406: {  	[tilespmem:s6], [sflag:$0x2] =	stream.indirect_vreg.gather [hbm4b:s1+s3], $0x80, v2, vm0, $0xb8;
	[tilespmem:$0x12400] =	vst v63  }
0x407: {  	_ = 	snop  }
0x408: {  	[tilespmem:s9], [sflag:$0x2] =	stream.indirect_vreg.gather [hbm4b:s7+s3], $0x80, v2, vm0, $0xb8;
	[tilespmem:$0x12400] =	vst v63  }
0x409: {  	_ = 	snop  }
0x40a: {  	[tilespmem:s10], [sflag:$0x2] =	stream.indirect_vreg.gather [hbm4b:s1+s3], $0x80, v1, vm0, $0xb8;
	[tilespmem:$0x12400] =	vst v63  }
0x40b: {  	_ = 	snop  }
0x40c: {  	[tilespmem:s12], [sflag:$0x2] =	stream.indirect_vreg.gather [hbm4b:s7+s3], $0x80, v1, vm0, $0xb8;
	[tilespmem:$0x12400] =	vst v63  }
0x40d: {  	v1 =	vld.msk [tilespmem:s20+$0xD8], $0xff;
	_ =	sdelay $0x4  }
0x40e: {  	v2 =	vshll.u32 v1, $0x2  }
0x40f: {  	v1 =	vand.u32 $0x7, v1;
	v2 =	vand.u32 $0xFFFFFFE0, v2  }
0x410: {  	v1 =	vor.u32 v1, v2  }
0x411: {  	v1 =	vperm.xlane v1, v3;
	_ =	sdelay $0x1  }
0x412: {  	v1 =	vadd.s32 v4, v1;
	_ =	sdelay $0x2  }
0x413: {  	s29 =	sadd.s32 s21, s8  }
0x414: {  	s20 =	sshll.u32 s29, $0x9  }
0x415: {  	[tilespmem:s13], [sflag:$0x2] =	stream.indirect_vreg.gather [hbm4b:s1+s3], $0x80, v1, vm0, $0xb8;
	[tilespmem:$0x12400] =	vst v63  }
0x416: {  	s20 =	sand.u32 $0x1FFFFE00, s20  }
0x417: {  	[tilespmem:s14], [sflag:$0x2] =	stream.indirect_vreg.gather [hbm4b:s7+s3], $0x80, v1, vm0, $0xb8;
	[tilespmem:$0x12400] =	vst v63  }
0x418: {  	s30 =	simm.s32 $0x11400;
	s19 =	sadd.s32 $0x1, s19;
	s20 =	sadd.s32 s5, s20  }
0x419: {  	[hbm4b:s20+s3] =	stream.linear.scatter [tilespmem:s30], [sflag:$0x4], $0x1000, $0x38;
	[tilespmem:$0x12400] =	vst v63  }
0x41a: {  	p0 =	sne.s32 s19, $0x51;
	_ =	swait.ge [sflag:s17], $0x1000  }
.Ltmp2:
0x41b: {  	[sflag:s17] =	ssyncset.done $0x0;
	(pc) =	sbr.rel @p0 .LBB2_2-.Ltmp2, $4  }
0x41c: {  	[sflag:s17] =	ssyncadd.s32 $0xFFFFF000  }
0x41d: {  	_ =	swait.ge [sflag:s18], $0x1000  }
0x41e: {  	[sflag:s18] =	ssyncset.done $0x0  }
0x41f: {  	[sflag:s18] =	ssyncadd.s32 $0xFFFFF000  }
0x420: {  	s20 =	rddreg [dreg:$0x6]  }
0x421: {  	s19 =	rddreg [dreg:$0x5];
	s20 =	sadd.s32 $0x1, s20  }
0x422: {  	p0 =	sne.s32 s20, s19  }
.Ltmp3:
0x423: {  	_ = 	snop;
	(pc) =	sbr.rel @p0 .LBB2_1-.Ltmp3, $1  }
0x424: {  	_ =	sdelay $0x3  }
0x425: {  	_ =	sfence.sel $0x180000  }
0x426: {  	[bflag:$0x0] =	sbarrier.arrive $0xFFFF  }
0x427: {  	_ =	strace $0x90000047  }
0x428: {  	s0 =	stileid.u32;
	[bflag:$0x2] =	sbarrier.arrive $0xFFFF  }
0x429: {  	p0 =	sne.s32 s0, $0x0;
	s0 =	rddreg [dreg:$0x3]  }
0x42a: {  	s0 =	sadd.s32 @!p0 $0x100000, s0  }
0x42b: {  	[sflag:s0] =	ssyncadd.tile.s32 @!p0 $0x1;
	_ =	shalt  }
.Lfunc_end2:
_tile_overlayer_lowered:
.L_overlay_start_2:
0x42c: {  	(tag) =	ssettag $0x2  }
0x42d: {  	s0 =	rddreg [dreg:$0x0];
	s2 =	stileid.u32  }
0x42e: {  	s1 =	rddreg [dreg:$0x1];
	p0 =	sne.s32 s2, $0x0  }
0x42f: {  	s3 =	rddreg [dreg:$0x2];
	[bflag:$0x3] =	sbarrier.arrive $0xFFFF;
	s2 =	simm.s32 @!p0 $0x1C05  }
0x430: {  	[timem:s3], [sflag:s2] =	dma.local @!p0 [hbm:s0], s1  }
0x431: {  	s0 =	simm.s32 @!p0 $0x5  }
0x432: {  	_ =	swait.ge @!p0 [sflag:s0], s1  }
0x433: {  	s1 =	ssub.s32 @!p0 $0x0, s1;
	[sflag:s0] =	ssyncset.done @!p0 $0x0  }
0x434: {  	[sflag:s0] =	ssyncadd.s32 @!p0 s1  }
0x435: {  	[bflag:$0x3] =	sbarrier.arrive $0xFFFF  }
0x436: {  	_ =	shalt  }

</sc_bundles>
